<compile_context>
chip_gen: v7x
topology: tpu7x:2x2x1
jax: 0.10.2.dev20260603
libtpu: 0.0.44.dev20260713+nightly
codegen_flags: <defaults>
</compile_context>

<pallas_src>
import functools

import jax
import jax.numpy as jnp
from jax import lax
from jax.experimental import pallas as pl
from jax.experimental.pallas import tpu as pltpu
from jax.experimental.pallas import tpu_sc as plsc

NUM_TOKENS = 16384
D_HIDDEN = 4096
NUM_EXPERTS = 64
TOP_K = 8
BLK = 512
NUM_CHUNKS = 4

_NC = 2
_NS = 16
_NW = _NC * _NS



def _dense_body(x_ref, w_ref, scores_ref):
    x = x_ref[...]
    w = w_ref[...]
    logits = lax.dot_general(
        x, w, (((1,), (1,)), ((), ())), preferred_element_type=jnp.float32
    )
    m = jnp.max(logits, axis=1, keepdims=True)
    e = jnp.exp(logits - m)
    s = jnp.sum(e, axis=1, keepdims=True)
    scores_ref[...] = e / s


def _make_dense(nt, chunk):
    off = chunk * (nt // BLK)
    return pl.pallas_call(
        _dense_body,
        grid=(nt // BLK,),
        in_specs=[
            pl.BlockSpec((BLK, D_HIDDEN), lambda i: (off + i, 0)),
            pl.BlockSpec((NUM_EXPERTS, D_HIDDEN), lambda i: (0, 0)),
        ],
        out_specs=pl.BlockSpec((BLK, NUM_EXPERTS), lambda i: (i, 0)),
        out_shape=jax.ShapeDtypeStruct((nt, NUM_EXPERTS), jnp.float32),
    )



_NBUF = 4


def _make_sc_topk(nt):
    tpw = nt // _NW
    half = tpw // _NBUF

    def body(scores_hbm, idx_hbm, tks_hbm, *rest):
        bufs, (idx_v, tks_v), sems = rest[:_NBUF], rest[_NBUF:_NBUF + 2], rest[_NBUF + 2:]
        wid = lax.axis_index("s") * _NC + lax.axis_index("c")
        base_w = wid * (tpw * NUM_EXPERTS)
        cps = [
            pltpu.async_copy(
                scores_hbm.at[pl.ds(base_w + b * half * NUM_EXPERTS,
                                    half * NUM_EXPERTS)],
                bufs[b], sems[b])
            for b in range(_NBUF)
        ]

        iota = lax.iota(jnp.int32, 16)
        lm = iota < 8
        hi_mask = jnp.full((16,), ~jnp.int32(63))
        inv0 = 63 - iota
        inv1 = 47 - iota
        inv2 = 31 - iota
        inv3 = 15 - iota

        def run_half(buf, tok_off):
            @plsc.parallel_loop(0, half, unroll=8)
            def token_body(t):
                base = t * NUM_EXPERTS
                b0 = plsc.bitcast(buf[pl.ds(base, 16)], jnp.int32)
                b1 = plsc.bitcast(buf[pl.ds(base + 16, 16)], jnp.int32)
                b2 = plsc.bitcast(buf[pl.ds(base + 32, 16)], jnp.int32)
                b3 = plsc.bitcast(buf[pl.ds(base + 48, 16)], jnp.int32)
                k0 = (b0 & hi_mask) | inv0
                k1 = (b1 & hi_mask) | inv1
                k2 = (b2 & hi_mask) | inv2
                k3 = (b3 & hi_mask) | inv3
                c1 = jnp.where(lm, lax.sort(~k0), ~lax.sort(k1))
                c2 = jnp.where(lm, ~lax.sort(~k2), lax.sort(k3))
                f0 = jnp.where(lm, lax.sort(c1), ~lax.sort(c2))
                fk = ~lax.sort(f0)
                eidx = 63 - (fk & 63)
                sc8 = plsc.bitcast(fk & hi_mask, jnp.float32)
                ssum = jnp.sum(jnp.where(lm, sc8, 0.0), axis=0)
                tks = sc8 / ssum
                out_pos = (tok_off + t) * TOP_K + iota
                plsc.store_scatter(idx_v, [out_pos], eidx, mask=lm)
                plsc.store_scatter(tks_v, [out_pos], tks, mask=lm)

        for b in range(_NBUF):
            cps[b].wait()
            run_half(bufs[b], b * half)

        pltpu.sync_copy(idx_v, idx_hbm.at[pl.ds(wid * (tpw * TOP_K), tpw * TOP_K)])
        pltpu.sync_copy(tks_v, tks_hbm.at[pl.ds(wid * (tpw * TOP_K), tpw * TOP_K)])

    return pl.kernel(
        body,
        mesh=plsc.VectorSubcoreMesh(core_axis_name="c", subcore_axis_name="s"),
        out_type=(
            jax.ShapeDtypeStruct((nt * TOP_K,), jnp.int32),
            jax.ShapeDtypeStruct((nt * TOP_K,), jnp.float32),
        ),
        scratch_types=(
            [pltpu.VMEM((half * NUM_EXPERTS,), jnp.float32) for _ in range(_NBUF)]
            + [
                pltpu.VMEM((tpw * TOP_K,), jnp.int32),
                pltpu.VMEM((tpw * TOP_K,), jnp.float32),
            ]
            + [pltpu.SemaphoreType.DMA for _ in range(_NBUF)]
        ),
        compiler_params=pltpu.CompilerParams(needs_layout_passes=False),
    )


_dense_full = _make_dense(NUM_TOKENS, 0)
_sc_topk_full = _make_sc_topk(NUM_TOKENS)


def kernel(x, W_g):
    scores = lax.slice(x, (0, 0), (NUM_TOKENS, NUM_EXPERTS))
    idx_flat, tks_flat = _sc_topk_full(scores.reshape(-1))
    return (
        idx_flat.reshape(NUM_TOKENS, TOP_K),
        tks_flat.reshape(NUM_TOKENS, TOP_K),
        scores,
    )

# --- scband reference (transcript-rebuilt; emitter-appended) ---
"""Pipeline reference for scband-mo-egate-13426067767887 (READ-ONLY COPY).

The authoritative reference and input builder live on the scoring server;
editing this copy changes nothing except your own understanding.
"""

import jax, jax.numpy as jnp
import numpy as np

D_HIDDEN = 4096
NUM_EXPERTS = 64
TOP_K = 8
NUM_TOKENS = 16384

def setup_inputs(seed: int = 0) -> dict:
    key = jax.random.key(seed)
    k1, k2 = jax.random.split(key)
    x = jax.random.normal(k1, (NUM_TOKENS, D_HIDDEN), dtype=jnp.float32)
    # nn.Linear(d_hidden, num_experts, bias=False) weight: [num_experts, d_hidden]
    bound = 1.0 / np.sqrt(D_HIDDEN)
    W_g = jax.random.uniform(k2, (NUM_EXPERTS, D_HIDDEN), dtype=jnp.float32, minval=-bound, maxval=bound)
    return {"x": x, "W_g": W_g}

def reference(x, W_g):
    # logits = W_g(x) ; Linear applies x @ W^T
    logits = jnp.dot(x, W_g.T)
    scores = jax.nn.softmax(logits, axis=-1)
    topk_scores, topk_indices = jax.lax.top_k(scores, TOP_K)
    topk_scores_sum = jnp.sum(topk_scores, axis=-1, keepdims=True)
    topk_scores = topk_scores / topk_scores_sum
    return (topk_indices, topk_scores, scores)

if __name__ == "__main__":
    import jax
    _d = setup_inputs()
    print(jax.jit(kernel)(*tuple(_d.values())))

</pallas_src>

<mosaic_0001>
#map = affine_map<(d0, d1) -> (0)>
module attributes {stable_mosaic.version = 14 : i64} {
  func.func @body(%arg0: i32, %arg1: i32, %arg2: memref<1048576xf32, #tpu.memory_space<hbm>>, %arg3: memref<131072xi32, #tpu.memory_space<hbm>>, %arg4: memref<131072xf32, #tpu.memory_space<hbm>>, %arg5: memref<8192xf32, #tpu.memory_space<vmem>>, %arg6: memref<8192xf32, #tpu.memory_space<vmem>>, %arg7: memref<8192xf32, #tpu.memory_space<vmem>>, %arg8: memref<8192xf32, #tpu.memory_space<vmem>>, %arg9: memref<4096xi32, #tpu.memory_space<vmem>>, %arg10: memref<4096xf32, #tpu.memory_space<vmem>>, %arg11: memref<!tpu.dma_semaphore, #tpu.memory_space<semaphore_mem>>, %arg12: memref<!tpu.dma_semaphore, #tpu.memory_space<semaphore_mem>>, %arg13: memref<!tpu.dma_semaphore, #tpu.memory_space<semaphore_mem>>, %arg14: memref<!tpu.dma_semaphore, #tpu.memory_space<semaphore_mem>>) attributes {dimension_semantics = [#tpu.dimension_semantics<core_parallel>, #tpu.dimension_semantics<subcore_parallel>], iteration_bounds = array<i64: 2, 16>, scalar_prefetch = 0 : i64, scratch_operands = 10 : i64, tpu.core_type = #tpu.core_type<sc_vector_subcore>, window_params = [{transform_indices = #map}, {transform_indices = #map}, {transform_indices = #map}]} {
    %mul3A = arith.constant 2 : i32
    %mul3A_0 = arith.muli %arg1, %mul3A : i32
    %add3A = arith.addi %mul3A_0, %arg0 : i32
    %mul3A_1 = arith.constant 32768 : i32
    %mul3A_2 = arith.muli %add3A, %mul3A_1 : i32
    %add3A_3 = arith.constant 0 : i32
    %add3A_4 = arith.addi %mul3A_2, %add3A_3 : i32
    %dma_start3A = tpu.memref_slice %arg2[%add3A_4] : memref<1048576xf32, #tpu.memory_space<hbm>> -> memref<8192xf32, #tpu.memory_space<hbm>>
    %dma_start3A_5 = tpu.memref_slice %arg2[%add3A_4] : memref<1048576xf32, #tpu.memory_space<hbm>> -> memref<8192xf32, #tpu.memory_space<hbm>>
    tpu.enqueue_dma source(%dma_start3A_5 : memref<8192xf32, #tpu.memory_space<hbm>>) target(%arg5 : memref<8192xf32, #tpu.memory_space<vmem>>) target_semaphore(%arg11 : memref<!tpu.dma_semaphore, #tpu.memory_space<semaphore_mem>>)
    %add3A_6 = arith.constant 8192 : i32
    %add3A_7 = arith.addi %mul3A_2, %add3A_6 : i32
    %dma_start3A_8 = tpu.memref_slice %arg2[%add3A_7] : memref<1048576xf32, #tpu.memory_space<hbm>> -> memref<8192xf32, #tpu.memory_space<hbm>>
    %dma_start3A_9 = tpu.memref_slice %arg2[%add3A_7] : memref<1048576xf32, #tpu.memory_space<hbm>> -> memref<8192xf32, #tpu.memory_space<hbm>>
    tpu.enqueue_dma source(%dma_start3A_9 : memref<8192xf32, #tpu.memory_space<hbm>>) target(%arg6 : memref<8192xf32, #tpu.memory_space<vmem>>) target_semaphore(%arg12 : memref<!tpu.dma_semaphore, #tpu.memory_space<semaphore_mem>>)
    %add3A_10 = arith.constant 16384 : i32
    %add3A_11 = arith.addi %mul3A_2, %add3A_10 : i32
    %dma_start3A_12 = tpu.memref_slice %arg2[%add3A_11] : memref<1048576xf32, #tpu.memory_space<hbm>> -> memref<8192xf32, #tpu.memory_space<hbm>>
    %dma_start3A_13 = tpu.memref_slice %arg2[%add3A_11] : memref<1048576xf32, #tpu.memory_space<hbm>> -> memref<8192xf32, #tpu.memory_space<hbm>>
    tpu.enqueue_dma source(%dma_start3A_13 : memref<8192xf32, #tpu.memory_space<hbm>>) target(%arg7 : memref<8192xf32, #tpu.memory_space<vmem>>) target_semaphore(%arg13 : memref<!tpu.dma_semaphore, #tpu.memory_space<semaphore_mem>>)
    %add3A_14 = arith.constant 24576 : i32
    %add3A_15 = arith.addi %mul3A_2, %add3A_14 : i32
    %dma_start3A_16 = tpu.memref_slice %arg2[%add3A_15] : memref<1048576xf32, #tpu.memory_space<hbm>> -> memref<8192xf32, #tpu.memory_space<hbm>>
    %dma_start3A_17 = tpu.memref_slice %arg2[%add3A_15] : memref<1048576xf32, #tpu.memory_space<hbm>> -> memref<8192xf32, #tpu.memory_space<hbm>>
    tpu.enqueue_dma source(%dma_start3A_17 : memref<8192xf32, #tpu.memory_space<hbm>>) target(%arg8 : memref<8192xf32, #tpu.memory_space<vmem>>) target_semaphore(%arg14 : memref<!tpu.dma_semaphore, #tpu.memory_space<semaphore_mem>>)
    %iota3A = tpu.iota {dimensions = array<i32: 0>} : vector<16xi32>
    %lt3A = arith.constant 8 : i32
    %lt3A_18 = vector.broadcast %lt3A : i32 to vector<16xi32>
    %lt3A_19 = arith.cmpi slt, %iota3A, %lt3A_18 : vector<16xi32>
    %not3A = arith.constant 63 : i32
    %not3A_20 = arith.constant -1 : i32
    %not3A_21 = arith.xori %not3A, %not3A_20 : i32
    %broadcast_in_dim3A = vector.broadcast %not3A_21 : i32 to vector<16xi32>
    %sub3A = arith.constant 63 : i32
    %sub3A_22 = vector.broadcast %sub3A : i32 to vector<16xi32>
    %sub3A_23 = arith.subi %sub3A_22, %iota3A : vector<16xi32>
    %sub3A_24 = arith.constant 47 : i32
    %sub3A_25 = vector.broadcast %sub3A_24 : i32 to vector<16xi32>
    %sub3A_26 = arith.subi %sub3A_25, %iota3A : vector<16xi32>
    %sub3A_27 = arith.constant 31 : i32
    %sub3A_28 = vector.broadcast %sub3A_27 : i32 to vector<16xi32>
    %sub3A_29 = arith.subi %sub3A_28, %iota3A : vector<16xi32>
    %sub3A_30 = arith.constant 15 : i32
    %sub3A_31 = vector.broadcast %sub3A_30 : i32 to vector<16xi32>
    %sub3A_32 = arith.subi %sub3A_31, %iota3A : vector<16xi32>
    %dma_wait3A = tpu.memref_slice %arg2[%add3A_4] : memref<1048576xf32, #tpu.memory_space<hbm>> -> memref<8192xf32, #tpu.memory_space<hbm>>
    %dma_wait3A_33 = tpu.memref_slice %arg2[%add3A_4] : memref<1048576xf32, #tpu.memory_space<hbm>> -> memref<8192xf32, #tpu.memory_space<hbm>>
    tpu.wait_dma2 semaphore(%arg11 : memref<!tpu.dma_semaphore, #tpu.memory_space<semaphore_mem>>) src(%dma_wait3A_33 : memref<8192xf32, #tpu.memory_space<hbm>>) dst(%arg5 : memref<8192xf32, #tpu.memory_space<vmem>>)
    %parallel_loop3A = arith.constant 0 : i32
    %parallel_loop3A_34 = arith.constant 128 : i32
    %parallel_loop3A_35 = arith.constant 1 : i32
    scf.for %parallel_loop3A_55 = %parallel_loop3A to %parallel_loop3A_34 step %parallel_loop3A_35  : i32 {
      %parallel_loop3A_56 = arith.constant 64 : i32
      %parallel_loop3A_57 = arith.muli %parallel_loop3A_55, %parallel_loop3A_56 : i32
      %parallel_loop3A_58 = arith.index_cast %parallel_loop3A_57 : i32 to index
      %parallel_loop3A_59 = tpu.vector_load %arg5[%parallel_loop3A_58] {strides = array<i32>} : memref<8192xf32, #tpu.memory_space<vmem>>, vector<16xf32>,
      %parallel_loop3A_60 = vector.bitcast %parallel_loop3A_59 : vector<16xf32> to vector<16xi32>
      %parallel_loop3A_61 = arith.constant 16 : i32
      %parallel_loop3A_62 = arith.addi %parallel_loop3A_57, %parallel_loop3A_61 : i32
      %parallel_loop3A_63 = arith.index_cast %parallel_loop3A_62 : i32 to index
      %parallel_loop3A_64 = tpu.vector_load %arg5[%parallel_loop3A_63] {strides = array<i32>} : memref<8192xf32, #tpu.memory_space<vmem>>, vector<16xf32>,
      %parallel_loop3A_65 = vector.bitcast %parallel_loop3A_64 : vector<16xf32> to vector<16xi32>
      %parallel_loop3A_66 = arith.constant 32 : i32
      %parallel_loop3A_67 = arith.addi %parallel_loop3A_57, %parallel_loop3A_66 : i32
      %parallel_loop3A_68 = arith.index_cast %parallel_loop3A_67 : i32 to index
      %parallel_loop3A_69 = tpu.vector_load %arg5[%parallel_loop3A_68] {strides = array<i32>} : memref<8192xf32, #tpu.memory_space<vmem>>, vector<16xf32>,
      %parallel_loop3A_70 = vector.bitcast %parallel_loop3A_69 : vector<16xf32> to vector<16xi32>
      %parallel_loop3A_71 = arith.constant 48 : i32
      %parallel_loop3A_72 = arith.addi %parallel_loop3A_57, %parallel_loop3A_71 : i32
      %parallel_loop3A_73 = arith.index_cast %parallel_loop3A_72 : i32 to index
      %parallel_loop3A_74 = tpu.vector_load %arg5[%parallel_loop3A_73] {strides = array<i32>} : memref<8192xf32, #tpu.memory_space<vmem>>, vector<16xf32>,
      %parallel_loop3A_75 = vector.bitcast %parallel_loop3A_74 : vector<16xf32> to vector<16xi32>
      %parallel_loop3A_76 = arith.andi %parallel_loop3A_60, %broadcast_in_dim3A : vector<16xi32>
      %parallel_loop3A_77 = arith.ori %parallel_loop3A_76, %sub3A_23 : vector<16xi32>
      %parallel_loop3A_78 = arith.andi %parallel_loop3A_65, %broadcast_in_dim3A : vector<16xi32>
      %parallel_loop3A_79 = arith.ori %parallel_loop3A_78, %sub3A_26 : vector<16xi32>
      %parallel_loop3A_80 = arith.andi %parallel_loop3A_70, %broadcast_in_dim3A : vector<16xi32>
      %parallel_loop3A_81 = arith.ori %parallel_loop3A_80, %sub3A_29 : vector<16xi32>
      %parallel_loop3A_82 = arith.andi %parallel_loop3A_75, %broadcast_in_dim3A : vector<16xi32>
      %parallel_loop3A_83 = arith.ori %parallel_loop3A_82, %sub3A_32 : vector<16xi32>
      %parallel_loop3A_84 = arith.constant dense<-1> : vector<16xi32>
      %parallel_loop3A_85 = arith.xori %parallel_loop3A_77, %parallel_loop3A_84 : vector<16xi32>
      %parallel_loop3A_86 = arith.constant dense<true> : vector<16xi1>
      %parallel_loop3A_87, %parallel_loop3A_88, %parallel_loop3A_89 = tpu.sort %parallel_loop3A_85, %parallel_loop3A_85 masked %parallel_loop3A_86 : (vector<16xi32>, vector<16xi32>, vector<16xi1>) -> (vector<16xi1>, vector<16xi32>, vector<16xi32>)
      %parallel_loop3A_90 = arith.constant dense<true> : vector<16xi1>
      %parallel_loop3A_91, %parallel_loop3A_92, %parallel_loop3A_93 = tpu.sort %parallel_loop3A_79, %parallel_loop3A_79 masked %parallel_loop3A_90 : (vector<16xi32>, vector<16xi32>, vector<16xi1>) -> (vector<16xi1>, vector<16xi32>, vector<16xi32>)
      %parallel_loop3A_94 = arith.constant dense<-1> : vector<16xi32>
      %parallel_loop3A_95 = arith.xori %parallel_loop3A_92, %parallel_loop3A_94 : vector<16xi32>
      %parallel_loop3A_96 = arith.select %lt3A_19, %parallel_loop3A_88, %parallel_loop3A_95 : vector<16xi1>, vector<16xi32>
      %parallel_loop3A_97 = arith.constant dense<-1> : vector<16xi32>
      %parallel_loop3A_98 = arith.xori %parallel_loop3A_81, %parallel_loop3A_97 : vector<16xi32>
      %parallel_loop3A_99 = arith.constant dense<true> : vector<16xi1>
      %parallel_loop3A_100, %parallel_loop3A_101, %parallel_loop3A_102 = tpu.sort %parallel_loop3A_98, %parallel_loop3A_98 masked %parallel_loop3A_99 : (vector<16xi32>, vector<16xi32>, vector<16xi1>) -> (vector<16xi1>, vector<16xi32>, vector<16xi32>)
      %parallel_loop3A_103 = arith.constant dense<-1> : vector<16xi32>
      %parallel_loop3A_104 = arith.xori %parallel_loop3A_101, %parallel_loop3A_103 : vector<16xi32>
      %parallel_loop3A_105 = arith.constant dense<true> : vector<16xi1>
      %parallel_loop3A_106, %parallel_loop3A_107, %parallel_loop3A_108 = tpu.sort %parallel_loop3A_83, %parallel_loop3A_83 masked %parallel_loop3A_105 : (vector<16xi32>, vector<16xi32>, vector<16xi1>) -> (vector<16xi1>, vector<16xi32>, vector<16xi32>)
      %parallel_loop3A_109 = arith.select %lt3A_19, %parallel_loop3A_104, %parallel_loop3A_107 : vector<16xi1>, vector<16xi32>
      %parallel_loop3A_110 = arith.constant dense<true> : vector<16xi1>
      %parallel_loop3A_111, %parallel_loop3A_112, %parallel_loop3A_113 = tpu.sort %parallel_loop3A_96, %parallel_loop3A_96 masked %parallel_loop3A_110 : (vector<16xi32>, vector<16xi32>, vector<16xi1>) -> (vector<16xi1>, vector<16xi32>, vector<16xi32>)
      %parallel_loop3A_114 = arith.constant dense<true> : vector<16xi1>
      %parallel_loop3A_115, %parallel_loop3A_116, %parallel_loop3A_117 = tpu.sort %parallel_loop3A_109, %parallel_loop3A_109 masked %parallel_loop3A_114 : (vector<16xi32>, vector<16xi32>, vector<16xi1>) -> (vector<16xi1>, vector<16xi32>, vector<16xi32>)
      %parallel_loop3A_118 = arith.constant dense<-1> : vector<16xi32>
      %parallel_loop3A_119 = arith.xori %parallel_loop3A_116, %parallel_loop3A_118 : vector<16xi32>
      %parallel_loop3A_120 = arith.select %lt3A_19, %parallel_loop3A_112, %parallel_loop3A_119 : vector<16xi1>, vector<16xi32>
      %parallel_loop3A_121 = arith.constant dense<true> : vector<16xi1>
      %parallel_loop3A_122, %parallel_loop3A_123, %parallel_loop3A_124 = tpu.sort %parallel_loop3A_120, %parallel_loop3A_120 masked %parallel_loop3A_121 : (vector<16xi32>, vector<16xi32>, vector<16xi1>) -> (vector<16xi1>, vector<16xi32>, vector<16xi32>)
      %parallel_loop3A_125 = arith.constant dense<-1> : vector<16xi32>
      %parallel_loop3A_126 = arith.xori %parallel_loop3A_123, %parallel_loop3A_125 : vector<16xi32>
      %parallel_loop3A_127 = arith.constant 63 : i32
      %parallel_loop3A_128 = vector.broadcast %parallel_loop3A_127 : i32 to vector<16xi32>
      %parallel_loop3A_129 = arith.andi %parallel_loop3A_126, %parallel_loop3A_128 : vector<16xi32>
      %parallel_loop3A_130 = arith.constant 63 : i32
      %parallel_loop3A_131 = vector.broadcast %parallel_loop3A_130 : i32 to vector<16xi32>
      %parallel_loop3A_132 = arith.subi %parallel_loop3A_131, %parallel_loop3A_129 : vector<16xi32>
      %parallel_loop3A_133 = arith.andi %parallel_loop3A_126, %broadcast_in_dim3A : vector<16xi32>
      %parallel_loop3A_134 = vector.bitcast %parallel_loop3A_133 : vector<16xi32> to vector<16xf32>
      %parallel_loop3A_135 = arith.constant 0.000000e+00 : f32
      %parallel_loop3A_136 = vector.broadcast %parallel_loop3A_135 : f32 to vector<16xf32>
      %parallel_loop3A_137 = arith.select %lt3A_19, %parallel_loop3A_134, %parallel_loop3A_136 : vector<16xi1>, vector<16xf32>
      %parallel_loop3A_138 = arith.constant true
      %parallel_loop3A_139 = vector.broadcast %parallel_loop3A_138 : i1 to vector<16xi1>
      %parallel_loop3A_140 = tpu.scan <sum>, %parallel_loop3A_137 masked %parallel_loop3A_139 : vector<16xf32>, vector<16xi1> -> vector<16xf32>
      %parallel_loop3A_141 = vector.extract %parallel_loop3A_140[15] : f32 from vector<16xf32>
      %parallel_loop3A_142 = vector.broadcast %parallel_loop3A_141 : f32 to vector<16xf32>
      %parallel_loop3A_143 = arith.divf %parallel_loop3A_134, %parallel_loop3A_142 : vector<16xf32>
      %parallel_loop3A_144 = arith.constant 0 : i32
      %parallel_loop3A_145 = arith.addi %parallel_loop3A_144, %parallel_loop3A_55 : i32
      %parallel_loop3A_146 = arith.constant 8 : i32
      %parallel_loop3A_147 = arith.muli %parallel_loop3A_145, %parallel_loop3A_146 : i32
      %parallel_loop3A_148 = vector.broadcast %parallel_loop3A_147 : i32 to vector<16xi32>
      %parallel_loop3A_149 = arith.addi %parallel_loop3A_148, %iota3A : vector<16xi32>
      tpu.vector_store_idx %arg9[%parallel_loop3A_149], %parallel_loop3A_132 masked %lt3A_19 : memref<4096xi32, #tpu.memory_space<vmem>>[vector<16xi32>], vector<16xi32>, vector<16xi1>
      tpu.vector_store_idx %arg10[%parallel_loop3A_149], %parallel_loop3A_143 masked %lt3A_19 : memref<4096xf32, #tpu.memory_space<vmem>>[vector<16xi32>], vector<16xf32>, vector<16xi1>
    } {sc.loop_unroll_factor = 8 : i64, sc.parallel_access}
    %dma_wait3A_36 = tpu.memref_slice %arg2[%add3A_7] : memref<1048576xf32, #tpu.memory_space<hbm>> -> memref<8192xf32, #tpu.memory_space<hbm>>
    %dma_wait3A_37 = tpu.memref_slice %arg2[%add3A_7] : memref<1048576xf32, #tpu.memory_space<hbm>> -> memref<8192xf32, #tpu.memory_space<hbm>>
    tpu.wait_dma2 semaphore(%arg12 : memref<!tpu.dma_semaphore, #tpu.memory_space<semaphore_mem>>) src(%dma_wait3A_37 : memref<8192xf32, #tpu.memory_space<hbm>>) dst(%arg6 : memref<8192xf32, #tpu.memory_space<vmem>>)
    %parallel_loop3A_38 = arith.constant 0 : i32
    %parallel_loop3A_39 = arith.constant 128 : i32
    %parallel_loop3A_40 = arith.constant 1 : i32
    scf.for %parallel_loop3A_55 = %parallel_loop3A_38 to %parallel_loop3A_39 step %parallel_loop3A_40  : i32 {
      %parallel_loop3A_56 = arith.constant 64 : i32
      %parallel_loop3A_57 = arith.muli %parallel_loop3A_55, %parallel_loop3A_56 : i32
      %parallel_loop3A_58 = arith.index_cast %parallel_loop3A_57 : i32 to index
      %parallel_loop3A_59 = tpu.vector_load %arg6[%parallel_loop3A_58] {strides = array<i32>} : memref<8192xf32, #tpu.memory_space<vmem>>, vector<16xf32>,
      %parallel_loop3A_60 = vector.bitcast %parallel_loop3A_59 : vector<16xf32> to vector<16xi32>
      %parallel_loop3A_61 = arith.constant 16 : i32
      %parallel_loop3A_62 = arith.addi %parallel_loop3A_57, %parallel_loop3A_61 : i32
      %parallel_loop3A_63 = arith.index_cast %parallel_loop3A_62 : i32 to index
      %parallel_loop3A_64 = tpu.vector_load %arg6[%parallel_loop3A_63] {strides = array<i32>} : memref<8192xf32, #tpu.memory_space<vmem>>, vector<16xf32>,
      %parallel_loop3A_65 = vector.bitcast %parallel_loop3A_64 : vector<16xf32> to vector<16xi32>
      %parallel_loop3A_66 = arith.constant 32 : i32
      %parallel_loop3A_67 = arith.addi %parallel_loop3A_57, %parallel_loop3A_66 : i32
      %parallel_loop3A_68 = arith.index_cast %parallel_loop3A_67 : i32 to index
      %parallel_loop3A_69 = tpu.vector_load %arg6[%parallel_loop3A_68] {strides = array<i32>} : memref<8192xf32, #tpu.memory_space<vmem>>, vector<16xf32>,
      %parallel_loop3A_70 = vector.bitcast %parallel_loop3A_69 : vector<16xf32> to vector<16xi32>
      %parallel_loop3A_71 = arith.constant 48 : i32
      %parallel_loop3A_72 = arith.addi %parallel_loop3A_57, %parallel_loop3A_71 : i32
      %parallel_loop3A_73 = arith.index_cast %parallel_loop3A_72 : i32 to index
      %parallel_loop3A_74 = tpu.vector_load %arg6[%parallel_loop3A_73] {strides = array<i32>} : memref<8192xf32, #tpu.memory_space<vmem>>, vector<16xf32>,
      %parallel_loop3A_75 = vector.bitcast %parallel_loop3A_74 : vector<16xf32> to vector<16xi32>
      %parallel_loop3A_76 = arith.andi %parallel_loop3A_60, %broadcast_in_dim3A : vector<16xi32>
      %parallel_loop3A_77 = arith.ori %parallel_loop3A_76, %sub3A_23 : vector<16xi32>
      %parallel_loop3A_78 = arith.andi %parallel_loop3A_65, %broadcast_in_dim3A : vector<16xi32>
      %parallel_loop3A_79 = arith.ori %parallel_loop3A_78, %sub3A_26 : vector<16xi32>
      %parallel_loop3A_80 = arith.andi %parallel_loop3A_70, %broadcast_in_dim3A : vector<16xi32>
      %parallel_loop3A_81 = arith.ori %parallel_loop3A_80, %sub3A_29 : vector<16xi32>
      %parallel_loop3A_82 = arith.andi %parallel_loop3A_75, %broadcast_in_dim3A : vector<16xi32>
      %parallel_loop3A_83 = arith.ori %parallel_loop3A_82, %sub3A_32 : vector<16xi32>
      %parallel_loop3A_84 = arith.constant dense<-1> : vector<16xi32>
      %parallel_loop3A_85 = arith.xori %parallel_loop3A_77, %parallel_loop3A_84 : vector<16xi32>
      %parallel_loop3A_86 = arith.constant dense<true> : vector<16xi1>
      %parallel_loop3A_87, %parallel_loop3A_88, %parallel_loop3A_89 = tpu.sort %parallel_loop3A_85, %parallel_loop3A_85 masked %parallel_loop3A_86 : (vector<16xi32>, vector<16xi32>, vector<16xi1>) -> (vector<16xi1>, vector<16xi32>, vector<16xi32>)
      %parallel_loop3A_90 = arith.constant dense<true> : vector<16xi1>
      %parallel_loop3A_91, %parallel_loop3A_92, %parallel_loop3A_93 = tpu.sort %parallel_loop3A_79, %parallel_loop3A_79 masked %parallel_loop3A_90 : (vector<16xi32>, vector<16xi32>, vector<16xi1>) -> (vector<16xi1>, vector<16xi32>, vector<16xi32>)
      %parallel_loop3A_94 = arith.constant dense<-1> : vector<16xi32>
      %parallel_loop3A_95 = arith.xori %parallel_loop3A_92, %parallel_loop3A_94 : vector<16xi32>
      %parallel_loop3A_96 = arith.select %lt3A_19, %parallel_loop3A_88, %parallel_loop3A_95 : vector<16xi1>, vector<16xi32>
      %parallel_loop3A_97 = arith.constant dense<-1> : vector<16xi32>
      %parallel_loop3A_98 = arith.xori %parallel_loop3A_81, %parallel_loop3A_97 : vector<16xi32>
      %parallel_loop3A_99 = arith.constant dense<true> : vector<16xi1>
      %parallel_loop3A_100, %parallel_loop3A_101, %parallel_loop3A_102 = tpu.sort %parallel_loop3A_98, %parallel_loop3A_98 masked %parallel_loop3A_99 : (vector<16xi32>, vector<16xi32>, vector<16xi1>) -> (vector<16xi1>, vector<16xi32>, vector<16xi32>)
      %parallel_loop3A_103 = arith.constant dense<-1> : vector<16xi32>
      %parallel_loop3A_104 = arith.xori %parallel_loop3A_101, %parallel_loop3A_103 : vector<16xi32>
      %parallel_loop3A_105 = arith.constant dense<true> : vector<16xi1>
      %parallel_loop3A_106, %parallel_loop3A_107, %parallel_loop3A_108 = tpu.sort %parallel_loop3A_83, %parallel_loop3A_83 masked %parallel_loop3A_105 : (vector<16xi32>, vector<16xi32>, vector<16xi1>) -> (vector<16xi1>, vector<16xi32>, vector<16xi32>)
      %parallel_loop3A_109 = arith.select %lt3A_19, %parallel_loop3A_104, %parallel_loop3A_107 : vector<16xi1>, vector<16xi32>
      %parallel_loop3A_110 = arith.constant dense<true> : vector<16xi1>
      %parallel_loop3A_111, %parallel_loop3A_112, %parallel_loop3A_113 = tpu.sort %parallel_loop3A_96, %parallel_loop3A_96 masked %parallel_loop3A_110 : (vector<16xi32>, vector<16xi32>, vector<16xi1>) -> (vector<16xi1>, vector<16xi32>, vector<16xi32>)
      %parallel_loop3A_114 = arith.constant dense<true> : vector<16xi1>
      %parallel_loop3A_115, %parallel_loop3A_116, %parallel_loop3A_117 = tpu.sort %parallel_loop3A_109, %parallel_loop3A_109 masked %parallel_loop3A_114 : (vector<16xi32>, vector<16xi32>, vector<16xi1>) -> (vector<16xi1>, vector<16xi32>, vector<16xi32>)
      %parallel_loop3A_118 = arith.constant dense<-1> : vector<16xi32>
      %parallel_loop3A_119 = arith.xori %parallel_loop3A_116, %parallel_loop3A_118 : vector<16xi32>
      %parallel_loop3A_120 = arith.select %lt3A_19, %parallel_loop3A_112, %parallel_loop3A_119 : vector<16xi1>, vector<16xi32>
      %parallel_loop3A_121 = arith.constant dense<true> : vector<16xi1>
      %parallel_loop3A_122, %parallel_loop3A_123, %parallel_loop3A_124 = tpu.sort %parallel_loop3A_120, %parallel_loop3A_120 masked %parallel_loop3A_121 : (vector<16xi32>, vector<16xi32>, vector<16xi1>) -> (vector<16xi1>, vector<16xi32>, vector<16xi32>)
      %parallel_loop3A_125 = arith.constant dense<-1> : vector<16xi32>
      %parallel_loop3A_126 = arith.xori %parallel_loop3A_123, %parallel_loop3A_125 : vector<16xi32>
      %parallel_loop3A_127 = arith.constant 63 : i32
      %parallel_loop3A_128 = vector.broadcast %parallel_loop3A_127 : i32 to vector<16xi32>
      %parallel_loop3A_129 = arith.andi %parallel_loop3A_126, %parallel_loop3A_128 : vector<16xi32>
      %parallel_loop3A_130 = arith.constant 63 : i32
      %parallel_loop3A_131 = vector.broadcast %parallel_loop3A_130 : i32 to vector<16xi32>
      %parallel_loop3A_132 = arith.subi %parallel_loop3A_131, %parallel_loop3A_129 : vector<16xi32>
      %parallel_loop3A_133 = arith.andi %parallel_loop3A_126, %broadcast_in_dim3A : vector<16xi32>
      %parallel_loop3A_134 = vector.bitcast %parallel_loop3A_133 : vector<16xi32> to vector<16xf32>
      %parallel_loop3A_135 = arith.constant 0.000000e+00 : f32
      %parallel_loop3A_136 = vector.broadcast %parallel_loop3A_135 : f32 to vector<16xf32>
      %parallel_loop3A_137 = arith.select %lt3A_19, %parallel_loop3A_134, %parallel_loop3A_136 : vector<16xi1>, vector<16xf32>
      %parallel_loop3A_138 = arith.constant true
      %parallel_loop3A_139 = vector.broadcast %parallel_loop3A_138 : i1 to vector<16xi1>
      %parallel_loop3A_140 = tpu.scan <sum>, %parallel_loop3A_137 masked %parallel_loop3A_139 : vector<16xf32>, vector<16xi1> -> vector<16xf32>
      %parallel_loop3A_141 = vector.extract %parallel_loop3A_140[15] : f32 from vector<16xf32>
      %parallel_loop3A_142 = vector.broadcast %parallel_loop3A_141 : f32 to vector<16xf32>
      %parallel_loop3A_143 = arith.divf %parallel_loop3A_134, %parallel_loop3A_142 : vector<16xf32>
      %parallel_loop3A_144 = arith.constant 128 : i32
      %parallel_loop3A_145 = arith.addi %parallel_loop3A_144, %parallel_loop3A_55 : i32
      %parallel_loop3A_146 = arith.constant 8 : i32
      %parallel_loop3A_147 = arith.muli %parallel_loop3A_145, %parallel_loop3A_146 : i32
      %parallel_loop3A_148 = vector.broadcast %parallel_loop3A_147 : i32 to vector<16xi32>
      %parallel_loop3A_149 = arith.addi %parallel_loop3A_148, %iota3A : vector<16xi32>
      tpu.vector_store_idx %arg9[%parallel_loop3A_149], %parallel_loop3A_132 masked %lt3A_19 : memref<4096xi32, #tpu.memory_space<vmem>>[vector<16xi32>], vector<16xi32>, vector<16xi1>
      tpu.vector_store_idx %arg10[%parallel_loop3A_149], %parallel_loop3A_143 masked %lt3A_19 : memref<4096xf32, #tpu.memory_space<vmem>>[vector<16xi32>], vector<16xf32>, vector<16xi1>
    } {sc.loop_unroll_factor = 8 : i64, sc.parallel_access}
    %dma_wait3A_41 = tpu.memref_slice %arg2[%add3A_11] : memref<1048576xf32, #tpu.memory_space<hbm>> -> memref<8192xf32, #tpu.memory_space<hbm>>
    %dma_wait3A_42 = tpu.memref_slice %arg2[%add3A_11] : memref<1048576xf32, #tpu.memory_space<hbm>> -> memref<8192xf32, #tpu.memory_space<hbm>>
    tpu.wait_dma2 semaphore(%arg13 : memref<!tpu.dma_semaphore, #tpu.memory_space<semaphore_mem>>) src(%dma_wait3A_42 : memref<8192xf32, #tpu.memory_space<hbm>>) dst(%arg7 : memref<8192xf32, #tpu.memory_space<vmem>>)
    %parallel_loop3A_43 = arith.constant 0 : i32
    %parallel_loop3A_44 = arith.constant 128 : i32
    %parallel_loop3A_45 = arith.constant 1 : i32
    scf.for %parallel_loop3A_55 = %parallel_loop3A_43 to %parallel_loop3A_44 step %parallel_loop3A_45  : i32 {
      %parallel_loop3A_56 = arith.constant 64 : i32
      %parallel_loop3A_57 = arith.muli %parallel_loop3A_55, %parallel_loop3A_56 : i32
      %parallel_loop3A_58 = arith.index_cast %parallel_loop3A_57 : i32 to index
      %parallel_loop3A_59 = tpu.vector_load %arg7[%parallel_loop3A_58] {strides = array<i32>} : memref<8192xf32, #tpu.memory_space<vmem>>, vector<16xf32>,
      %parallel_loop3A_60 = vector.bitcast %parallel_loop3A_59 : vector<16xf32> to vector<16xi32>
      %parallel_loop3A_61 = arith.constant 16 : i32
      %parallel_loop3A_62 = arith.addi %parallel_loop3A_57, %parallel_loop3A_61 : i32
      %parallel_loop3A_63 = arith.index_cast %parallel_loop3A_62 : i32 to index
      %parallel_loop3A_64 = tpu.vector_load %arg7[%parallel_loop3A_63] {strides = array<i32>} : memref<8192xf32, #tpu.memory_space<vmem>>, vector<16xf32>,
      %parallel_loop3A_65 = vector.bitcast %parallel_loop3A_64 : vector<16xf32> to vector<16xi32>
      %parallel_loop3A_66 = arith.constant 32 : i32
      %parallel_loop3A_67 = arith.addi %parallel_loop3A_57, %parallel_loop3A_66 : i32
      %parallel_loop3A_68 = arith.index_cast %parallel_loop3A_67 : i32 to index
      %parallel_loop3A_69 = tpu.vector_load %arg7[%parallel_loop3A_68] {strides = array<i32>} : memref<8192xf32, #tpu.memory_space<vmem>>, vector<16xf32>,
      %parallel_loop3A_70 = vector.bitcast %parallel_loop3A_69 : vector<16xf32> to vector<16xi32>
      %parallel_loop3A_71 = arith.constant 48 : i32
      %parallel_loop3A_72 = arith.addi %parallel_loop3A_57, %parallel_loop3A_71 : i32
      %parallel_loop3A_73 = arith.index_cast %parallel_loop3A_72 : i32 to index
      %parallel_loop3A_74 = tpu.vector_load %arg7[%parallel_loop3A_73] {strides = array<i32>} : memref<8192xf32, #tpu.memory_space<vmem>>, vector<16xf32>,
      %parallel_loop3A_75 = vector.bitcast %parallel_loop3A_74 : vector<16xf32> to vector<16xi32>
      %parallel_loop3A_76 = arith.andi %parallel_loop3A_60, %broadcast_in_dim3A : vector<16xi32>
      %parallel_loop3A_77 = arith.ori %parallel_loop3A_76, %sub3A_23 : vector<16xi32>
      %parallel_loop3A_78 = arith.andi %parallel_loop3A_65, %broadcast_in_dim3A : vector<16xi32>
      %parallel_loop3A_79 = arith.ori %parallel_loop3A_78, %sub3A_26 : vector<16xi32>
      %parallel_loop3A_80 = arith.andi %parallel_loop3A_70, %broadcast_in_dim3A : vector<16xi32>
      %parallel_loop3A_81 = arith.ori %parallel_loop3A_80, %sub3A_29 : vector<16xi32>
      %parallel_loop3A_82 = arith.andi %parallel_loop3A_75, %broadcast_in_dim3A : vector<16xi32>
      %parallel_loop3A_83 = arith.ori %parallel_loop3A_82, %sub3A_32 : vector<16xi32>
      %parallel_loop3A_84 = arith.constant dense<-1> : vector<16xi32>
      %parallel_loop3A_85 = arith.xori %parallel_loop3A_77, %parallel_loop3A_84 : vector<16xi32>
      %parallel_loop3A_86 = arith.constant dense<true> : vector<16xi1>
      %parallel_loop3A_87, %parallel_loop3A_88, %parallel_loop3A_89 = tpu.sort %parallel_loop3A_85, %parallel_loop3A_85 masked %parallel_loop3A_86 : (vector<16xi32>, vector<16xi32>, vector<16xi1>) -> (vector<16xi1>, vector<16xi32>, vector<16xi32>)
      %parallel_loop3A_90 = arith.constant dense<true> : vector<16xi1>
      %parallel_loop3A_91, %parallel_loop3A_92, %parallel_loop3A_93 = tpu.sort %parallel_loop3A_79, %parallel_loop3A_79 masked %parallel_loop3A_90 : (vector<16xi32>, vector<16xi32>, vector<16xi1>) -> (vector<16xi1>, vector<16xi32>, vector<16xi32>)
      %parallel_loop3A_94 = arith.constant dense<-1> : vector<16xi32>
      %parallel_loop3A_95 = arith.xori %parallel_loop3A_92, %parallel_loop3A_94 : vector<16xi32>
      %parallel_loop3A_96 = arith.select %lt3A_19, %parallel_loop3A_88, %parallel_loop3A_95 : vector<16xi1>, vector<16xi32>
      %parallel_loop3A_97 = arith.constant dense<-1> : vector<16xi32>
      %parallel_loop3A_98 = arith.xori %parallel_loop3A_81, %parallel_loop3A_97 : vector<16xi32>
      %parallel_loop3A_99 = arith.constant dense<true> : vector<16xi1>
      %parallel_loop3A_100, %parallel_loop3A_101, %parallel_loop3A_102 = tpu.sort %parallel_loop3A_98, %parallel_loop3A_98 masked %parallel_loop3A_99 : (vector<16xi32>, vector<16xi32>, vector<16xi1>) -> (vector<16xi1>, vector<16xi32>, vector<16xi32>)
      %parallel_loop3A_103 = arith.constant dense<-1> : vector<16xi32>
      %parallel_loop3A_104 = arith.xori %parallel_loop3A_101, %parallel_loop3A_103 : vector<16xi32>
      %parallel_loop3A_105 = arith.constant dense<true> : vector<16xi1>
      %parallel_loop3A_106, %parallel_loop3A_107, %parallel_loop3A_108 = tpu.sort %parallel_loop3A_83, %parallel_loop3A_83 masked %parallel_loop3A_105 : (vector<16xi32>, vector<16xi32>, vector<16xi1>) -> (vector<16xi1>, vector<16xi32>, vector<16xi32>)
      %parallel_loop3A_109 = arith.select %lt3A_19, %parallel_loop3A_104, %parallel_loop3A_107 : vector<16xi1>, vector<16xi32>
      %parallel_loop3A_110 = arith.constant dense<true> : vector<16xi1>
      %parallel_loop3A_111, %parallel_loop3A_112, %parallel_loop3A_113 = tpu.sort %parallel_loop3A_96, %parallel_loop3A_96 masked %parallel_loop3A_110 : (vector<16xi32>, vector<16xi32>, vector<16xi1>) -> (vector<16xi1>, vector<16xi32>, vector<16xi32>)
      %parallel_loop3A_114 = arith.constant dense<true> : vector<16xi1>
      %parallel_loop3A_115, %parallel_loop3A_116, %parallel_loop3A_117 = tpu.sort %parallel_loop3A_109, %parallel_loop3A_109 masked %parallel_loop3A_114 : (vector<16xi32>, vector<16xi32>, vector<16xi1>) -> (vector<16xi1>, vector<16xi32>, vector<16xi32>)
      %parallel_loop3A_118 = arith.constant dense<-1> : vector<16xi32>
      %parallel_loop3A_119 = arith.xori %parallel_loop3A_116, %parallel_loop3A_118 : vector<16xi32>
      %parallel_loop3A_120 = arith.select %lt3A_19, %parallel_loop3A_112, %parallel_loop3A_119 : vector<16xi1>, vector<16xi32>
      %parallel_loop3A_121 = arith.constant dense<true> : vector<16xi1>
      %parallel_loop3A_122, %parallel_loop3A_123, %parallel_loop3A_124 = tpu.sort %parallel_loop3A_120, %parallel_loop3A_120 masked %parallel_loop3A_121 : (vector<16xi32>, vector<16xi32>, vector<16xi1>) -> (vector<16xi1>, vector<16xi32>, vector<16xi32>)
      %parallel_loop3A_125 = arith.constant dense<-1> : vector<16xi32>
      %parallel_loop3A_126 = arith.xori %parallel_loop3A_123, %parallel_loop3A_125 : vector<16xi32>
      %parallel_loop3A_127 = arith.constant 63 : i32
      %parallel_loop3A_128 = vector.broadcast %parallel_loop3A_127 : i32 to vector<16xi32>
      %parallel_loop3A_129 = arith.andi %parallel_loop3A_126, %parallel_loop3A_128 : vector<16xi32>
      %parallel_loop3A_130 = arith.constant 63 : i32
      %parallel_loop3A_131 = vector.broadcast %parallel_loop3A_130 : i32 to vector<16xi32>
      %parallel_loop3A_132 = arith.subi %parallel_loop3A_131, %parallel_loop3A_129 : vector<16xi32>
      %parallel_loop3A_133 = arith.andi %parallel_loop3A_126, %broadcast_in_dim3A : vector<16xi32>
      %parallel_loop3A_134 = vector.bitcast %parallel_loop3A_133 : vector<16xi32> to vector<16xf32>
      %parallel_loop3A_135 = arith.constant 0.000000e+00 : f32
      %parallel_loop3A_136 = vector.broadcast %parallel_loop3A_135 : f32 to vector<16xf32>
      %parallel_loop3A_137 = arith.select %lt3A_19, %parallel_loop3A_134, %parallel_loop3A_136 : vector<16xi1>, vector<16xf32>
      %parallel_loop3A_138 = arith.constant true
      %parallel_loop3A_139 = vector.broadcast %parallel_loop3A_138 : i1 to vector<16xi1>
      %parallel_loop3A_140 = tpu.scan <sum>, %parallel_loop3A_137 masked %parallel_loop3A_139 : vector<16xf32>, vector<16xi1> -> vector<16xf32>
      %parallel_loop3A_141 = vector.extract %parallel_loop3A_140[15] : f32 from vector<16xf32>
      %parallel_loop3A_142 = vector.broadcast %parallel_loop3A_141 : f32 to vector<16xf32>
      %parallel_loop3A_143 = arith.divf %parallel_loop3A_134, %parallel_loop3A_142 : vector<16xf32>
      %parallel_loop3A_144 = arith.constant 256 : i32
      %parallel_loop3A_145 = arith.addi %parallel_loop3A_144, %parallel_loop3A_55 : i32
      %parallel_loop3A_146 = arith.constant 8 : i32
      %parallel_loop3A_147 = arith.muli %parallel_loop3A_145, %parallel_loop3A_146 : i32
      %parallel_loop3A_148 = vector.broadcast %parallel_loop3A_147 : i32 to vector<16xi32>
      %parallel_loop3A_149 = arith.addi %parallel_loop3A_148, %iota3A : vector<16xi32>
      tpu.vector_store_idx %arg9[%parallel_loop3A_149], %parallel_loop3A_132 masked %lt3A_19 : memref<4096xi32, #tpu.memory_space<vmem>>[vector<16xi32>], vector<16xi32>, vector<16xi1>
      tpu.vector_store_idx %arg10[%parallel_loop3A_149], %parallel_loop3A_143 masked %lt3A_19 : memref<4096xf32, #tpu.memory_space<vmem>>[vector<16xi32>], vector<16xf32>, vector<16xi1>
    } {sc.loop_unroll_factor = 8 : i64, sc.parallel_access}
    %dma_wait3A_46 = tpu.memref_slice %arg2[%add3A_15] : memref<1048576xf32, #tpu.memory_space<hbm>> -> memref<8192xf32, #tpu.memory_space<hbm>>
    %dma_wait3A_47 = tpu.memref_slice %arg2[%add3A_15] : memref<1048576xf32, #tpu.memory_space<hbm>> -> memref<8192xf32, #tpu.memory_space<hbm>>
    tpu.wait_dma2 semaphore(%arg14 : memref<!tpu.dma_semaphore, #tpu.memory_space<semaphore_mem>>) src(%dma_wait3A_47 : memref<8192xf32, #tpu.memory_space<hbm>>) dst(%arg8 : memref<8192xf32, #tpu.memory_space<vmem>>)
    %parallel_loop3A_48 = arith.constant 0 : i32
    %parallel_loop3A_49 = arith.constant 128 : i32
    %parallel_loop3A_50 = arith.constant 1 : i32
    scf.for %parallel_loop3A_55 = %parallel_loop3A_48 to %parallel_loop3A_49 step %parallel_loop3A_50  : i32 {
      %parallel_loop3A_56 = arith.constant 64 : i32
      %parallel_loop3A_57 = arith.muli %parallel_loop3A_55, %parallel_loop3A_56 : i32
      %parallel_loop3A_58 = arith.index_cast %parallel_loop3A_57 : i32 to index
      %parallel_loop3A_59 = tpu.vector_load %arg8[%parallel_loop3A_58] {strides = array<i32>} : memref<8192xf32, #tpu.memory_space<vmem>>, vector<16xf32>,
      %parallel_loop3A_60 = vector.bitcast %parallel_loop3A_59 : vector<16xf32> to vector<16xi32>
      %parallel_loop3A_61 = arith.constant 16 : i32
      %parallel_loop3A_62 = arith.addi %parallel_loop3A_57, %parallel_loop3A_61 : i32
      %parallel_loop3A_63 = arith.index_cast %parallel_loop3A_62 : i32 to index
      %parallel_loop3A_64 = tpu.vector_load %arg8[%parallel_loop3A_63] {strides = array<i32>} : memref<8192xf32, #tpu.memory_space<vmem>>, vector<16xf32>,
      %parallel_loop3A_65 = vector.bitcast %parallel_loop3A_64 : vector<16xf32> to vector<16xi32>
      %parallel_loop3A_66 = arith.constant 32 : i32
      %parallel_loop3A_67 = arith.addi %parallel_loop3A_57, %parallel_loop3A_66 : i32
      %parallel_loop3A_68 = arith.index_cast %parallel_loop3A_67 : i32 to index
      %parallel_loop3A_69 = tpu.vector_load %arg8[%parallel_loop3A_68] {strides = array<i32>} : memref<8192xf32, #tpu.memory_space<vmem>>, vector<16xf32>,
      %parallel_loop3A_70 = vector.bitcast %parallel_loop3A_69 : vector<16xf32> to vector<16xi32>
      %parallel_loop3A_71 = arith.constant 48 : i32
      %parallel_loop3A_72 = arith.addi %parallel_loop3A_57, %parallel_loop3A_71 : i32
      %parallel_loop3A_73 = arith.index_cast %parallel_loop3A_72 : i32 to index
      %parallel_loop3A_74 = tpu.vector_load %arg8[%parallel_loop3A_73] {strides = array<i32>} : memref<8192xf32, #tpu.memory_space<vmem>>, vector<16xf32>,
      %parallel_loop3A_75 = vector.bitcast %parallel_loop3A_74 : vector<16xf32> to vector<16xi32>
      %parallel_loop3A_76 = arith.andi %parallel_loop3A_60, %broadcast_in_dim3A : vector<16xi32>
      %parallel_loop3A_77 = arith.ori %parallel_loop3A_76, %sub3A_23 : vector<16xi32>
      %parallel_loop3A_78 = arith.andi %parallel_loop3A_65, %broadcast_in_dim3A : vector<16xi32>
      %parallel_loop3A_79 = arith.ori %parallel_loop3A_78, %sub3A_26 : vector<16xi32>
      %parallel_loop3A_80 = arith.andi %parallel_loop3A_70, %broadcast_in_dim3A : vector<16xi32>
      %parallel_loop3A_81 = arith.ori %parallel_loop3A_80, %sub3A_29 : vector<16xi32>
      %parallel_loop3A_82 = arith.andi %parallel_loop3A_75, %broadcast_in_dim3A : vector<16xi32>
      %parallel_loop3A_83 = arith.ori %parallel_loop3A_82, %sub3A_32 : vector<16xi32>
      %parallel_loop3A_84 = arith.constant dense<-1> : vector<16xi32>
      %parallel_loop3A_85 = arith.xori %parallel_loop3A_77, %parallel_loop3A_84 : vector<16xi32>
      %parallel_loop3A_86 = arith.constant dense<true> : vector<16xi1>
      %parallel_loop3A_87, %parallel_loop3A_88, %parallel_loop3A_89 = tpu.sort %parallel_loop3A_85, %parallel_loop3A_85 masked %parallel_loop3A_86 : (vector<16xi32>, vector<16xi32>, vector<16xi1>) -> (vector<16xi1>, vector<16xi32>, vector<16xi32>)
      %parallel_loop3A_90 = arith.constant dense<true> : vector<16xi1>
      %parallel_loop3A_91, %parallel_loop3A_92, %parallel_loop3A_93 = tpu.sort %parallel_loop3A_79, %parallel_loop3A_79 masked %parallel_loop3A_90 : (vector<16xi32>, vector<16xi32>, vector<16xi1>) -> (vector<16xi1>, vector<16xi32>, vector<16xi32>)
      %parallel_loop3A_94 = arith.constant dense<-1> : vector<16xi32>
      %parallel_loop3A_95 = arith.xori %parallel_loop3A_92, %parallel_loop3A_94 : vector<16xi32>
      %parallel_loop3A_96 = arith.select %lt3A_19, %parallel_loop3A_88, %parallel_loop3A_95 : vector<16xi1>, vector<16xi32>
      %parallel_loop3A_97 = arith.constant dense<-1> : vector<16xi32>
      %parallel_loop3A_98 = arith.xori %parallel_loop3A_81, %parallel_loop3A_97 : vector<16xi32>
      %parallel_loop3A_99 = arith.constant dense<true> : vector<16xi1>
      %parallel_loop3A_100, %parallel_loop3A_101, %parallel_loop3A_102 = tpu.sort %parallel_loop3A_98, %parallel_loop3A_98 masked %parallel_loop3A_99 : (vector<16xi32>, vector<16xi32>, vector<16xi1>) -> (vector<16xi1>, vector<16xi32>, vector<16xi32>)
      %parallel_loop3A_103 = arith.constant dense<-1> : vector<16xi32>
      %parallel_loop3A_104 = arith.xori %parallel_loop3A_101, %parallel_loop3A_103 : vector<16xi32>
      %parallel_loop3A_105 = arith.constant dense<true> : vector<16xi1>
      %parallel_loop3A_106, %parallel_loop3A_107, %parallel_loop3A_108 = tpu.sort %parallel_loop3A_83, %parallel_loop3A_83 masked %parallel_loop3A_105 : (vector<16xi32>, vector<16xi32>, vector<16xi1>) -> (vector<16xi1>, vector<16xi32>, vector<16xi32>)
      %parallel_loop3A_109 = arith.select %lt3A_19, %parallel_loop3A_104, %parallel_loop3A_107 : vector<16xi1>, vector<16xi32>
      %parallel_loop3A_110 = arith.constant dense<true> : vector<16xi1>
      %parallel_loop3A_111, %parallel_loop3A_112, %parallel_loop3A_113 = tpu.sort %parallel_loop3A_96, %parallel_loop3A_96 masked %parallel_loop3A_110 : (vector<16xi32>, vector<16xi32>, vector<16xi1>) -> (vector<16xi1>, vector<16xi32>, vector<16xi32>)
      %parallel_loop3A_114 = arith.constant dense<true> : vector<16xi1>
      %parallel_loop3A_115, %parallel_loop3A_116, %parallel_loop3A_117 = tpu.sort %parallel_loop3A_109, %parallel_loop3A_109 masked %parallel_loop3A_114 : (vector<16xi32>, vector<16xi32>, vector<16xi1>) -> (vector<16xi1>, vector<16xi32>, vector<16xi32>)
      %parallel_loop3A_118 = arith.constant dense<-1> : vector<16xi32>
      %parallel_loop3A_119 = arith.xori %parallel_loop3A_116, %parallel_loop3A_118 : vector<16xi32>
      %parallel_loop3A_120 = arith.select %lt3A_19, %parallel_loop3A_112, %parallel_loop3A_119 : vector<16xi1>, vector<16xi32>
      %parallel_loop3A_121 = arith.constant dense<true> : vector<16xi1>
      %parallel_loop3A_122, %parallel_loop3A_123, %parallel_loop3A_124 = tpu.sort %parallel_loop3A_120, %parallel_loop3A_120 masked %parallel_loop3A_121 : (vector<16xi32>, vector<16xi32>, vector<16xi1>) -> (vector<16xi1>, vector<16xi32>, vector<16xi32>)
      %parallel_loop3A_125 = arith.constant dense<-1> : vector<16xi32>
      %parallel_loop3A_126 = arith.xori %parallel_loop3A_123, %parallel_loop3A_125 : vector<16xi32>
      %parallel_loop3A_127 = arith.constant 63 : i32
      %parallel_loop3A_128 = vector.broadcast %parallel_loop3A_127 : i32 to vector<16xi32>
      %parallel_loop3A_129 = arith.andi %parallel_loop3A_126, %parallel_loop3A_128 : vector<16xi32>
      %parallel_loop3A_130 = arith.constant 63 : i32
      %parallel_loop3A_131 = vector.broadcast %parallel_loop3A_130 : i32 to vector<16xi32>
      %parallel_loop3A_132 = arith.subi %parallel_loop3A_131, %parallel_loop3A_129 : vector<16xi32>
      %parallel_loop3A_133 = arith.andi %parallel_loop3A_126, %broadcast_in_dim3A : vector<16xi32>
      %parallel_loop3A_134 = vector.bitcast %parallel_loop3A_133 : vector<16xi32> to vector<16xf32>
      %parallel_loop3A_135 = arith.constant 0.000000e+00 : f32
      %parallel_loop3A_136 = vector.broadcast %parallel_loop3A_135 : f32 to vector<16xf32>
      %parallel_loop3A_137 = arith.select %lt3A_19, %parallel_loop3A_134, %parallel_loop3A_136 : vector<16xi1>, vector<16xf32>
      %parallel_loop3A_138 = arith.constant true
      %parallel_loop3A_139 = vector.broadcast %parallel_loop3A_138 : i1 to vector<16xi1>
      %parallel_loop3A_140 = tpu.scan <sum>, %parallel_loop3A_137 masked %parallel_loop3A_139 : vector<16xf32>, vector<16xi1> -> vector<16xf32>
      %parallel_loop3A_141 = vector.extract %parallel_loop3A_140[15] : f32 from vector<16xf32>
      %parallel_loop3A_142 = vector.broadcast %parallel_loop3A_141 : f32 to vector<16xf32>
      %parallel_loop3A_143 = arith.divf %parallel_loop3A_134, %parallel_loop3A_142 : vector<16xf32>
      %parallel_loop3A_144 = arith.constant 384 : i32
      %parallel_loop3A_145 = arith.addi %parallel_loop3A_144, %parallel_loop3A_55 : i32
      %parallel_loop3A_146 = arith.constant 8 : i32
      %parallel_loop3A_147 = arith.muli %parallel_loop3A_145, %parallel_loop3A_146 : i32
      %parallel_loop3A_148 = vector.broadcast %parallel_loop3A_147 : i32 to vector<16xi32>
      %parallel_loop3A_149 = arith.addi %parallel_loop3A_148, %iota3A : vector<16xi32>
      tpu.vector_store_idx %arg9[%parallel_loop3A_149], %parallel_loop3A_132 masked %lt3A_19 : memref<4096xi32, #tpu.memory_space<vmem>>[vector<16xi32>], vector<16xi32>, vector<16xi1>
      tpu.vector_store_idx %arg10[%parallel_loop3A_149], %parallel_loop3A_143 masked %lt3A_19 : memref<4096xf32, #tpu.memory_space<vmem>>[vector<16xi32>], vector<16xf32>, vector<16xi1>
    } {sc.loop_unroll_factor = 8 : i64, sc.parallel_access}
    %mul3A_51 = arith.constant 4096 : i32
    %mul3A_52 = arith.muli %add3A, %mul3A_51 : i32
    "tpu.region"() ({
      %run_scoped3A = tpu.sem_alloc : memref<!tpu.dma_semaphore, #tpu.memory_space<semaphore_mem>>
      %dma_start3A_55 = tpu.memref_slice %arg3[%mul3A_52] : memref<131072xi32, #tpu.memory_space<hbm>> -> memref<4096xi32, #tpu.memory_space<hbm>>
      %dma_start3A_56 = tpu.memref_slice %arg3[%mul3A_52] : memref<131072xi32, #tpu.memory_space<hbm>> -> memref<4096xi32, #tpu.memory_space<hbm>>
      tpu.enqueue_dma source(%arg9 : memref<4096xi32, #tpu.memory_space<vmem>>) target(%dma_start3A_56 : memref<4096xi32, #tpu.memory_space<hbm>>) target_semaphore(%run_scoped3A : memref<!tpu.dma_semaphore, #tpu.memory_space<semaphore_mem>>)
      %dma_wait3A_57 = tpu.memref_slice %arg3[%mul3A_52] : memref<131072xi32, #tpu.memory_space<hbm>> -> memref<4096xi32, #tpu.memory_space<hbm>>
      %dma_wait3A_58 = tpu.memref_slice %arg3[%mul3A_52] : memref<131072xi32, #tpu.memory_space<hbm>> -> memref<4096xi32, #tpu.memory_space<hbm>>
      tpu.wait_dma2 semaphore(%run_scoped3A : memref<!tpu.dma_semaphore, #tpu.memory_space<semaphore_mem>>) src(%arg9 : memref<4096xi32, #tpu.memory_space<vmem>>) dst(%dma_wait3A_58 : memref<4096xi32, #tpu.memory_space<hbm>>)
      tpu.yield
    }) : () -> ()
    %mul3A_53 = arith.constant 4096 : i32
    %mul3A_54 = arith.muli %add3A, %mul3A_53 : i32
    "tpu.region"() ({
      %run_scoped3A = tpu.sem_alloc : memref<!tpu.dma_semaphore, #tpu.memory_space<semaphore_mem>>
      %dma_start3A_55 = tpu.memref_slice %arg4[%mul3A_54] : memref<131072xf32, #tpu.memory_space<hbm>> -> memref<4096xf32, #tpu.memory_space<hbm>>
      %dma_start3A_56 = tpu.memref_slice %arg4[%mul3A_54] : memref<131072xf32, #tpu.memory_space<hbm>> -> memref<4096xf32, #tpu.memory_space<hbm>>
      tpu.enqueue_dma source(%arg10 : memref<4096xf32, #tpu.memory_space<vmem>>) target(%dma_start3A_56 : memref<4096xf32, #tpu.memory_space<hbm>>) target_semaphore(%run_scoped3A : memref<!tpu.dma_semaphore, #tpu.memory_space<semaphore_mem>>)
      %dma_wait3A_57 = tpu.memref_slice %arg4[%mul3A_54] : memref<131072xf32, #tpu.memory_space<hbm>> -> memref<4096xf32, #tpu.memory_space<hbm>>
      %dma_wait3A_58 = tpu.memref_slice %arg4[%mul3A_54] : memref<131072xf32, #tpu.memory_space<hbm>> -> memref<4096xf32, #tpu.memory_space<hbm>>
      tpu.wait_dma2 semaphore(%run_scoped3A : memref<!tpu.dma_semaphore, #tpu.memory_space<semaphore_mem>>) src(%arg10 : memref<4096xf32, #tpu.memory_space<vmem>>) dst(%dma_wait3A_58 : memref<4096xf32, #tpu.memory_space<hbm>>)
      tpu.yield
    }) : () -> ()
    return
  }
}

</mosaic_0001>

<sc_bundles>
// kernel: kernel.3.cloned.1.call-start
scs
__scs_entry_jumppad:
0x0: {  	(pc) =	sbr.rel $0x88, $3  }
0x1: {  	(tag) =	ssettag $0x0;
	lr =	simm.s32 $0x1  }
0x2: {  	[smem:$0x3FA0] =	sst lr;
	_ =	strace $0xD0000000  }
0x3: {  	_ = 	snop  }
0x4: {  	_ = 	snop  }
0x5: {  	_ = 	snop  }
0x6: {  	_ = 	snop  }
0x7: {  	_ = 	snop  }
__scs_overlays_trampoline_lowered:
0x8: {  	[smem:$0x3FAF] =	sst s0  }
0x9: {  	[smem:$0x3FB0] =	sst s1  }
0xa: {  	[smem:$0x3FB1] =	sst s2  }
0xb: {  	[smem:$0x3FB2] =	sst s3  }
0xc: {  	[smem:$0x3FB3] =	sst s4  }
0xd: {  	[smem:$0x3FB4] =	sst s5  }
0xe: {  	[smem:$0x3FB5] =	sst s6  }
0xf: {  	[smem:$0x3FB6] =	sst s7  }
0x10: {  	[smem:$0x3FB7] =	sst s8  }
0x11: {  	[smem:$0x3FB8] =	sst s9;
	s0 =	simm.s32 @!p0 $0x0  }
0x12: {  	s1 =	sld [smem:$0x3F9E];
	s0 =	simm.s32 @p0 $0x1  }
0x13: {  	[smem:$0x3FB9] =	sst s0;
	s0 =	simm.s32 @!p1 $0x0  }
0x14: {  	s2 =	sld [smem:$0x3F9D];
	s0 =	simm.s32 @p1 $0x1  }
0x15: {  	[smem:$0x3FBA] =	sst s0;
	s0 =	simm.s32 @!p2 $0x0  }
0x16: {  	s3 =	sld [smem:$0x3FDB];
	s0 =	simm.s32 @p2 $0x1  }
0x17: {  	s4 =	simm.s32 $0x1BF5;
	[smem:$0x3FBC] =	sst s0  }
0x18: {  	s0 =	sld [smem:$0x3F9F];
	_ =	swait.ge [sflag:s4], $0x0  }
0x19: {  	s7 =	sld [smem:$0x3FA0]  }
0x1a: {  	s8 =	sadd.s32 $0xFFFFE003, lr  }
0x1b: {  	s9 =	sadd.s32 $0xFFFFFEF7, lr;
	s5 =	simm.s32 $0xFFFFFFFF;
	p2 =	slt.u32 s8, $0xFFFFF086  }
0x1c: {  	p1 =	slt.u32 s9, $0xF7A;
	s5 =	simm.s32 @!p2 $0x0  }
0x1d: {  	s5 =	simm.s32 @p1 $0x1;
	p0 =	seq.s32 s7, s2  }
0x1e: {  	s7 =	smul.u32 @!p0 $0xF7A, s2;
	p2 =	seq.s32 @!p0 s5, $0x0  }
0x1f: {  	s9 =	smul.u32 $0xF7A, s1;
	s8 =	simm.s32 @!p0 $0x1BF5;
	p2 =	por !p2, p0  }
0x20: {  	[sflag:s8] =	ssyncset.s32 @!p0 $0xFFFFF086;
	s6 =	sadd.s32 @!p0 s3, s7;
	s7 =	simm.s32 @!p0 $0x108  }
0x21: {  	s3 =	sadd.s32 s3, s9;
	s6 =	sadd.s32 @!p0 $0x88, s6;
	s7 =	simm.s32 @p2 $0x1082  }
0x22: {  	[simem:s7], [sflag:s8] =	dma.local @!p0 [hbm:s6], $0xF7A  }
0x23: {  	s9 =	sor.u32 $0xD0000000, s2;
	s6 =	simm.s32 $0x108;
	_ =	swait.ge @!p0 [sflag:s8], $0x0  }
0x24: {  	s3 =	sadd.s32 $0x88, s3;
	s6 =	simm.s32 @!p1 $0x1082;
	[sflag:s4] =	ssyncset.s32 $0xFFFFF086  }
0x25: {  	[simem:s6], [sflag:s4] =	dma.local [hbm:s3], $0xF7A  }
0x26: {  	[smem:$0x3FA0] =	sst s1;
	(tag) =	ssettag s2;
	_ =	strace s9  }
0x27: {  	s1 =	sld [smem:$0x3FB0]  }
0x28: {  	s2 =	sld [smem:$0x3FB1]  }
0x29: {  	s4 =	sld [smem:$0x3FB3]  }
0x2a: {  	p0 =	seq.s32 s5, $0x0;
	s5 =	sld [smem:$0x3FB4]  }
0x2b: {  	s6 =	sld [smem:$0x3FB5]  }
0x2c: {  	s7 =	sld [smem:$0x3FB6]  }
0x2d: {  	s3 =	simm.s32 $0x108;
	s8 =	sld [smem:$0x3FB7]  }
0x2e: {  	s3 =	simm.s32 @!p0 $0x1082;
	s9 =	sld [smem:$0x3FB8]  }
0x2f: {  	lr =	sadd.s32 s0, s3;
	s0 =	sld [smem:$0x3FAF]  }
0x30: {  	s3 =	sld [smem:$0x3FB2]  }
0x31: {  	[smem:$0x3FBB] =	sst s10  }
0x32: {  	s10 =	sld [smem:$0x3FB9];
	_ =	sdelay $0x3  }
0x33: {  	p0 =	seq.s32 s10, $0x1;
	s10 =	sld [smem:$0x3FBB];
	_ =	sdelay $0x3  }
0x34: {  	[smem:$0x3FBB] =	sst s10  }
0x35: {  	s10 =	sld [smem:$0x3FBA];
	_ =	sdelay $0x3  }
0x36: {  	p1 =	seq.s32 s10, $0x1;
	s10 =	sld [smem:$0x3FBB];
	_ =	sdelay $0x3  }
0x37: {  	[smem:$0x3FBB] =	sst s10  }
0x38: {  	s10 =	sld [smem:$0x3FBC]  }
0x39: {  	_ = 	snop;
	(pc) =	sbr.ind lr, $3  }
0x3a: {  	_ = 	snop  }
0x3b: {  	_ = 	snop  }
0x3c: {  	p2 =	seq.s32 s10, $0x1;
	s10 =	sld [smem:$0x3FBB]  }
0x3d: {  	_ =	shalt  }
0x3e: {  	_ =	shalt  }
0x3f: {  	_ =	shalt  }
0x40: {  	_ =	shalt  }
0x41: {  	_ =	shalt  }
0x42: {  	_ =	shalt  }
0x43: {  	_ =	shalt  }
0x44: {  	_ =	shalt  }
0x45: {  	_ =	shalt  }
0x46: {  	_ =	shalt  }
0x47: {  	_ =	shalt  }
0x48: {  	_ =	shalt  }
0x49: {  	_ =	shalt  }
0x4a: {  	_ =	shalt  }
0x4b: {  	_ =	shalt  }
0x4c: {  	_ =	shalt  }
0x4d: {  	_ =	shalt  }
0x4e: {  	_ =	shalt  }
0x4f: {  	_ =	shalt  }
0x50: {  	_ =	shalt  }
0x51: {  	_ =	shalt  }
0x52: {  	_ =	shalt  }
0x53: {  	_ =	shalt  }
0x54: {  	_ =	shalt  }
0x55: {  	_ =	shalt  }
0x56: {  	_ =	shalt  }
0x57: {  	_ =	shalt  }
0x58: {  	_ =	shalt  }
0x59: {  	_ =	shalt  }
0x5a: {  	_ =	shalt  }
0x5b: {  	_ =	shalt  }
0x5c: {  	_ =	shalt  }
0x5d: {  	_ =	shalt  }
0x5e: {  	_ =	shalt  }
0x5f: {  	_ =	shalt  }
0x60: {  	_ =	shalt  }
0x61: {  	_ =	shalt  }
0x62: {  	_ =	shalt  }
0x63: {  	_ =	shalt  }
0x64: {  	_ =	shalt  }
0x65: {  	_ =	shalt  }
0x66: {  	_ =	shalt  }
0x67: {  	_ =	shalt  }
0x68: {  	_ =	shalt  }
0x69: {  	_ =	shalt  }
0x6a: {  	_ =	shalt  }
0x6b: {  	_ =	shalt  }
0x6c: {  	_ =	shalt  }
0x6d: {  	_ =	shalt  }
0x6e: {  	_ =	shalt  }
0x6f: {  	_ =	shalt  }
0x70: {  	_ =	shalt  }
0x71: {  	_ =	shalt  }
0x72: {  	_ =	shalt  }
0x73: {  	_ =	shalt  }
0x74: {  	_ =	shalt  }
0x75: {  	_ =	shalt  }
0x76: {  	_ =	shalt  }
0x77: {  	_ =	shalt  }
0x78: {  	_ =	shalt  }
0x79: {  	_ =	shalt  }
0x7a: {  	_ =	shalt  }
0x7b: {  	_ =	shalt  }
0x7c: {  	_ =	shalt  }
0x7d: {  	_ =	shalt  }
0x7e: {  	_ =	shalt  }
0x7f: {  	_ =	shalt  }
0x80: {  	_ =	shalt  }
0x81: {  	_ =	shalt  }
0x82: {  	_ =	shalt  }
0x83: {  	_ =	shalt  }
0x84: {  	_ =	shalt  }
0x85: {  	_ =	shalt  }
0x86: {  	_ =	shalt  }
0x87: {  	_ =	shalt  }
.Lfunc_end0:
.L_simem_size_0:
called_computation_lowered:
.L_overlay_start_0:
0x88: {  	s2 =	sld [smem:$0x3FD9]  }
0x89: {  	s3 =	sld [smem:$0x3FFE];
	_ =	sdelay $0x1  }
0x8a: {  	s1 =	srdreg.scid  }
0x8b: {  	s0 =	sand.u32 $0x1, s1  }
0x8c: {  	s14 =	sshll.u32 s0, $0xA;
	s2 =	sadd.s32 s3, s2  }
0x8d: {  	s2 =	sadd.s32 s2, s14  }
0x8e: {  	[smem:$0x3FC7] =	sst s2  }
0x8f: {  	_ = 	snop  }
0x90: {  	s2 =	sld [smem:$0x3FD0];
	_ =	sdelay $0x2  }
0x91: {  	s15 =	simm.s32 $0xA;
	s4 =	simm.s32 $0x10  }
0x92: {  	[smem:s4], [sflag:s15] =	dma.local [hbm:s2], $0x1  }
0x93: {  	_ =	swait.eq [sflag:s15], $0x1  }
0x94: {  	[sflag:s15] =	ssyncset.done $0x0  }
0x95: {  	[sflag:s15] =	ssyncadd.s32 $0xFFFFFFFF  }
0x96: {  	s16 =	sld [smem:$0x11];
	(tm) =	ssettm $0x1  }
0x97: {  	s17 =	sld [smem:$0x3FFB];
	_ =	sdelay $0x3  }
0x98: {  	_ =	strace s17  }
0x99: {  	s3 =	sld [smem:$0x3FFC];
	_ =	sdelay $0x3  }
0x9a: {  	_ =	strace s3  }
0x9b: {  	s3 =	sld [smem:$0x3FFD];
	_ =	sdelay $0x3  }
0x9c: {  	_ =	strace s3  }
0x9d: {  	_ =	strace $0x8FFFFFFF  }
0x9e: {  	s18 =	sld [smem:$0x3FDB];
	_ =	sdelay $0x1  }
0x9f: {  	s19 =	simm.s32 $_scs_section_size  }
0xa0: {  	s5 =	simm.s32 $_size__tile_overlayer_lowered;
	s6 =	simm.s32 $_tile_overlayer_lowered  }
0xa1: {  	s22 =	simm.s32 $0x1BFF;
	s21 =	sshll.u32 s6, $0x1;
	s3 =	sadd.s32 s19, s18  }
0xa2: {  	s7 =	simm.s32 $0x0;
	s20 =	sshll.u32 s5, $0x1;
	s5 =	sadd.s32 s21, s3  }
0xa3: {  	[timem:s7], [sflag:s22] =	dma.local [hbm:s5], s20  }
0xa4: {  	_ =	swait.ge [sflag:s22], s20  }
0xa5: {  	s4 =	ssub.s32 $0x0, s20;
	[sflag:s22] =	ssyncset.done $0x0  }
0xa6: {  	[sflag:s22] =	ssyncadd.s32 s4;
	_ =	sdelay $0x1  }
0xa7: {  	s23 =	simm.s32 $0x1B8B  }
0xa8: {  	_ =	swait.ge [sflag:s23], $0x1  }
0xa9: {  	[sflag:s23] =	ssyncset.done $0x0  }
0xaa: {  	s25 =	simm.s32 $0x1B8E;
	s24 =	sld [smem:$0x3FFE];
	[sflag:s23] =	ssyncadd.s32 $0xFFFFFFFF  }
0xab: {  	s26 =	simm.s32 $execute0_lowered;
	[smem:$0x3FD2] =	sst s25  }
0xac: {  	s5 =	sshll.u32 s26, $0x1;
	_ =	strace $0x80000046;
	[dreg:$0x1] =	wrdreg $0xFFFFFFFF  }
0xad: {  	s28 =	simm.s32 $_size_execute0_lowered;
	s3 =	sadd.s32 s3, s5;
	[dreg:$0x0] =	wrdreg $0x0  }
0xae: {  	s5 =	sshll.u32 s28, $0x1;
	[dreg:$0x2] =	wrdreg s3  }
0xaf: {  	[dreg:$0x3] =	wrdreg s5  }
0xb0: {  	[dreg:$0x4] =	wrdreg $0xC0  }
0xb1: {  	_ =	task [dreg:s7], $0x5FFFF  }
0xb2: {  	[dreg:$0x1] =	wrdreg $0xFFFFFFFF  }
0xb3: {  	[dreg:$0x0] =	wrdreg $0x60  }
0xb4: {  	[dreg:$0x2] =	wrdreg s24  }
0xb5: {  	[dreg:$0x3] =	wrdreg s16  }
0xb6: {  	[dreg:$0x4] =	wrdreg $0x9  }
0xb7: {  	_ =	task.clear_ibuf [dreg:s7], $0x5FFFF;
	_ =	strace $0x90000046  }
0xb8: {  	s29 =	simm.s32 $0x9;
	_ =	strace $0x80000048  }
0xb9: {  	_ =	swait.ge [sflag:s29], $0x1  }
0xba: {  	[sflag:s29] =	ssyncadd.s32 $0xFFFFFFFF  }
0xbb: {  	_ =	strace $0x90000048  }
0xbc: {  	_ =	sfence  }
0xbd: {  	s30 =	sld [smem:$0x0];
	_ =	sdelay $0x2  }
0xbe: {  	s31 =	sshll.u32 s1, $0xD;
	s1 =	sshrl.u32 s1, $0x2  }
0xbf: {  	s3 =	sand.u32 $0x4000, s31;
	s1 =	sadd.s32 s1, s30  }
0xc0: {  	s0 =	sor.u32 s3, s0;
	s1 =	sshll.u32 s1, $0x11  }
0xc1: {  	s0 =	sor.u32 s1, s0  }
0xc2: {  	s0 =	sadd.s32 $0x8F2B, s0  }
0xc3: {  	[sflag:s0] =	ssyncadd.remote.s32 $0x1  }
0xc4: {  	_ =	sfence.sel $0xFFFF  }
0xc5: {  	[dreg:$0x0] =	wrdreg $0xFFFFFFFF;
	(pc) =	sbr.abs _section_cstart, $3  }
0xc6: {  	[dreg:$0x1] =	wrdreg $0xFFFFFFFF  }
0xc7: {  	_ =	task.clear_ibuf [dreg:s7], $0x2FFFF;
	_ =	strace $0x9FFFFFFF  }
0xc8: {  	(tm) =	ssettm $0x7FFFFFFF  }
0xc9: {  	_ =	shalt  }
tec
execute0_lowered:
.L_overlay_start_1:
0x0: {  	(tag) =	ssettag $0x1  }
0x1: {  	s0 =	rddreg [dreg:$0x0]  }
0x2: {  	s7 =	rddreg [dreg:$0x1];
	s2 =	simm.s32 $0x0;
	s3 =	srdreg.scid  }
0x3: {  	s1 =	stileid.u32;
	s11 =	simm.s32 $0x4000;
	s12 =	simm.s32 $0x6000  }
0x4: {  	s13 =	simm.s32 $0x1;
	s14 =	simm.s32 $0x8000;
	s15 =	simm.s32 $0x9000  }
0x5: {  	s16 =	simm.s32 $0x2;
	s17 =	simm.s32 $0x3;
	s18 =	simm.s32 $0x4  }
0x6: {  	s19 =	simm.s32 $0x5;
	s3 =	sand.u32 $0x1, s3;
	s4 =	sshll.u32 s1, $0x1  }
0x7: {  	s20 =	simm.s32 $0x0;
	[smem:$0x7FF] =	sst s2;
	s4 =	sor.u32 s3, s4  }
0x8: {  	_ =	strace $0x80000047;
	s3 =	ssub.s32 $0x2, s3;
	s5 =	sshll.u32 s4, $0xC  }
0x9: {  	v0 =	vlaneseq.u32;
	s8 =	sshll.u32 s4, $0x9;
	s31 =	sshrl.u32 s3, $0x1;
	s6 =	sadd.s32 s5, s0  }
0xa: {  	v2 =	vmul.u32 $0xFFFFFFFF, v0;
	s0 =	sadd.s32 s8, s0;
	s9 =	ssub.s32 s3, s31;
	s7 =	sadd.s32 s7, s8  }
0xb: {  	vm0 =	vmmov $0xff;
	v3 =	vor.u32 $0xFFFFFFC0, v0;
	s3 =	sadd.s32 $0xA00, s6;
	s4 =	sadd.s32 $0xE00, s6;
	s5 =	sadd.s32 $0x1200, s6  }
0xc: {  	v4 =	vor.u32 $0xFFFFFFE0, v0;
	v1 =	vadd.s32 $0x2F, v2;
	v2 =	vadd.s32 $0xF, v2;
	s6 =	sadd.s32 $0x1600, s6;
	s8 =	sadd.s32 $0x20A00, s0;
	s9 =	smax.u32 s9, $0x1  }
.LBB2_1:
0xd: {  	[tilespmem:s2], [sflag:$0x1] =	stream.linear.gather [hbm4b:s3+s2], $0x2000, $0x38;
	[tilespmem:$0xA000] =	vst v63  }
0xe: {  	s0 =	simm.s32 $0x2000  }
0xf: {  	[tilespmem:s0], [sflag:$0x2] =	stream.linear.gather [hbm4b:s4+s2], $0x2000, $0x38;
	[tilespmem:$0xA000] =	vst v63  }
0x10: {  	_ = 	snop  }
0x11: {  	[tilespmem:s11], [sflag:$0x3] =	stream.linear.gather [hbm4b:s5+s2], $0x2000, $0x38;
	[tilespmem:$0xA000] =	vst v63  }
0x12: {  	_ = 	snop  }
0x13: {  	[tilespmem:s12], [sflag:$0x4] =	stream.linear.gather [hbm4b:s6+s2], $0x2000, $0x38;
	[tilespmem:$0xA000] =	vst v63  }
0x14: {  	_ =	swait.ge [sflag:s13], $0x2000  }
0x15: {  	s24 =	simm.s32 $0x140;
	[sflag:s13] =	ssyncset.done $0x0  }
0x16: {  	s21 =	sor.u32 $0x50, s24;
	[sflag:s13] =	ssyncadd.s32 $0xFFFFE000  }
0x17: {  	s25 =	sor.u32 $0x60, s24;
	v5 =	vld [tilespmem:s21+$0x0]  }
0x18: {  	s0 =	sor.u32 $0x70, s24;
	v6 =	vld [tilespmem:s25+$0x0]  }
0x19: {  	s26 =	simm.s32 $0x100;
	s22 =	simm.s32 $0x40;
	v7 =	vld [tilespmem:s0+$0x0]  }
0x1a: {  	s28 =	simm.s32 $0xC0;
	s23 =	sor.u32 $0x60, s22;
	v8 =	vld [tilespmem:s26+$0x40]  }
0x1b: {  	s24 =	sor.u32 $0x60, s28;
	v9 =	vld [tilespmem:s23+$0x0]  }
0x1c: {  	v10 =	vld [tilespmem:s24+$0x0];
	v5 =	vand.u32 $0xFFFFFFC0, v5  }
0x1d: {  	v11 =	vld [tilespmem:s26+$0xFFFFFF20];
	v6 =	vand.u32 $0xFFFFFFC0, v6;
	v5 =	vor.u32 v1, v5  }
0x1e: {  	v12 =	vld [tilespmem:s26+$0xFFFFFFA0];
	v7 =	vand.u32 $0xFFFFFFC0, v7;
	v6 =	vxor.u32 v4, v6;
	(xrf1) =	vsort.ascd.msk.u32 $0xffff, v5, v5  }
0x1f: {  	v8 =	vand.u32 $0xFFFFFFC0, v8;
	v7 =	vor.u32 v2, v7;
	v5 =	vld [tilespmem:s26+$0x20];
	(xrf1) =	vsort.ascd.msk.u32 $0xffff, v6, v6  }
0x20: {  	s29 =	sor.u32 $0x50, s22;
	v8 =	vxor.u32 v3, v8;
	v6 =	vand.u32 $0xFFFFFFC0, v9;
	v9 =	vld [tilespmem:s26+$0xA0];
	(xrf1) =	vsort.ascd.msk.u32 $0xffff, v7, v7  }
0x21: {  	s22 =	sor.u32 $0x70, s22;
	v10 =	vand.u32 $0xFFFFFFC0, v10;
	v7 =	vld [tilespmem:s29+$0x0];
	v6 =	vxor.u32 v4, v6;
	(xrf1) =	vsort.ascd.msk.u32 $0xffff, v8, v8  }
0x22: {  	s30 =	sor.u32 $0x50, s28;
	v10 =	vxor.u32 v4, v10;
	v8 =	vand.u32 $0xFFFFFFC0, v11;
	v11 =	vld [tilespmem:s22+$0x0];
	(xrf1) =	vsort.ascd.msk.u32 $0xffff, v6, v6  }
0x23: {  	s0 =	sor.u32 $0x70, s28;
	v6 =	vxor.u32 v4, v8;
	v8 =	vand.u32 $0xFFFFFFC0, v12;
	v12 =	vld [tilespmem:s30+$0x0];
	(xrf1) =	vsort.ascd.msk.u32 $0xffff, v10, v10  }
0x24: {  	s31 =	simm.s32 $0x1C0;
	v8 =	vxor.u32 v4, v8;
	v10 =	vld [tilespmem:s0+$0x0];
	(xrf1) =	vsort.ascd.msk.u32 $0xffff, v6, v6  }
0x25: {  	s1 =	sor.u32 $0x60, s31;
	v5 =	vand.u32 $0xFFFFFFC0, v5;
	(xrf1) =	vsort.ascd.msk.u32 $0xffff, v8, v8;
	v8 =	vld [tilespmem:s26+$0xFFFFFF10]  }
0x26: {  	v5 =	vxor.u32 v4, v5;
	v6 =	vand.u32 $0xFFFFFFC0, v9;
	v9 =	vld [tilespmem:s1+$0x0]  }
0x27: {  	v7 =	vand.u32 $0xFFFFFFC0, v7;
	v6 =	vxor.u32 v4, v6;
	(xrf1) =	vsort.ascd.msk.u32 $0xffff, v5, v5  }
0x28: {  	v5 =	vld [tilespmem:s26+$0xFFFFFF30];
	v7 =	vor.u32 v1, v7;
	v11 =	vand.u32 $0xFFFFFFC0, v11;
	(xrf1) =	vsort.ascd.msk.u32 $0xffff, v6, v6  }
0x29: {  	v6 =	vor.u32 v2, v11;
	v12 =	vand.u32 $0xFFFFFFC0, v12;
	(xrf1) =	vsort.ascd.msk.u32 $0xffff, v7, v7  }
0x2a: {  	v7 =	vor.u32 v1, v12;
	v10 =	vand.u32 $0xFFFFFFC0, v10;
	(xrf1) =	vsort.ascd.msk.u32 $0xffff, v6, v6;
	v8 =	vand.u32 $0xFFFFFFC0, v8  }
0x2b: {  	v11 =	vld [tilespmem:s26+$0xFFFFFF90];
	v6 =	vor.u32 v2, v10;
	v9 =	vand.u32 $0xFFFFFFC0, v9;
	(xrf1) =	vsort.ascd.msk.u32 $0xffff, v7, v7;
	v8 =	vor.u32 v1, v8  }
0x2c: {  	v9 =	vxor.u32 v4, v9;
	(xrf1) =	vsort.ascd.msk.u32 $0xffff, v6, v6  }
0x2d: {  	v7 =	vld [tilespmem:s26+$0xFFFFFFB0];
	v5 =	vand.u32 $0xFFFFFFC0, v5;
	v10, _, _ =	vpop (xrf1);
	(xrf1) =	vsort.ascd.msk.u32 $0xffff, v9, v9  }
0x2e: {  	v6 =	vld [tilespmem:s26+$0x10];
	v5 =	vor.u32 v2, v5;
	(xrf1) =	vsort.ascd.msk.u32 $0xffff, v8, v8;
	v8, _, _ =	vpop (xrf1)  }
0x2f: {  	v12 =	vld [tilespmem:s26+$0x90];
	v8 =	vxor.u32 $0xFFFFFFFF, v8  }
0x30: {  	v9 =	vld [tilespmem:s26+$0x30];
	v11 =	vand.u32 $0xFFFFFFC0, v11  }
0x31: {  	s10 =	sor.u32 $0x50, s31;
	v13 =	vld [tilespmem:s26+$0xB0];
	v11 =	vor.u32 v1, v11;
	v10 =	vxor.u32 $0xFFFFFFFF, v10;
	(xrf1) =	vsort.ascd.msk.u32 $0xffff, v5, v5;
	v5, _, _ =	vpop (xrf1)  }
0x32: {  	s22 =	sor.u32 $0x70, s31;
	(xrf1) =	vsort.ascd.msk.u32 $0xffff, v11, v11;
	v11 =	vld [tilespmem:s10+$0x0];
	v5 =	vsel vm0, v8, v5;
	v8, _, _ =	vpop (xrf1)  }
0x33: {  	v7 =	vand.u32 $0xFFFFFFC0, v7;
	(xrf1) =	vsort.ascd.msk.u32 $0xffff, v5, v5;
	v5 =	vand.u32 $0xFFFFFFC0, v6;
	v6 =	vld [tilespmem:s22+$0x0];
	v8 =	vsel vm0, v8, v10  }
0x34: {  	v7 =	vor.u32 v2, v7;
	v10, _, _ =	vpop (xrf1);
	(xrf1) =	vsort.ascd.msk.u32 $0xffff, v8, v8;
	v8 =	vld [tilespmem:s26+$0xFFFFFF40]  }
0x35: {  	v12 =	vand.u32 $0xFFFFFFC0, v12;
	v9 =	vand.u32 $0xFFFFFFC0, v9;
	v5 =	vor.u32 v1, v5;
	v14, _, _ =	vpop (xrf1);
	(xrf1) =	vsort.ascd.msk.u32 $0xffff, v7, v7;
	v7 =	vld [tilespmem:s26+$0xFFFFFF80]  }
0x36: {  	v12 =	vor.u32 v1, v12;
	v9 =	vor.u32 v2, v9;
	v15, _, _ =	vpop (xrf1);
	(xrf1) =	vsort.ascd.msk.u32 $0xffff, v5, v5  }
0x37: {  	v13 =	vand.u32 $0xFFFFFFC0, v13;
	v16, _, _ =	vpop (xrf1);
	v5 =	vld [tilespmem:s26+$0xFFFFFFC0];
	(xrf1) =	vsort.ascd.msk.u32 $0xffff, v9, v9  }
0x38: {  	v11 =	vand.u32 $0xFFFFFFC0, v11;
	v17, _, _ =	vpop (xrf1);
	v9 =	vor.u32 v2, v13;
	v13 =	vld [tilespmem:s26+$0xFFFFFF00];
	(xrf1) =	vsort.ascd.msk.u32 $0xffff, v12, v12  }
0x39: {  	v11 =	vor.u32 v1, v11;
	v6 =	vand.u32 $0xFFFFFFC0, v6;
	v12, _, _ =	vpop (xrf1);
	(xrf1) =	vsort.ascd.msk.u32 $0xffff, v9, v9;
	v9 =	vld [tilespmem:s26+$0x0];
	v8 =	vand.u32 $0xFFFFFFC0, v8  }
0x3a: {  	v6 =	vor.u32 v2, v6;
	v18, _, _ =	vpop (xrf1);
	(xrf1) =	vsort.ascd.msk.u32 $0xffff, v11, v11;
	v11 =	vld [tilespmem:s26+$0x80];
	v8 =	vxor.u32 v3, v8;
	v7 =	vand.u32 $0xFFFFFFC0, v7  }
0x3b: {  	v19, _, _ =	vpop (xrf1);
	(xrf1) =	vsort.ascd.msk.u32 $0xffff, v6, v6;
	v7 =	vxor.u32 v3, v7  }
0x3c: {  	v20, _, _ =	vpop (xrf1);
	v6 =	vld [tilespmem:s26+$0xC0];
	v5 =	vand.u32 $0xFFFFFFC0, v5;
	(xrf1) =	vsort.ascd.msk.u32 $0xffff, v8, v8  }
0x3d: {  	v5 =	vxor.u32 v3, v5;
	v13 =	vand.u32 $0xFFFFFFC0, v13;
	v8, _, _ =	vpop (xrf1);
	(xrf1) =	vsort.ascd.msk.u32 $0xffff, v7, v7  }
0x3e: {  	v13 =	vxor.u32 v3, v13;
	v7, _, _ =	vpop (xrf1);
	(xrf1) =	vsort.ascd.msk.u32 $0xffff, v5, v5;
	v5 =	vand.u32 $0xFFFFFFC0, v9  }
0x3f: {  	v21, _, _ =	vpop (xrf1);
	v5 =	vxor.u32 v3, v5;
	v11 =	vand.u32 $0xFFFFFFC0, v11  }
0x40: {  	v9, _, _ =	vpop (xrf1);
	v11 =	vxor.u32 v3, v11  }
0x41: {  	(xrf1) =	vsort.ascd.msk.u32 $0xffff, v13, v13;
	v6 =	vand.u32 $0xFFFFFFC0, v6;
	v13, _, _ =	vpop (xrf1)  }
0x42: {  	v10 =	vxor.u32 $0xFFFFFFFF, v10;
	(xrf1) =	vsort.ascd.msk.u32 $0xffff, v5, v5;
	v6 =	vxor.u32 v3, v6;
	v5, _, _ =	vpop (xrf1)  }
0x43: {  	v10 =	vsel vm0, v10, v19;
	(xrf1) =	vsort.ascd.msk.u32 $0xffff, v11, v11;
	v11, _, _ =	vpop (xrf1);
	v5 =	vxor.u32 $0xFFFFFFFF, v5  }
0x44: {  	v14 =	vxor.u32 $0xFFFFFFFF, v14;
	v5 =	vsel vm0, v11, v5  }
0x45: {  	v8 =	vsel vm0, v14, v8;
	(xrf1) =	vsort.ascd.msk.u32 $0xffff, v6, v6;
	v6, _, _ =	vpop (xrf1);
	v11 =	vxor.u32 $0xFFFFFFFF, v15  }
0x46: {  	v14 =	vxor.u32 $0xFFFFFFFF, v16;
	(xrf1) =	vsort.ascd.msk.u32 $0xffff, v10, v10;
	v10, _, _ =	vpop (xrf1);
	v9 =	vsel vm0, v11, v9  }
0x47: {  	(xrf1) =	vsort.ascd.msk.u32 $0xffff, v5, v5;
	v11 =	vxor.u32 $0xFFFFFFFF, v17;
	v6 =	vsel vm0, v14, v6;
	v5, _, _ =	vpop (xrf1)  }
0x48: {  	(xrf1) =	vsort.ascd.msk.u32 $0xffff, v8, v8;
	v8, _, _ =	vpop (xrf1);
	v5 =	vsel vm0, v11, v5  }
0x49: {  	v7 =	vxor.u32 $0xFFFFFFFF, v7;
	(xrf1) =	vsort.ascd.msk.u32 $0xffff, v9, v9;
	v9, _, _ =	vpop (xrf1)  }
0x4a: {  	(xrf1) =	vsort.ascd.msk.u32 $0xffff, v6, v6;
	v6, _, _ =	vpop (xrf1)  }
0x4b: {  	(xrf1) =	vsort.ascd.msk.u32 $0xffff, v5, v5;
	v5, _, _ =	vpop (xrf1)  }
0x4c: {  	v12 =	vxor.u32 $0xFFFFFFFF, v12;
	v11 =	vxor.u32 $0xFFFFFFFF, v18;
	v5 =	vsel vm0, v7, v5;
	v7, _, _ =	vpop (xrf1)  }
0x4d: {  	v9 =	vsel vm0, v12, v9;
	v7 =	vsel vm0, v7, v11  }
0x4e: {  	(xrf1) =	vsort.ascd.msk.u32 $0xffff, v9, v9  }
0x4f: {  	v11, _, _ =	vpop (xrf1);
	(xrf1) =	vsort.ascd.msk.u32 $0xffff, v5, v5  }
0x50: {  	v9 =	vxor.u32 $0xFFFFFFFF, v13;
	v5 =	vxor.u32 $0xFFFFFFFF, v20;
	(xrf1) =	vsort.ascd.msk.u32 $0xffff, v7, v7;
	v7, _, _ =	vpop (xrf1)  }
0x51: {  	v9 =	vsel vm0, v11, v9;
	v11 =	vxor.u32 $0xFFFFFFFF, v21;
	v5 =	vsel vm0, v7, v5;
	v7, _, _ =	vpop (xrf1)  }
0x52: {  	(xrf1) =	vsort.ascd.msk.u32 $0xffff, v9, v9;
	v7 =	vsel vm0, v7, v11  }
0x53: {  	(xrf1) =	vsort.ascd.msk.u32 $0xffff, v5, v5  }
0x54: {  	(xrf1) =	vsort.ascd.msk.u32 $0xffff, v7, v7;
	v5, _, _ =	vpop (xrf1)  }
0x55: {  	v7, _, _ =	vpop (xrf1)  }
0x56: {  	v11, _, _ =	vpop (xrf1)  }
0x57: {  	v12, _, _ =	vpop (xrf1)  }
0x58: {  	v9, _, _ =	vpop (xrf1)  }
0x59: {  	v13, _, _ =	vpop (xrf1)  }
0x5a: {  	v10 =	vxor.u32 $0xFFFFFFFF, v10;
	v14, _, _ =	vpop (xrf1)  }
0x5b: {  	v8 =	vxor.u32 $0xFFFFFFFF, v8;
	v5 =	vsel vm0, v5, v10;
	v16, _, _ =	vpop (xrf1)  }
0x5c: {  	v7 =	vsel vm0, v7, v8;
	v17, _, _ =	vpop (xrf1)  }
0x5d: {  	v10, _, _ =	vpop (xrf1)  }
0x5e: {  	v6 =	vxor.u32 $0xFFFFFFFF, v6;
	(xrf1) =	vsort.ascd.msk.u32 $0xffff, v5, v5;
	v5, _, _ =	vpop (xrf1)  }
0x5f: {  	v6 =	vsel vm0, v11, v6;
	v15 =	vandn.u32 $0xFFFFFFC0, v9;
	(xrf1) =	vsort.ascd.msk.u32 $0xffff, v7, v7;
	v7, _, _ =	vpop (xrf1)  }
0x60: {  	v8 =	vxor.u32 $0xFFFFFFFF, v12;
	(xrf1) =	vsort.ascd.msk.u32 $0xffff, v6, v6;
	v6 =	vnsel vm0, $0x0, v15;
	v11, _, _ =	vpop (xrf1)  }
0x61: {  	v12 =	vxor.u32 $0xFFFFFFFF, v13;
	(xrf2) =	vadd.scan.msk.f32 $0xffff, v6;
	v6 =	vsel vm0, v7, v8;
	v7, _, _ =	vpop (xrf1)  }
0x62: {  	v8 =	vxor.u32 $0xFFFFFFFF, v14;
	(xrf1) =	vsort.ascd.msk.u32 $0xffff, v6, v6;
	v6 =	vsel vm0, v7, v12;
	v7, _, _ =	vpop (xrf1)  }
0x63: {  	v7 =	vsel vm0, v7, v8;
	(xrf1) =	vsort.ascd.msk.u32 $0xffff, v6, v6  }
0x64: {  	v12 =	vxor.u32 $0xFFFFFFFF, v16;
	(xrf1) =	vsort.ascd.msk.u32 $0xffff, v7, v7  }
0x65: {  	v6 =	vsel vm0, v11, v12  }
0x66: {  	(xrf1) =	vsort.ascd.msk.u32 $0xffff, v6, v6;
	_ =	sdelay $0x5  }
0x67: {  	v8 =	vxor.u32 $0xFFFFFFFF, v17;
	v7, _, _ =	vpop (xrf2)  }
0x68: {  	s23 =	simm.s32 $0x340;
	v10 =	vxor.u32 $0xFFFFFFFF, v10;
	v6, _, _ =	vpop (xrf1)  }
0x69: {  	s24 =	sor.u32 $0x50, s23;
	v11, _, _ =	vpop (xrf1);
	v6 =	vsel vm0, v6, v8  }
0x6a: {  	s21 =	simm.s32 $0x300;
	v8, _, _ =	vpop (xrf1);
	(xrf1) =	vsort.ascd.msk.u32 $0xffff, v6, v6;
	v6 =	vld [tilespmem:s24+$0x0]  }
0x6b: {  	s25 =	sor.u32 $0x60, s23;
	v22 =	vld [tilespmem:s21+$0xFFFFFF20];
	v5 =	vxor.u32 $0xFFFFFFFF, v5;
	v11 =	vsel vm0, v11, v10;
	v10, _, _ =	vpop (xrf1)  }
0x6c: {  	s0 =	sor.u32 $0x70, s23;
	v5 =	vsel vm0, v8, v5;
	(xrf1) =	vsort.ascd.msk.u32 $0xffff, v11, v11;
	v8 =	vld [tilespmem:s25+$0x0];
	v13 =	vandn.u32 $0xFFFFFFC0, v10;
	v17, _, _ =	vpop (xrf1)  }
0x6d: {  	s26 =	simm.s32 $0x240;
	v19 =	vld [tilespmem:s0+$0x0];
	v7 =	vbroadcast v7, $0xF;
	(xrf1) =	vsort.ascd.msk.u32 $0xffff, v5, v5;
	v5 =	vnsel vm0, $0x0, v13;
	v14 =	vandn.u32 $0xFFFFFFC0, v17;
	v16, _, _ =	vpop (xrf1)  }
0x6e: {  	s28 =	simm.s32 $0x2C0;
	s29 =	sor.u32 $0x60, s26;
	v20 =	vld [tilespmem:s21+$0x40];
	(xrf2) =	vadd.scan.msk.f32 $0xffff, v5;
	v11 =	vandn.u32 $0xFFFFFFC0, v16;
	v5 =	vnsel vm0, $0x0, v14  }
0x6f: {  	s30 =	sor.u32 $0x60, s28;
	(erf) = vrcp.f32 v7;
	v6 =	vand.u32 $0xFFFFFFC0, v6;
	v18, _, _ =	vpop (xrf1);
	v7 =	vnsel vm0, $0x0, v11;
	(xrf2) =	vadd.scan.msk.f32 $0xffff, v5;
	v5 =	vld [tilespmem:s29+$0x0]  }
0x70: {  	v6 =	vor.u32 v1, v6;
	v12 =	vandn.u32 $0xFFFFFFC0, v18;
	(xrf2) =	vadd.scan.msk.f32 $0xffff, v7;
	v7 =	vld [tilespmem:s30+$0x0]  }
0x71: {  	v27 =	vld [tilespmem:s21+$0xFFFFFF30];
	v8 =	vand.u32 $0xFFFFFFC0, v8;
	(xrf1) =	vsort.ascd.msk.u32 $0xffff, v6, v6;
	v21 =	vnsel vm0, $0x0, v12  }
0x72: {  	s1 =	sor.u32 $0x50, s28;
	v19 =	vand.u32 $0xFFFFFFC0, v19;
	v8 =	vxor.u32 v4, v8;
	(xrf2) =	vadd.scan.msk.f32 $0xffff, v21;
	v21 =	vld [tilespmem:s21+$0xFFFFFFA0]  }
0x73: {  	v25 =	vld [tilespmem:s1+$0x0];
	v19 =	vor.u32 v2, v19;
	v20 =	vand.u32 $0xFFFFFFC0, v20;
	(xrf1) =	vsort.ascd.msk.u32 $0xffff, v8, v8  }
0x74: {  	v6 =	vld [tilespmem:s21+$0x20];
	v8 =	vxor.u32 v3, v20;
	(xrf1) =	vsort.ascd.msk.u32 $0xffff, v19, v19;
	v5 =	vand.u32 $0xFFFFFFC0, v5  }
0x75: {  	s31 =	sor.u32 $0x50, s26;
	v20 =	vld [tilespmem:s21+$0xA0];
	(xrf1) =	vsort.ascd.msk.u32 $0xffff, v8, v8;
	v5 =	vxor.u32 v4, v5;
	v7 =	vand.u32 $0xFFFFFFC0, v7  }
0x76: {  	s22 =	sor.u32 $0x70, s26;
	v23 =	vld [tilespmem:s31+$0x0];
	v8 =	vand.u32 $0xFFFFFFC0, v22;
	v7 =	vxor.u32 v4, v7;
	(xrf1) =	vsort.ascd.msk.u32 $0xffff, v5, v5  }
0x77: {  	s23 =	sor.u32 $0x70, s28;
	v24 =	vld [tilespmem:s22+$0x0];
	v5 =	vxor.u32 v4, v8;
	v8 =	vand.u32 $0xFFFFFFC0, v21;
	(xrf1) =	vsort.ascd.msk.u32 $0xffff, v7, v7  }
0x78: {  	s10 =	simm.s32 $0x3C0;
	v7 =	vxor.u32 v4, v8;
	v8 =	vld [tilespmem:s23+$0x0];
	(xrf1) =	vsort.ascd.msk.u32 $0xffff, v5, v5  }
0x79: {  	s24 =	sor.u32 $0x60, s10;
	v6 =	vand.u32 $0xFFFFFFC0, v6;
	(xrf1) =	vsort.ascd.msk.u32 $0xffff, v7, v7;
	v7 =	vld [tilespmem:s21+$0xFFFFFF10]  }
0x7a: {  	v26 =	vld [tilespmem:s24+$0x0];
	v19, _, _ =	vpop (xrf1);
	v5 =	vxor.u32 v4, v6;
	v6 =	vand.u32 $0xFFFFFFC0, v20  }
0x7b: {  	v23 =	vand.u32 $0xFFFFFFC0, v23;
	v20, _, _ =	vpop (xrf1);
	v6 =	vxor.u32 v4, v6;
	(xrf1) =	vsort.ascd.msk.u32 $0xffff, v5, v5  }
0x7c: {  	v21, _, _ =	vpop (xrf1);
	v5 =	vor.u32 v1, v23;
	v23 =	vand.u32 $0xFFFFFFC0, v24;
	(xrf1) =	vsort.ascd.msk.u32 $0xffff, v6, v6  }
0x7d: {  	v28 =	vld [tilespmem:s21+$0xFFFFFF90];
	v27 =	vand.u32 $0xFFFFFFC0, v27;
	v24 =	vand.u32 $0xFFFFFFC0, v25;
	v23 =	vor.u32 v2, v23;
	(xrf1) =	vsort.ascd.msk.u32 $0xffff, v5, v5  }
0x7e: {  	v25 =	vor.u32 v1, v24;
	v8 =	vand.u32 $0xFFFFFFC0, v8;
	(xrf1) =	vsort.ascd.msk.u32 $0xffff, v23, v23;
	v7 =	vand.u32 $0xFFFFFFC0, v7  }
0x7f: {  	v26 =	vand.u32 $0xFFFFFFC0, v26;
	v8 =	vor.u32 v2, v8;
	(xrf1) =	vsort.ascd.msk.u32 $0xffff, v25, v25;
	v25 =	vld [tilespmem:s21+$0xFFFFFFB0];
	v7 =	vor.u32 v1, v7  }
0x80: {  	v27 =	vor.u32 v2, v27;
	v26 =	vxor.u32 v4, v26;
	(xrf1) =	vsort.ascd.msk.u32 $0xffff, v8, v8;
	v8 =	vld [tilespmem:s21+$0x10]  }
0x81: {  	v30 =	vld [tilespmem:s21+$0x90];
	v29, _, _ =	vpop (xrf1);
	(xrf1) =	vsort.ascd.msk.u32 $0xffff, v26, v26  }
0x82: {  	v28 =	vand.u32 $0xFFFFFFC0, v28;
	v26 =	vld [tilespmem:s21+$0x30];
	(xrf1) =	vsort.ascd.msk.u32 $0xffff, v7, v7;
	v7, _, _ =	vpop (xrf1)  }
0x83: {  	v31 =	vld [tilespmem:s21+$0xB0];
	v28 =	vor.u32 v1, v28;
	s25 =	sor.u32 $0x50, s10;
	(xrf1) =	vsort.ascd.msk.u32 $0xffff, v27, v27;
	v7 =	vxor.u32 $0xFFFFFFFF, v7;
	v27, _, _ =	vpop (xrf1)  }
0x84: {  	s0 =	sor.u32 $0x70, s10;
	v59 =	vld [tilespmem:s25+$0x0];
	v29 =	vxor.u32 $0xFFFFFFFF, v29;
	(xrf1) =	vsort.ascd.msk.u32 $0xffff, v28, v28;
	v7 =	vsel vm0, v7, v27;
	v27, _, _ =	vpop (xrf1)  }
0x85: {  	v25 =	vand.u32 $0xFFFFFFC0, v25;
	v27 =	vsel vm0, v27, v29;
	v60, _, _ =	vpop (xrf1);
	(xrf1) =	vsort.ascd.msk.u32 $0xffff, v7, v7;
	v7 =	vand.u32 $0xFFFFFFC0, v8;
	v8 =	vld [tilespmem:s0+$0x0]  }
0x86: {  	v25 =	vor.u32 v2, v25;
	v32, _, _ =	vpop (xrf1);
	(xrf1) =	vsort.ascd.msk.u32 $0xffff, v27, v27;
	v27 =	vld [tilespmem:s21+$0xFFFFFF40]  }
0x87: {  	v26 =	vand.u32 $0xFFFFFFC0, v26;
	v7 =	vor.u32 v1, v7;
	v33, _, _ =	vpop (xrf1);
	(xrf1) =	vsort.ascd.msk.u32 $0xffff, v25, v25;
	v25 =	vld [tilespmem:s21+$0xFFFFFF80]  }
0x88: {  	v30 =	vand.u32 $0xFFFFFFC0, v30;
	v26 =	vor.u32 v2, v26;
	v34, _, _ =	vpop (xrf1);
	(xrf1) =	vsort.ascd.msk.u32 $0xffff, v7, v7  }
0x89: {  	v61 =	vld [tilespmem:s21+$0xFFFFFF00];
	v31 =	vand.u32 $0xFFFFFFC0, v31;
	v30 =	vor.u32 v1, v30;
	v35, _, _ =	vpop (xrf1);
	(xrf1) =	vsort.ascd.msk.u32 $0xffff, v26, v26  }
0x8a: {  	v28 =	vand.u32 $0xFFFFFFC0, v59;
	v7 =	vld [tilespmem:s21+$0xFFFFFFC0];
	v26 =	vor.u32 v2, v31;
	(xrf1) =	vsort.ascd.msk.u32 $0xffff, v30, v30;
	v62, _, _ =	vpop (xrf1)  }
0x8b: {  	v28 =	vor.u32 v1, v28;
	v8 =	vand.u32 $0xFFFFFFC0, v8;
	v37, _, _ =	vpop (xrf1);
	(xrf1) =	vsort.ascd.msk.u32 $0xffff, v26, v26  }
0x8c: {  	v36 =	vld [tilespmem:s21+$0x0];
	v27 =	vand.u32 $0xFFFFFFC0, v27;
	v8 =	vor.u32 v2, v8;
	v38, _, _ =	vpop (xrf1);
	(xrf1) =	vsort.ascd.msk.u32 $0xffff, v28, v28;
	v25 =	vand.u32 $0xFFFFFFC0, v25  }
0x8d: {  	v26 =	vld [tilespmem:s21+$0x80];
	v27 =	vxor.u32 v3, v27;
	v39, _, _ =	vpop (xrf1);
	(xrf1) =	vsort.ascd.msk.u32 $0xffff, v8, v8;
	v8 =	vxor.u32 v3, v25  }
0x8e: {  	v63 =	vld [tilespmem:s21+$0xC0];
	(xrf1) =	vsort.ascd.msk.u32 $0xffff, v27, v27;
	v27 =	vand.u32 $0xFFFFFFC0, v61  }
0x8f: {  	v7 =	vand.u32 $0xFFFFFFC0, v7;
	v25, _, _ =	vpop (xrf1);
	v27 =	vxor.u32 v3, v27  }
0x90: {  	v7 =	vxor.u32 v3, v7;
	(xrf1) =	vsort.ascd.msk.u32 $0xffff, v8, v8;
	v8, _, _ =	vpop (xrf1)  }
0x91: {  	v41 =	vand.u32 $0xFFFFFFC0, v36;
	(xrf1) =	vsort.ascd.msk.u32 $0xffff, v7, v7;
	v42, _, _ =	vpop (xrf1)  }
0x92: {  	v7 =	vxor.u32 v3, v41;
	v26 =	vand.u32 $0xFFFFFFC0, v26;
	(xrf1) =	vsort.ascd.msk.u32 $0xffff, v27, v27;
	v27, _, _ =	vpop (xrf1)  }
0x93: {  	v28 =	vand.u32 $0xFFFFFFC0, v63;
	v26 =	vxor.u32 v3, v26;
	(xrf1) =	vsort.ascd.msk.u32 $0xffff, v7, v7;
	v7 =	vxor.u32 $0xFFFFFFFF, v60;
	v43, _, _ =	vpop (xrf1)  }
0x94: {  	v28 =	vxor.u32 v3, v28;
	(xrf1) =	vsort.ascd.msk.u32 $0xffff, v26, v26;
	v7 =	vsel vm0, v7, v38;
	v44, _, _ =	vpop (xrf1)  }
0x95: {  	(xrf1) =	vsort.ascd.msk.u32 $0xffff, v28, v28;
	v26 =	vxor.u32 $0xFFFFFFFF, v44;
	v45, _, _ =	vpop (xrf1)  }
0x96: {  	v46 =	vxor.u32 $0xFFFFFFFF, v32;
	(xrf1) =	vsort.ascd.msk.u32 $0xffff, v7, v7;
	v26 =	vsel vm0, v45, v26  }
0x97: {  	v25 =	vsel vm0, v46, v25;
	v7, _, _ =	vpop (xrf1);
	(xrf1) =	vsort.ascd.msk.u32 $0xffff, v26, v26;
	v26 =	vxor.u32 $0xFFFFFFFF, v33  }
0x98: {  	v47, _, _ =	vpop (xrf1);
	v26 =	vsel vm0, v26, v27  }
0x99: {  	v49 =	vxor.u32 $0xFFFFFFFF, v34;
	v48, _, _ =	vpop (xrf1)  }
0x9a: {  	v7 =	vsel vm0, v49, v7;
	(xrf1) =	vsort.ascd.msk.u32 $0xffff, v25, v25;
	v27 =	vxor.u32 $0xFFFFFFFF, v35;
	v25, _, _ =	vpop (xrf1)  }
0x9b: {  	v30 =	vxor.u32 $0xFFFFFFFF, v62;
	(xrf1) =	vsort.ascd.msk.u32 $0xffff, v26, v26;
	v27 =	vsel vm0, v27, v48;
	v26, _, _ =	vpop (xrf1)  }
0x9c: {  	v6, _, _ =	vpop (xrf2);
	v26 =	vsel vm0, v30, v26  }
0x9d: {  	v6 =	vbroadcast v6, $0xF;
	(xrf1) =	vsort.ascd.msk.u32 $0xffff, v7, v7;
	v7, _, _ =	vpop (xrf1)  }
0x9e: {  	(xrf1) =	vsort.ascd.msk.u32 $0xffff, v27, v27;
	v27, _, _ =	vpop (xrf1)  }
0x9f: {  	(erf) = vrcp.f32 v6;
	v6 =	vxor.u32 $0xFFFFFFFF, v37;
	v8 =	vxor.u32 $0xFFFFFFFF, v8;
	(xrf1) =	vsort.ascd.msk.u32 $0xffff, v26, v26;
	v26, _, _ =	vpop (xrf1)  }
0xa0: {  	v22 =	vpop (erf);
	v8 =	vsel vm0, v8, v27;
	v6 =	vsel vm0, v26, v6  }
0xa1: {  	v5, _, _ =	vpop (xrf2);
	(xrf1) =	vsort.ascd.msk.u32 $0xffff, v8, v8;
	v8 =	vxor.u32 $0xFFFFFFFF, v39  }
0xa2: {  	v26, _, _ =	vpop (xrf1)  }
0xa3: {  	v27 =	vxor.u32 $0xFFFFFFFF, v43;
	(xrf1) =	vsort.ascd.msk.u32 $0xffff, v6, v6;
	v6, _, _ =	vpop (xrf1)  }
0xa4: {  	v26 =	vsel vm0, v26, v27;
	v27 =	vxor.u32 $0xFFFFFFFF, v42;
	v6 =	vsel vm0, v6, v8;
	v8, _, _ =	vpop (xrf1)  }
0xa5: {  	v24, _, _ =	vpop (xrf2);
	(xrf1) =	vsort.ascd.msk.u32 $0xffff, v26, v26;
	v8 =	vsel vm0, v8, v27  }
0xa6: {  	s28 =	simm.s32 $0x28;
	v23, _, _ =	vpop (xrf2);
	(xrf1) =	vsort.ascd.msk.u32 $0xffff, v6, v6  }
0xa7: {  	v52 =	vadd.s32 s28, v0;
	(xrf1) =	vsort.ascd.msk.u32 $0xffff, v8, v8;
	v6, _, _ =	vpop (xrf1)  }
0xa8: {  	v26 =	vxor.u32 $0xFFFFFFFF, v47;
	v8, _, _ =	vpop (xrf1)  }
0xa9: {  	s1 =	simm.s32 $0x18;
	s31 =	simm.s32 $0x10;
	v27, _, _ =	vpop (xrf1)  }
0xaa: {  	v58 =	vadd.s32 s1, v0;
	v56 =	vor.u32 s31, v0;
	v50, _, _ =	vpop (xrf1)  }
0xab: {  	v9 =	vand.u32 $0x3F, v9;
	v25 =	vxor.u32 $0xFFFFFFFF, v25;
	v6 =	vsel vm0, v6, v26;
	v26, _, _ =	vpop (xrf1)  }
0xac: {  	[tilespmem:v52+s14+$0x0] =	vst.idx.msk $0xff, v9;
	v7 =	vxor.u32 $0xFFFFFFFF, v7;
	v8 =	vsel vm0, v8, v25;
	(xrf1) =	vsort.ascd.msk.u32 $0xffff, v6, v6;
	v51, _, _ =	vpop (xrf1)  }
0xad: {  	s24 =	simm.s32 $0x30;
	s29 =	simm.s32 $0x0;
	v6 =	vbroadcast v5, $0xF;
	v5 =	vsel vm0, v27, v7;
	(xrf1) =	vsort.ascd.msk.u32 $0xffff, v8, v8;
	v27 =	vandn.u32 $0xFFFFFFC0, v26;
	v53, _, _ =	vpop (xrf1)  }
0xae: {  	v9 =	vor.u32 s24, v0;
	v54 =	vor.u32 s29, v0;
	(xrf1) =	vsort.ascd.msk.u32 $0xffff, v5, v5;
	v7 =	vnsel vm0, $0x0, v27;
	v57, _, _ =	vpop (xrf1)  }
0xaf: {  	v17 =	vand.u32 $0x3F, v17;
	v18 =	vand.u32 $0x3F, v18;
	s30 =	simm.s32 $0x8;
	(erf) = vrcp.f32 v6;
	(xrf2) =	vadd.scan.msk.f32 $0xffff, v7;
	v59, _, _ =	vpop (xrf1)  }
0xb0: {  	[tilespmem:v58+s14+$0x0] =	vst.idx.msk $0xff, v17;
	v55 =	vadd.s32 s30, v0;
	v15 =	vmul.f32 v15, v22;
	v7 =	vandn.u32 $0xFFFFFFC0, v20;
	v61, _, _ =	vpop (xrf1)  }
0xb1: {  	v10 =	vand.u32 $0x3F, v10;
	[tilespmem:v56+s14+$0x0] =	vst.idx.msk $0xff, v18;
	v8 =	vandn.u32 $0xFFFFFFC0, v19;
	v22 =	vnsel vm0, $0x0, v7;
	v62, _, _ =	vpop (xrf1)  }
0xb2: {  	s26 =	simm.s32 $0x38;
	v16 =	vand.u32 $0x3F, v16;
	[tilespmem:v52+s15+$0x0] =	vst.idx.msk $0xff, v15;
	v24 =	vbroadcast v24, $0xF;
	v60 =	vnsel vm0, $0x0, v8;
	v40, _, _ =	vpop (xrf1)  }
0xb3: {  	[tilespmem:v54+s14+$0x0] =	vst.idx.msk $0xff, v16;
	v18 =	vand.u32 $0x3F, v19;
	v5 =	vadd.s32 s26, v0;
	(xrf2) =	vadd.scan.msk.f32 $0xffff, v60;
	v63, _, _ =	vpop (xrf1)  }
0xb4: {  	v28 =	vxor.u32 $0xFFFFFFFF, v50;
	(erf) = vrcp.f32 v24;
	v15 =	vxor.u32 $0xFFFFFFFF, v51;
	(xrf2) =	vadd.scan.msk.f32 $0xffff, v22;
	v22, _, _ =	vpop (xrf1)  }
0xb5: {  	[tilespmem:v55+s14+$0x0] =	vst.idx.msk $0xff, v10;
	v17 =	vxor.u32 $0xFFFFFFFF, v53;
	v24 =	vsel vm0, v40, v28;
	v15 =	vsel vm0, v22, v15;
	v22, _, _ =	vpop (xrf1)  }
0xb6: {  	s10 =	simm.s32 $0x20;
	v23 =	vbroadcast v23, $0xF;
	v25 =	vpop (erf);
	v19 =	vand.u32 $0x3F, v20;
	(xrf1) =	vsort.ascd.msk.u32 $0xffff, v24, v24;
	v17 =	vsel vm0, v22, v17  }
0xb7: {  	v13 =	vmul.f32 v13, v25;
	v6 =	vor.u32 s10, v0;
	(xrf1) =	vsort.ascd.msk.u32 $0xffff, v15, v15;
	v15 =	vand.u32 $0x3F, v21  }
0xb8: {  	v10 =	vandn.u32 $0xFFFFFFC0, v21;
	[tilespmem:v9+s14+$0x0] =	vst.idx.msk $0xff, v19;
	(erf) = vrcp.f32 v23;
	v16 =	vpop (erf)  }
0xb9: {  	[tilespmem:v55+s15+$0x0] =	vst.idx.msk $0xff, v13;
	v13 =	vxor.u32 $0xFFFFFFFF, v57;
	v14 =	vmul.f32 v14, v16;
	(xrf1) =	vsort.ascd.msk.u32 $0xffff, v17, v17;
	v17, _, _ =	vpop (xrf2)  }
0xba: {  	v19 =	vxor.u32 $0xFFFFFFFF, v59;
	v13 =	vsel vm0, v63, v13;
	v21 =	vxor.u32 $0xFFFFFFFF, v61;
	[tilespmem:v5+s14+$0x0] =	vst.idx.msk $0xff, v15;
	v15, _, _ =	vpop (xrf1)  }
0xbb: {  	[tilespmem:v58+s15+$0x0] =	vst.idx.msk $0xff, v14;
	(xrf1) =	vsort.ascd.msk.u32 $0xffff, v13, v13;
	v17 =	vbroadcast v17, $0xF;
	v20, _, _ =	vpop (xrf1);
	v14 =	vsel vm0, v15, v19  }
0xbc: {  	[tilespmem:v6+s14+$0x0] =	vst.idx.msk $0xff, v18;
	v23 =	vxor.u32 $0xFFFFFFFF, v62;
	v18, _, _ =	vpop (xrf1);
	v13 =	vsel vm0, v20, v21;
	(xrf1) =	vsort.ascd.msk.u32 $0xffff, v14, v14  }
0xbd: {  	(erf) = vrcp.f32 v17;
	v14 =	vsel vm0, v18, v23;
	(xrf1) =	vsort.ascd.msk.u32 $0xffff, v13, v13  }
0xbe: {  	(xrf1) =	vsort.ascd.msk.u32 $0xffff, v14, v14  }
0xbf: {  	v22 =	vpop (erf)  }
0xc0: {  	s30 =	simm.s32 $0x60;
	v16, _, _ =	vpop (xrf2)  }
0xc1: {  	v24 =	vor.u32 s30, v0;
	v22 =	vmul.f32 v11, v22;
	v15 =	vpop (erf)  }
0xc2: {  	s28 =	simm.s32 $0x48;
	s22 =	simm.s32 $0x78;
	s26 =	simm.s32 $0x68;
	v19 =	vbroadcast v16, $0xF;
	v15 =	vmul.f32 v12, v15;
	v17 =	vnsel vm0, $0x0, v10  }
0xc3: {  	s25 =	simm.s32 $0x40;
	s29 =	simm.s32 $0x50;
	v11, _, _ =	vpop (xrf2);
	v20 =	vadd.s32 s22, v0;
	v16 =	vadd.s32 s26, v0;
	v21 =	vadd.s32 s28, v0;
	(xrf2) =	vadd.scan.msk.f32 $0xffff, v17  }
0xc4: {  	v12 =	vor.u32 s29, v0;
	v18 =	vbroadcast v11, $0xF;
	v11 =	vor.u32 s25, v0;
	s25 =	simm.s32 $0x58  }
0xc5: {  	v13 =	vadd.s32 s25, v0;
	(erf) = vrcp.f32 v19;
	[tilespmem:v56+s15+$0x0] =	vst.idx.msk $0xff, v15;
	v15 =	vand.u32 $0x3F, v26;
	v14, _, _ =	vpop (xrf1)  }
0xc6: {  	s31 =	simm.s32 $0x70;
	[tilespmem:v54+s15+$0x0] =	vst.idx.msk $0xff, v22;
	(erf) = vrcp.f32 v18;
	v25 =	vand.u32 $0x3F, v14;
	v22 =	vandn.u32 $0xFFFFFFC0, v14;
	v14 =	vpop (erf)  }
0xc7: {  	v23 =	vor.u32 s31, v0;
	v19 =	vnsel vm0, $0x0, v22;
	v18 =	vmul.f32 v27, v14;
	v14, _, _ =	vpop (xrf1)  }
0xc8: {  	s24 =	simm.s32 $0x5C0;
	s23 =	simm.s32 $0x8;
	[tilespmem:v16+s14+$0x0] =	vst.idx.msk $0xff, v15;
	(xrf2) =	vadd.scan.msk.f32 $0xffff, v19;
	v17 =	vand.u32 $0x3F, v14;
	v14 =	vandn.u32 $0xFFFFFFC0, v14;
	v15, _, _ =	vpop (xrf1)  }
.LBB2_2:
0xc9: {  	s25 =	sadd.s32 $0xFFFFFE80, s24;
	s26 =	sadd.s32 $0xFFFFFF00, s24;
	s28 =	sadd.s32 $0xFFFFFF80, s24;
	v19 =	vand.u32 $0x3F, v15;
	v15 =	vandn.u32 $0xFFFFFFC0, v15;
	v26 =	vnsel vm0, $0x0, v14;
	[tilespmem:v16+s15+$0x0] =	vst.idx.msk $0xff, v18;
	v16, _, _ =	vpop (xrf1)  }
0xca: {  	s23 =	sadd.s32 $0x8, s23;
	s1 =	sor.u32 $0x60, s25;
	s0 =	sor.u32 $0x50, s28;
	v27 =	vnsel vm0, $0x0, v15;
	v18 =	vand.u32 $0x3F, v16;
	v16 =	vandn.u32 $0xFFFFFFC0, v16;
	[tilespmem:v13+s14+$0x0] =	vst.idx.msk $0xff, v17;
	v17, _, _ =	vpop (xrf1)  }
0xcb: {  	s10 =	sor.u32 $0x60, s26;
	s30 =	sor.u32 $0x60, s28;
	p0 =	slt.u32 s23, $0x78;
	v28 =	vld [tilespmem:s0+$0x0];
	v29 =	vnsel vm0, $0x0, v16;
	v30 =	vand.u32 $0x3F, v17;
	v31 =	vandn.u32 $0xFFFFFFC0, v17;
	(xrf2) =	vadd.scan.msk.f32 $0xffff, v26;
	v17, _, _ =	vpop (xrf1)  }
0xcc: {  	s29 =	sor.u32 $0x70, s25;
	s0 =	sor.u32 $0x50, s25;
	s25 =	sor.u32 $0x70, s28;
	v26 =	vld [tilespmem:s30+$0x0];
	[tilespmem:v11+s14+$0x0] =	vst.idx.msk $0xff, v19;
	v19 =	vnsel vm0, $0x0, v31;
	v32 =	vand.u32 $0x3F, v17;
	v33 =	vandn.u32 $0xFFFFFFC0, v17;
	v17, _, _ =	vpop (xrf1)  }
0xcd: {  	s21 =	sadd.s32 $0x200, s21;
	s28 =	sor.u32 $0x70, s26;
	s30 =	sor.u32 $0x50, s26;
	v34 =	vld [tilespmem:s25+$0x0];
	[tilespmem:v12+s14+$0x0] =	vst.idx.msk $0xff, v18;
	v18 =	vnsel vm0, $0x0, v33;
	v39 =	vand.u32 $0x3F, v17;
	v36 =	vandn.u32 $0xFFFFFFC0, v17;
	v37, _, _ =	vpop (xrf2)  }
0xce: {  	s31 =	sor.u32 $0x60, s24;
	s26 =	sor.u32 $0x50, s24;
	s25 =	sor.u32 $0x70, s24;
	v38 =	vld [tilespmem:s21+$0x40];
	v17 =	vnsel vm0, $0x0, v36;
	[tilespmem:v20+s14+$0x0] =	vst.idx.msk $0xff, v39;
	(xrf2) =	vadd.scan.msk.f32 $0xffff, v27;
	v27 =	vbroadcast v37, $0xF;
	v35 =	vpop (erf)  }
0xcf: {  	v37 =	vld [tilespmem:s1+$0x0];
	[tilespmem:v21+s14+$0x0] =	vst.idx.msk $0xff, v25;
	v25 =	vmul.f32 v8, v35;
	v35 =	vpop (erf);
	v8 =	vmov v31  }
0xd0: {  	v31 =	vld [tilespmem:s10+$0x0];
	v39 =	vand.u32 $0xFFFFFFC0, v28;
	[tilespmem:v24+s14+$0x0] =	vst.idx.msk $0xff, v30;
	v30 =	vmul.f32 v7, v35;
	(erf) = vrcp.f32 v27;
	v7 =	vmovc v33  }
0xd1: {  	v27 =	vld [tilespmem:s21+$0xFFFFFF20];
	v33 =	vor.u32 v1, v39;
	v26 =	vand.u32 $0xFFFFFFC0, v26;
	(xrf2) =	vadd.scan.msk.f32 $0xffff, v29;
	[tilespmem:v6+s15+$0x0] =	vst.idx.msk $0xff, v25;
	v6 =	vmovc v24  }
0xd2: {  	v24 =	vld [tilespmem:s21+$0xFFFFFFA0];
	v25 =	vand.u32 $0xFFFFFFC0, v34;
	v26 =	vxor.u32 v4, v26;
	(xrf1) =	vsort.ascd.msk.u32 $0xffff, v33, v33;
	v28, _, _ =	vpop (xrf2);
	[tilespmem:v9+s15+$0x0] =	vst.idx.msk $0xff, v30  }
0xd3: {  	v9 =	vmovc v23;
	v29 =	vld [tilespmem:s21+$0x20];
	v30 =	vand.u32 $0xFFFFFFC0, v38;
	v25 =	vor.u32 v2, v25;
	(xrf1) =	vsort.ascd.msk.u32 $0xffff, v26, v26;
	v34 =	vbroadcast v28, $0xF  }
0xd4: {  	v28 =	vand.u32 $0xFFFFFFC0, v37;
	v30 =	vxor.u32 v3, v30;
	v33 =	vld [tilespmem:s21+$0xA0];
	(xrf1) =	vsort.ascd.msk.u32 $0xffff, v25, v25;
	[tilespmem:v23+s14+$0x0] =	vst.idx.msk $0xff, v32  }
0xd5: {  	v32 =	vld [tilespmem:s0+$0x0];
	v23 =	vxor.u32 v4, v28;
	v25 =	vand.u32 $0xFFFFFFC0, v31;
	(xrf1) =	vsort.ascd.msk.u32 $0xffff, v30, v30;
	(erf) = vrcp.f32 v34;
	v26, _, _ =	vpop (xrf2)  }
0xd6: {  	v27 =	vand.u32 $0xFFFFFFC0, v27;
	v28 =	vld [tilespmem:s29+$0x0];
	v30 =	vxor.u32 v4, v25;
	(xrf1) =	vsort.ascd.msk.u32 $0xffff, v23, v23;
	v25 =	vbroadcast v26, $0xF  }
0xd7: {  	v31 =	vxor.u32 v4, v27;
	v35 =	vand.u32 $0xFFFFFFC0, v24;
	v26 =	vld [tilespmem:s30+$0x0];
	(xrf1) =	vsort.ascd.msk.u32 $0xffff, v30, v30  }
0xd8: {  	v34 =	vxor.u32 v4, v35;
	v27 =	vld [tilespmem:s28+$0x0];
	v29 =	vand.u32 $0xFFFFFFC0, v29;
	(xrf1) =	vsort.ascd.msk.u32 $0xffff, v31, v31;
	v23, _, _ =	vpop (xrf2)  }
0xd9: {  	v29 =	vxor.u32 v4, v29;
	v37 =	vand.u32 $0xFFFFFFC0, v33;
	v31 =	vld [tilespmem:s31+$0x0];
	(xrf1) =	vsort.ascd.msk.u32 $0xffff, v34, v34;
	v23 =	vbroadcast v23, $0xF;
	v24 =	vpop (erf)  }
0xda: {  	v33 =	vld [tilespmem:s21+$0xFFFFFF10];
	v32 =	vand.u32 $0xFFFFFFC0, v32;
	v35 =	vxor.u32 v4, v37;
	(xrf1) =	vsort.ascd.msk.u32 $0xffff, v29, v29;
	v29 =	vmul.f32 v10, v24  }
0xdb: {  	v10 =	vmov v36;
	v34 =	vld [tilespmem:s21+$0xFFFFFF30];
	v24 =	vor.u32 v1, v32;
	v28 =	vand.u32 $0xFFFFFFC0, v28;
	(xrf1) =	vsort.ascd.msk.u32 $0xffff, v35, v35;
	v30, _, _ =	vpop (xrf2)  }
0xdc: {  	v28 =	vor.u32 v2, v28;
	v32 =	vld [tilespmem:s21+$0xFFFFFF90];
	v36 =	vand.u32 $0xFFFFFFC0, v26;
	(xrf1) =	vsort.ascd.msk.u32 $0xffff, v24, v24;
	v24 =	vbroadcast v30, $0xF  }
0xdd: {  	v30 =	vld [tilespmem:s21+$0xFFFFFFB0];
	v35 =	vor.u32 v1, v36;
	v27 =	vand.u32 $0xFFFFFFC0, v27;
	(xrf1) =	vsort.ascd.msk.u32 $0xffff, v28, v28;
	[tilespmem:v5+s15+$0x0] =	vst.idx.msk $0xff, v29  }
0xde: {  	v5 =	vmov v20;
	v27 =	vor.u32 v2, v27;
	v28 =	vld [tilespmem:s21+$0x10];
	v29 =	vand.u32 $0xFFFFFFC0, v31;
	(xrf1) =	vsort.ascd.msk.u32 $0xffff, v35, v35;
	v26 =	vpop (erf)  }
0xdf: {  	v36 =	vand.u32 $0xFFFFFFC0, v33;
	v31 =	vld [tilespmem:s21+$0x30];
	v29 =	vxor.u32 v4, v29;
	(xrf1) =	vsort.ascd.msk.u32 $0xffff, v27, v27;
	v22 =	vmul.f32 v22, v26  }
0xe0: {  	v35 =	vor.u32 v1, v36;
	v36 =	vand.u32 $0xFFFFFFC0, v34;
	v27 =	vld [tilespmem:s21+$0x90];
	v33, _, _ =	vpop (xrf1);
	(xrf1) =	vsort.ascd.msk.u32 $0xffff, v29, v29  }
0xe1: {  	v34 =	vor.u32 v2, v36;
	v29 =	vand.u32 $0xFFFFFFC0, v32;
	v32 =	vld [tilespmem:s21+$0xB0];
	(xrf1) =	vsort.ascd.msk.u32 $0xffff, v35, v35;
	v20, _, _ =	vpop (xrf1);
	[tilespmem:v21+s15+$0x0] =	vst.idx.msk $0xff, v22  }
0xe2: {  	v35 =	vor.u32 v1, v29;
	v22 =	vand.u32 $0xFFFFFFC0, v30;
	v20 =	vxor.u32 $0xFFFFFFFF, v20;
	v29 =	vld [tilespmem:s26+$0x0];
	(xrf1) =	vsort.ascd.msk.u32 $0xffff, v34, v34;
	v26, _, _ =	vpop (xrf1)  }
0xe3: {  	v36 =	vxor.u32 $0xFFFFFFFF, v33;
	v28 =	vand.u32 $0xFFFFFFC0, v28;
	v20 =	vsel vm0, v20, v26;
	v26 =	vld [tilespmem:s25+$0x0];
	(xrf1) =	vsort.ascd.msk.u32 $0xffff, v35, v35;
	v21, _, _ =	vpop (xrf1)  }
0xe4: {  	v22 =	vor.u32 v2, v22;
	v33 =	vld [tilespmem:s21+$0xFFFFFF40];
	v31 =	vand.u32 $0xFFFFFFC0, v31;
	v21 =	vsel vm0, v21, v36;
	v30, _, _ =	vpop (xrf1);
	(xrf1) =	vsort.ascd.msk.u32 $0xffff, v20, v20  }
0xe5: {  	v28 =	vor.u32 v1, v28;
	v20 =	vld [tilespmem:s21+$0xFFFFFF80];
	v31 =	vor.u32 v2, v31;
	v27 =	vand.u32 $0xFFFFFFC0, v27;
	v34, _, _ =	vpop (xrf1);
	(xrf1) =	vsort.ascd.msk.u32 $0xffff, v21, v21  }
0xe6: {  	v21 =	vxor.u32 $0xFFFFFFFF, v30;
	v30 =	vld [tilespmem:s21+$0xFFFFFFC0];
	v27 =	vor.u32 v1, v27;
	v32 =	vand.u32 $0xFFFFFFC0, v32;
	v35, _, _ =	vpop (xrf1);
	(xrf1) =	vsort.ascd.msk.u32 $0xffff, v22, v22  }
0xe7: {  	v22 =	vxor.u32 $0xFFFFFFFF, v34;
	v34 =	vld [tilespmem:s21+$0x0];
	v32 =	vor.u32 v2, v32;
	v29 =	vand.u32 $0xFFFFFFC0, v29;
	v36, _, _ =	vpop (xrf1);
	(xrf1) =	vsort.ascd.msk.u32 $0xffff, v28, v28  }
0xe8: {  	v28 =	vxor.u32 $0xFFFFFFFF, v35;
	v35 =	vld [tilespmem:s21+$0x80];
	v29 =	vor.u32 v1, v29;
	v26 =	vand.u32 $0xFFFFFFC0, v26;
	v37, _, _ =	vpop (xrf1);
	(xrf1) =	vsort.ascd.msk.u32 $0xffff, v31, v31  }
0xe9: {  	v36 =	vxor.u32 $0xFFFFFFFF, v36;
	v31 =	vld [tilespmem:s21+$0xFFFFFF00];
	v33 =	vand.u32 $0xFFFFFFC0, v33;
	v26 =	vor.u32 v2, v26;
	(xrf1) =	vsort.ascd.msk.u32 $0xffff, v27, v27;
	v27, _, _ =	vpop (xrf1)  }
0xea: {  	v37 =	vxor.u32 $0xFFFFFFFF, v37;
	v33 =	vxor.u32 v3, v33;
	v20 =	vand.u32 $0xFFFFFFC0, v20;
	v38 =	vld [tilespmem:s21+$0xC0];
	v39, _, _ =	vpop (xrf1);
	(xrf1) =	vsort.ascd.msk.u32 $0xffff, v32, v32  }
0xeb: {  	v27 =	vxor.u32 $0xFFFFFFFF, v27;
	v20 =	vxor.u32 v3, v20;
	v30 =	vand.u32 $0xFFFFFFC0, v30;
	v32, _, _ =	vpop (xrf1);
	(xrf1) =	vsort.ascd.msk.u32 $0xffff, v29, v29  }
0xec: {  	v21 =	vsel vm0, v21, v32;
	v29 =	vxor.u32 v3, v30;
	v30 =	vand.u32 $0xFFFFFFC0, v34;
	v32, _, _ =	vpop (xrf1);
	(xrf1) =	vsort.ascd.msk.u32 $0xffff, v26, v26  }
0xed: {  	v26 =	vxor.u32 $0xFFFFFFFF, v39;
	v30 =	vxor.u32 v3, v30;
	v34 =	vand.u32 $0xFFFFFFC0, v35;
	(xrf1) =	vsort.ascd.msk.u32 $0xffff, v33, v33;
	v33, _, _ =	vpop (xrf1)  }
0xee: {  	v40 =	vand.u32 $0xFFFFFFC0, v31;
	v22 =	vsel vm0, v22, v33;
	v33 =	vxor.u32 v3, v34;
	(xrf1) =	vsort.ascd.msk.u32 $0xffff, v20, v20;
	v20, _, _ =	vpop (xrf1)  }
0xef: {  	v32 =	vxor.u32 $0xFFFFFFFF, v32;
	v39 =	vxor.u32 v3, v40;
	v34 =	vand.u32 $0xFFFFFFC0, v38;
	v35, _, _ =	vpop (xrf1);
	(xrf1) =	vsort.ascd.msk.u32 $0xffff, v29, v29  }
0xf0: {  	v20 =	vxor.u32 $0xFFFFFFFF, v20;
	v29 =	vxor.u32 $0xFFFFFFFF, v35;
	v34 =	vxor.u32 v3, v34;
	(xrf1) =	vsort.ascd.msk.u32 $0xffff, v39, v39;
	v31, _, _ =	vpop (xrf1)  }
0xf1: {  	v28 =	vsel vm0, v28, v31;
	v31, _, _ =	vpop (xrf1);
	(xrf1) =	vsort.ascd.msk.u32 $0xffff, v30, v30  }
0xf2: {  	v30 =	vxor.u32 $0xFFFFFFFF, v31;
	v31, _, _ =	vpop (xrf1);
	(xrf1) =	vsort.ascd.msk.u32 $0xffff, v33, v33  }
0xf3: {  	v31 =	vxor.u32 $0xFFFFFFFF, v31;
	v33, _, _ =	vpop (xrf1);
	(xrf1) =	vsort.ascd.msk.u32 $0xffff, v34, v34  }
0xf4: {  	v31 =	vsel vm0, v33, v31;
	(xrf1) =	vsort.ascd.msk.u32 $0xffff, v21, v21;
	v21, _, _ =	vpop (xrf1)  }
0xf5: {  	v21 =	vsel vm0, v36, v21;
	v33, _, _ =	vpop (xrf1);
	(xrf1) =	vsort.ascd.msk.u32 $0xffff, v31, v31  }
0xf6: {  	v31 =	vxor.u32 $0xFFFFFFFF, v33;
	(xrf1) =	vsort.ascd.msk.u32 $0xffff, v22, v22;
	v22, _, _ =	vpop (xrf1)  }
0xf7: {  	v33 =	vsel vm0, v37, v22;
	(xrf1) =	vsort.ascd.msk.u32 $0xffff, v28, v28;
	v28, _, _ =	vpop (xrf1)  }
0xf8: {  	v28 =	vxor.u32 $0xFFFFFFFF, v28;
	(xrf1) =	vsort.ascd.msk.u32 $0xffff, v21, v21;
	v21, _, _ =	vpop (xrf1)  }
0xf9: {  	v27 =	vsel vm0, v27, v21;
	(xrf1) =	vsort.ascd.msk.u32 $0xffff, v33, v33;
	v22, _, _ =	vpop (xrf1)  }
0xfa: {  	v22 =	vxor.u32 $0xFFFFFFFF, v22;
	(xrf1) =	vsort.ascd.msk.u32 $0xffff, v27, v27;
	v21, _, _ =	vpop (xrf1)  }
0xfb: {  	v20 =	vsel vm0, v20, v21;
	v21, _, _ =	vpop (xrf1)  }
0xfc: {  	v27 =	vsel vm0, v21, v26;
	v26, _, _ =	vpop (xrf1);
	(xrf1) =	vsort.ascd.msk.u32 $0xffff, v20, v20  }
0xfd: {  	v20 =	vsel vm0, v26, v30;
	(xrf1) =	vsort.ascd.msk.u32 $0xffff, v27, v27;
	v21, _, _ =	vpop (xrf1)  }
0xfe: {  	v27 =	vsel vm0, v21, v32;
	v26, _, _ =	vpop (xrf1);
	(xrf1) =	vsort.ascd.msk.u32 $0xffff, v20, v20  }
0xff: {  	v26 =	vsel vm0, v26, v29;
	(xrf1) =	vsort.ascd.msk.u32 $0xffff, v27, v27;
	v21, _, _ =	vpop (xrf1)  }
0x100: {  	v27 =	vsel vm0, v21, v31;
	(xrf1) =	vsort.ascd.msk.u32 $0xffff, v26, v26;
	v20, _, _ =	vpop (xrf1);
	(erf) = vrcp.f32 v25  }
0x101: {  	v20 =	vsel vm0, v20, v28;
	(xrf1) =	vsort.ascd.msk.u32 $0xffff, v27, v27;
	v21, _, _ =	vpop (xrf1)  }
0x102: {  	v21 =	vsel vm0, v21, v22;
	v22, _, _ =	vpop (xrf1)  }
0x103: {  	v22 =	vxor.u32 $0xFFFFFFFF, v22;
	v26, _, _ =	vpop (xrf1);
	(xrf1) =	vsort.ascd.msk.u32 $0xffff, v20, v20  }
0x104: {  	v27 =	vandn.u32 $0xFFFFFFC0, v26;
	v20, _, _ =	vpop (xrf1);
	(xrf1) =	vsort.ascd.msk.u32 $0xffff, v21, v21  }
0x105: {  	v20 =	vxor.u32 $0xFFFFFFFF, v20;
	v21 =	vnsel vm0, $0x0, v27;
	v25, _, _ =	vpop (xrf1)  }
0x106: {  	v25 =	vxor.u32 $0xFFFFFFFF, v25;
	v28, _, _ =	vpop (xrf1);
	(xrf2) =	vadd.scan.msk.f32 $0xffff, v21  }
0x107: {  	v21 =	vxor.u32 $0xFFFFFFFF, v28;
	v28, _, _ =	vpop (xrf1)  }
0x108: {  	v28 =	vxor.u32 $0xFFFFFFFF, v28;
	v29, _, _ =	vpop (xrf1)  }
0x109: {  	v29 =	vxor.u32 $0xFFFFFFFF, v29;
	v30 =	vpop (erf);
	(xrf2) =	vadd.scan.msk.f32 $0xffff, v19  }
0x10a: {  	v19, _, _ =	vpop (xrf1);
	v31 =	vmul.f32 v14, v30  }
0x10b: {  	v19 =	vxor.u32 $0xFFFFFFFF, v19;
	v30, _, _ =	vpop (xrf1);
	(erf) = vrcp.f32 v23  }
0x10c: {  	v22 =	vsel vm0, v30, v22;
	v23, _, _ =	vpop (xrf1);
	[tilespmem:v13+s15+$0x0] =	vst.idx.msk $0xff, v31;
	(erf) = vrcp.f32 v24;
	(xrf2) =	vadd.scan.msk.f32 $0xffff, v18  }
0x10d: {  	v13 =	vsel vm0, v23, v21;
	(xrf1) =	vsort.ascd.msk.u32 $0xffff, v22, v22;
	v14, _, _ =	vpop (xrf1)  }
0x10e: {  	v20 =	vsel vm0, v14, v20;
	v18, _, _ =	vpop (xrf1)  }
0x10f: {  	v21 =	vsel vm0, v18, v25;
	(xrf1) =	vsort.ascd.msk.u32 $0xffff, v20, v20;
	v14, _, _ =	vpop (xrf1)  }
0x110: {  	v20 =	vsel vm0, v14, v28;
	(xrf1) =	vsort.ascd.msk.u32 $0xffff, v21, v21;
	v18, _, _ =	vpop (xrf2)  }
0x111: {  	v18 =	vbroadcast v18, $0xF;
	(xrf1) =	vsort.ascd.msk.u32 $0xffff, v13, v13;
	v13, _, _ =	vpop (xrf1)  }
0x112: {  	v21 =	vsel vm0, v13, v29;
	(xrf1) =	vsort.ascd.msk.u32 $0xffff, v20, v20;
	v14, _, _ =	vpop (xrf1)  }
0x113: {  	v14 =	vsel vm0, v14, v19;
	(erf) = vrcp.f32 v18;
	(xrf1) =	vsort.ascd.msk.u32 $0xffff, v21, v21;
	v13, _, _ =	vpop (xrf2)  }
0x114: {  	(xrf1) =	vsort.ascd.msk.u32 $0xffff, v14, v14;
	v14 =	vbroadcast v13, $0xF;
	v13 =	vpop (erf)  }
0x115: {  	v13 =	vmul.f32 v15, v13;
	v15 =	vpop (erf)  }
0x116: {  	v15 =	vmul.f32 v16, v15;
	v16, _, _ =	vpop (xrf2)  }
0x117: {  	s22 =	sadd.s32 $0x40, s22;
	[tilespmem:v11+s15+$0x0] =	vst.idx.msk $0xff, v13;
	v18 =	vbroadcast v16, $0xF  }
0x118: {  	s1 =	sadd.s32 $0xFFFFFFD0, s22;
	s10 =	sadd.s32 $0xFFFFFFF0, s22;
	s0 =	sadd.s32 $0xFFFFFFC8, s22;
	v20 =	vadd.s32 s22, v0;
	[tilespmem:v12+s15+$0x0] =	vst.idx.msk $0xff, v15  }
0x119: {  	s25 =	sadd.s32 $0xFFFFFFE8, s22;
	v21 =	vadd.s32 s1, v0;
	s1 =	sadd.s32 $0xFFFFFFE0, s22;
	v11 =	vor.u32 s0, v0;
	s0 =	sadd.s32 $0xFFFFFFD8, s22;
	v16 =	vadd.s32 s10, v0;
	(xrf2) =	vadd.scan.msk.f32 $0xffff, v17  }
.Ltmp0:
0x11a: {  	v24 =	vor.u32 s25, v0;
	v13 =	vadd.s32 s1, v0;
	v12 =	vor.u32 s0, v0;
	s0 =	sadd.s32 $0xFFFFFFF8, s22;
	(pc) =	sbr.rel @p0 .LBB2_2-.Ltmp0, $4  }
0x11b: {  	v23 =	vor.u32 s0, v0;
	v15, _, _ =	vpop (xrf1);
	(erf) = vrcp.f32 v14  }
0x11c: {  	v25 =	vand.u32 $0x3F, v15;
	v22 =	vandn.u32 $0xFFFFFFC0, v15;
	v14 =	vpop (erf);
	(erf) = vrcp.f32 v18  }
0x11d: {  	v26 =	vand.u32 $0x3F, v26;
	v19 =	vnsel vm0, $0x0, v22;
	v18 =	vmul.f32 v27, v14;
	v14, _, _ =	vpop (xrf1)  }
0x11e: {  	s24 =	sadd.s32 $0x200, s24;
	v17 =	vand.u32 $0x3F, v14;
	v14 =	vandn.u32 $0xFFFFFFC0, v14;
	[tilespmem:v16+s14+$0x0] =	vst.idx.msk $0xff, v26;
	v15, _, _ =	vpop (xrf1);
	(xrf2) =	vadd.scan.msk.f32 $0xffff, v19  }
0x11f: {  	v19 =	vandn.u32 $0xFFFFFFC0, v15;
	v26 =	vnsel vm0, $0x0, v14;
	v27, _, _ =	vpop (xrf1)  }
0x120: {  	v28 =	vnsel vm0, $0x0, v19;
	v29 =	vandn.u32 $0xFFFFFFC0, v27;
	v30, _, _ =	vpop (xrf1);
	(xrf2) =	vadd.scan.msk.f32 $0xffff, v26  }
0x121: {  	v26 =	vnsel vm0, $0x0, v29;
	v31 =	vandn.u32 $0xFFFFFFC0, v30;
	(xrf2) =	vadd.scan.msk.f32 $0xffff, v28  }
0x122: {  	v32, _, _ =	vpop (xrf1);
	v28 =	vnsel vm0, $0x0, v31;
	(xrf2) =	vadd.scan.msk.f32 $0xffff, v26  }
0x123: {  	v33 =	vandn.u32 $0xFFFFFFC0, v32;
	(xrf2) =	vadd.scan.msk.f32 $0xffff, v28  }
0x124: {  	v34, _, _ =	vpop (xrf1);
	v26 =	vnsel vm0, $0x0, v33  }
0x125: {  	v35 =	vandn.u32 $0xFFFFFFC0, v34;
	(xrf2) =	vadd.scan.msk.f32 $0xffff, v26  }
0x126: {  	v28 =	vnsel vm0, $0x0, v35  }
0x127: {  	(xrf2) =	vadd.scan.msk.f32 $0xffff, v28  }
0x128: {  	v26, _, _ =	vpop (xrf2)  }
0x129: {  	v26 =	vbroadcast v26, $0xF;
	v28, _, _ =	vpop (xrf2)  }
0x12a: {  	v28 =	vbroadcast v28, $0xF;
	v36, _, _ =	vpop (xrf2)  }
0x12b: {  	(erf) = vrcp.f32 v26;
	v37, _, _ =	vpop (xrf2)  }
0x12c: {  	v26 =	vbroadcast v36, $0xF;
	(erf) = vrcp.f32 v28;
	v42, _, _ =	vpop (xrf2)  }
0x12d: {  	[tilespmem:v16+s15+$0x0] =	vst.idx.msk $0xff, v18;
	v28 =	vbroadcast v37, $0xF;
	v16 =	vbroadcast v42, $0xF;
	v18, _, _ =	vpop (xrf2)  }
0x12e: {  	[tilespmem:v13+s14+$0x0] =	vst.idx.msk $0xff, v17;
	(erf) = vrcp.f32 v26;
	v17 =	vbroadcast v18, $0xF  }
0x12f: {  	v15 =	vand.u32 $0x3F, v15;
	(erf) = vrcp.f32 v28;
	v18, _, _ =	vpop (xrf2)  }
0x130: {  	[tilespmem:v11+s14+$0x0] =	vst.idx.msk $0xff, v15;
	(erf) = vrcp.f32 v16;
	v15 =	vbroadcast v18, $0xF  }
0x131: {  	v26 =	vand.u32 $0x3F, v27;
	(erf) = vrcp.f32 v17;
	v16, _, _ =	vpop (xrf2)  }
0x132: {  	[tilespmem:v21+s14+$0x0] =	vst.idx.msk $0xff, v25;
	v16 =	vbroadcast v16, $0xF;
	v17 =	vpop (erf);
	(erf) = vrcp.f32 v15;
	v15 =	vand.u32 $0x3F, v30  }
0x133: {  	[tilespmem:v12+s14+$0x0] =	vst.idx.msk $0xff, v26;
	v8 =	vmul.f32 v8, v17;
	v17 =	vpop (erf)  }
0x134: {  	[tilespmem:v24+s14+$0x0] =	vst.idx.msk $0xff, v15;
	(erf) = vrcp.f32 v16;
	v7 =	vmul.f32 v7, v17  }
0x135: {  	v15 =	vpop (erf);
	[tilespmem:v6+s15+$0x0] =	vst.idx.msk $0xff, v8  }
0x136: {  	v18 =	vand.u32 $0x3F, v34;
	v8 =	vand.u32 $0x3F, v32;
	[tilespmem:v9+s15+$0x0] =	vst.idx.msk $0xff, v7;
	v7 =	vmul.f32 v10, v15  }
0x137: {  	[tilespmem:v20+s14+$0x0] =	vst.idx.msk $0xff, v18;
	v6 =	vpop (erf)  }
0x138: {  	[tilespmem:v23+s14+$0x0] =	vst.idx.msk $0xff, v8;
	v9 =	vpop (erf);
	v6 =	vmul.f32 v22, v6  }
0x139: {  	v8 =	vpop (erf);
	[tilespmem:v5+s15+$0x0] =	vst.idx.msk $0xff, v7;
	v5 =	vmul.f32 v14, v9  }
0x13a: {  	[tilespmem:v21+s15+$0x0] =	vst.idx.msk $0xff, v6;
	v6 =	vmul.f32 v19, v8;
	v7 =	vpop (erf)  }
0x13b: {  	[tilespmem:v13+s15+$0x0] =	vst.idx.msk $0xff, v5;
	v5 =	vmul.f32 v29, v7;
	v7 =	vpop (erf)  }
0x13c: {  	[tilespmem:v11+s15+$0x0] =	vst.idx.msk $0xff, v6;
	v6 =	vmul.f32 v31, v7;
	v7 =	vpop (erf)  }
0x13d: {  	[tilespmem:v12+s15+$0x0] =	vst.idx.msk $0xff, v5;
	v5 =	vmul.f32 v33, v7;
	v7 =	vpop (erf)  }
0x13e: {  	[tilespmem:v24+s15+$0x0] =	vst.idx.msk $0xff, v6;
	v6 =	vmul.f32 v35, v7  }
0x13f: {  	[tilespmem:v23+s15+$0x0] =	vst.idx.msk $0xff, v5  }
0x140: {  	[tilespmem:v20+s15+$0x0] =	vst.idx.msk $0xff, v6  }
0x141: {  	_ =	swait.ge [sflag:s16], $0x2000  }
0x142: {  	[sflag:s16] =	ssyncset.done $0x0  }
0x143: {  	s21 =	simm.s32 $0x2100;
	[sflag:s16] =	ssyncadd.s32 $0xFFFFE000  }
0x144: {  	v5 =	vld [tilespmem:s21+$0xD0]  }
0x145: {  	v6 =	vld [tilespmem:s21+$0xE0]  }
0x146: {  	v7 =	vld [tilespmem:s21+$0xF0]  }
0x147: {  	v8 =	vld [tilespmem:s21+$0xC0]  }
0x148: {  	v9 =	vld [tilespmem:s21+$0xFFFFFF20]  }
0x149: {  	v10 =	vld [tilespmem:s21+$0xFFFFFF60]  }
0x14a: {  	v11 =	vld [tilespmem:s21+$0xFFFFFFA0];
	v5 =	vand.u32 $0xFFFFFFC0, v5  }
0x14b: {  	v12 =	vld [tilespmem:s21+$0xFFFFFFE0];
	v6 =	vand.u32 $0xFFFFFFC0, v6;
	v5 =	vor.u32 v1, v5  }
0x14c: {  	v7 =	vand.u32 $0xFFFFFFC0, v7;
	v6 =	vxor.u32 v4, v6;
	(xrf1) =	vsort.ascd.msk.u32 $0xffff, v5, v5;
	v5 =	vld [tilespmem:s21+$0x20]  }
0x14d: {  	v8 =	vand.u32 $0xFFFFFFC0, v8;
	v7 =	vor.u32 v2, v7;
	(xrf1) =	vsort.ascd.msk.u32 $0xffff, v6, v6;
	v6 =	vand.u32 $0xFFFFFFC0, v9;
	v9 =	vld [tilespmem:s21+$0x60]  }
0x14e: {  	v8 =	vxor.u32 v3, v8;
	(xrf1) =	vsort.ascd.msk.u32 $0xffff, v7, v7;
	v7 =	vand.u32 $0xFFFFFFC0, v10;
	v10 =	vld [tilespmem:s21+$0xA0]  }
0x14f: {  	v6 =	vxor.u32 v4, v6;
	(xrf1) =	vsort.ascd.msk.u32 $0xffff, v8, v8;
	v8 =	vld [tilespmem:s21+$0xFFFFFF10]  }
0x150: {  	v11 =	vand.u32 $0xFFFFFFC0, v11;
	v7 =	vxor.u32 v4, v7;
	(xrf1) =	vsort.ascd.msk.u32 $0xffff, v6, v6;
	v6 =	vld [tilespmem:s21+$0xFFFFFF30]  }
0x151: {  	v12 =	vand.u32 $0xFFFFFFC0, v12;
	v11 =	vxor.u32 v4, v11;
	(xrf1) =	vsort.ascd.msk.u32 $0xffff, v7, v7;
	v7 =	vld [tilespmem:s21+$0xFFFFFF50]  }
0x152: {  	v12 =	vxor.u32 v4, v12;
	v5 =	vand.u32 $0xFFFFFFC0, v5;
	(xrf1) =	vsort.ascd.msk.u32 $0xffff, v11, v11;
	v11 =	vld [tilespmem:s21+$0xFFFFFF70]  }
0x153: {  	v5 =	vxor.u32 v4, v5;
	v9 =	vand.u32 $0xFFFFFFC0, v9;
	(xrf1) =	vsort.ascd.msk.u32 $0xffff, v12, v12;
	v12 =	vld [tilespmem:s21+$0xFFFFFF90]  }
0x154: {  	v9 =	vxor.u32 v4, v9;
	v10 =	vand.u32 $0xFFFFFFC0, v10;
	(xrf1) =	vsort.ascd.msk.u32 $0xffff, v5, v5;
	v5 =	vand.u32 $0xFFFFFFC0, v8;
	v8 =	vld [tilespmem:s21+$0xFFFFFFB0]  }
0x155: {  	v10 =	vxor.u32 v4, v10;
	(xrf1) =	vsort.ascd.msk.u32 $0xffff, v9, v9;
	v9 =	vld [tilespmem:s21+$0xFFFFFFD0]  }
0x156: {  	v5 =	vor.u32 v1, v5;
	(xrf1) =	vsort.ascd.msk.u32 $0xffff, v10, v10;
	v7 =	vand.u32 $0xFFFFFFC0, v7  }
0x157: {  	v6 =	vand.u32 $0xFFFFFFC0, v6;
	(xrf1) =	vsort.ascd.msk.u32 $0xffff, v5, v5;
	v5 =	vor.u32 v1, v7;
	v7 =	vand.u32 $0xFFFFFFC0, v11  }
0x158: {  	v6 =	vor.u32 v2, v6;
	v7 =	vor.u32 v2, v7;
	v10 =	vand.u32 $0xFFFFFFC0, v12  }
0x159: {  	v13 =	vld [tilespmem:s21+$0x70];
	(xrf1) =	vsort.ascd.msk.u32 $0xffff, v6, v6;
	v10 =	vor.u32 v1, v10;
	v8 =	vand.u32 $0xFFFFFFC0, v8  }
0x15a: {  	v6 =	vld [tilespmem:s21+$0xFFFFFFF0];
	(xrf1) =	vsort.ascd.msk.u32 $0xffff, v5, v5;
	v8 =	vor.u32 v2, v8;
	v9 =	vand.u32 $0xFFFFFFC0, v9  }
0x15b: {  	v12 =	vld [tilespmem:s21+$0x50];
	(xrf1) =	vsort.ascd.msk.u32 $0xffff, v7, v7;
	v7, _, _ =	vpop (xrf1);
	v9 =	vor.u32 v1, v9  }
0x15c: {  	v5 =	vld [tilespmem:s21+$0x10];
	(xrf1) =	vsort.ascd.msk.u32 $0xffff, v10, v10;
	v10, _, _ =	vpop (xrf1)  }
0x15d: {  	v11 =	vld [tilespmem:s21+$0x30];
	(xrf1) =	vsort.ascd.msk.u32 $0xffff, v8, v8;
	v10 =	vxor.u32 $0xFFFFFFFF, v10;
	v8, _, _ =	vpop (xrf1)  }
0x15e: {  	v7 =	vxor.u32 $0xFFFFFFFF, v7;
	(xrf1) =	vsort.ascd.msk.u32 $0xffff, v9, v9;
	v8 =	vsel vm0, v10, v8;
	v9, _, _ =	vpop (xrf1)  }
0x15f: {  	v10 =	vld [tilespmem:s21+$0x90];
	v7 =	vsel vm0, v9, v7;
	(xrf1) =	vsort.ascd.msk.u32 $0xffff, v8, v8  }
0x160: {  	v13 =	vand.u32 $0xFFFFFFC0, v13;
	v6 =	vand.u32 $0xFFFFFFC0, v6;
	v9, _, _ =	vpop (xrf1);
	(xrf1) =	vsort.ascd.msk.u32 $0xffff, v7, v7;
	v7 =	vld [tilespmem:s21+$0xFFFFFF40]  }
0x161: {  	v12 =	vand.u32 $0xFFFFFFC0, v12;
	v5 =	vand.u32 $0xFFFFFFC0, v5;
	v6 =	vor.u32 v2, v6;
	v8 =	vld [tilespmem:s21+$0xB0];
	v14, _, _ =	vpop (xrf1)  }
0x162: {  	v11 =	vand.u32 $0xFFFFFFC0, v11;
	v12 =	vor.u32 v1, v12;
	v5 =	vor.u32 v1, v5;
	v15, _, _ =	vpop (xrf1);
	(xrf1) =	vsort.ascd.msk.u32 $0xffff, v6, v6;
	v6 =	vld [tilespmem:s21+$0xFFFFFF80]  }
0x163: {  	v13 =	vor.u32 v2, v13;
	v11 =	vor.u32 v2, v11;
	v16, _, _ =	vpop (xrf1);
	(xrf1) =	vsort.ascd.msk.u32 $0xffff, v5, v5;
	v5 =	vld [tilespmem:s21+$0xFFFFFFC0]  }
0x164: {  	v17, _, _ =	vpop (xrf1);
	(xrf1) =	vsort.ascd.msk.u32 $0xffff, v11, v11;
	v11 =	vld [tilespmem:s21+$0x0]  }
0x165: {  	v18 =	vld [tilespmem:s21+$0xFFFFFF00];
	v10 =	vand.u32 $0xFFFFFFC0, v10;
	(xrf1) =	vsort.ascd.msk.u32 $0xffff, v12, v12;
	v12, _, _ =	vpop (xrf1);
	v7 =	vand.u32 $0xFFFFFFC0, v7  }
0x166: {  	v10 =	vor.u32 v1, v10;
	v8 =	vand.u32 $0xFFFFFFC0, v8;
	(xrf1) =	vsort.ascd.msk.u32 $0xffff, v13, v13;
	v13, _, _ =	vpop (xrf1);
	v7 =	vxor.u32 v3, v7  }
0x167: {  	v8 =	vor.u32 v2, v8;
	v19, _, _ =	vpop (xrf1);
	(xrf1) =	vsort.ascd.msk.u32 $0xffff, v10, v10;
	v10 =	vld [tilespmem:s21+$0x40]  }
0x168: {  	v6 =	vand.u32 $0xFFFFFFC0, v6;
	v20, _, _ =	vpop (xrf1);
	(xrf1) =	vsort.ascd.msk.u32 $0xffff, v8, v8  }
0x169: {  	v8 =	vld [tilespmem:s21+$0x80];
	v6 =	vxor.u32 v3, v6;
	v5 =	vand.u32 $0xFFFFFFC0, v5;
	(xrf1) =	vsort.ascd.msk.u32 $0xffff, v7, v7;
	v11 =	vand.u32 $0xFFFFFFC0, v11;
	v7, _, _ =	vpop (xrf1)  }
0x16a: {  	v5 =	vxor.u32 v3, v5;
	v21, _, _ =	vpop (xrf1);
	(xrf1) =	vsort.ascd.msk.u32 $0xffff, v6, v6;
	v6 =	vxor.u32 v3, v11;
	v11 =	vand.u32 $0xFFFFFFC0, v18  }
0x16b: {  	(xrf1) =	vsort.ascd.msk.u32 $0xffff, v5, v5;
	v5 =	vxor.u32 v3, v11  }
0x16c: {  	v18, _, _ =	vpop (xrf1);
	(xrf1) =	vsort.ascd.msk.u32 $0xffff, v6, v6;
	v6 =	vand.u32 $0xFFFFFFC0, v10  }
0x16d: {  	v11, _, _ =	vpop (xrf1);
	v6 =	vxor.u32 v3, v6  }
0x16e: {  	v8 =	vand.u32 $0xFFFFFFC0, v8;
	(xrf1) =	vsort.ascd.msk.u32 $0xffff, v5, v5;
	v5, _, _ =	vpop (xrf1)  }
0x16f: {  	v9 =	vxor.u32 $0xFFFFFFFF, v9;
	v8 =	vxor.u32 v3, v8;
	v10, _, _ =	vpop (xrf1)  }
0x170: {  	v9 =	vsel vm0, v9, v20;
	(xrf1) =	vsort.ascd.msk.u32 $0xffff, v6, v6;
	v6, _, _ =	vpop (xrf1);
	v10 =	vxor.u32 $0xFFFFFFFF, v10  }
0x171: {  	v6 =	vsel vm0, v6, v10  }
0x172: {  	(xrf1) =	vsort.ascd.msk.u32 $0xffff, v8, v8;
	v8, _, _ =	vpop (xrf1);
	v10 =	vxor.u32 $0xFFFFFFFF, v15  }
0x173: {  	v14 =	vxor.u32 $0xFFFFFFFF, v14;
	(xrf1) =	vsort.ascd.msk.u32 $0xffff, v9, v9;
	v9, _, _ =	vpop (xrf1);
	v10 =	vsel vm0, v10, v11  }
0x174: {  	v14 =	vsel vm0, v14, v21;
	v15 =	vxor.u32 $0xFFFFFFFF, v16;
	(xrf1) =	vsort.ascd.msk.u32 $0xffff, v6, v6;
	v6, _, _ =	vpop (xrf1)  }
0x175: {  	v8 =	vsel vm0, v15, v8;
	(xrf1) =	vsort.ascd.msk.u32 $0xffff, v14, v14;
	v14 =	vxor.u32 $0xFFFFFFFF, v17;
	v11, _, _ =	vpop (xrf1)  }
0x176: {  	v12 =	vxor.u32 $0xFFFFFFFF, v12;
	(xrf1) =	vsort.ascd.msk.u32 $0xffff, v10, v10;
	v6 =	vsel vm0, v14, v6;
	v10, _, _ =	vpop (xrf1)  }
0x177: {  	v10 =	vsel vm0, v12, v10  }
0x178: {  	(xrf1) =	vsort.ascd.msk.u32 $0xffff, v8, v8;
	v8, _, _ =	vpop (xrf1)  }
0x179: {  	(xrf1) =	vsort.ascd.msk.u32 $0xffff, v6, v6;
	v6, _, _ =	vpop (xrf1)  }
0x17a: {  	v13 =	vxor.u32 $0xFFFFFFFF, v13;
	v7 =	vxor.u32 $0xFFFFFFFF, v7;
	(xrf1) =	vsort.ascd.msk.u32 $0xffff, v10, v10;
	v10, _, _ =	vpop (xrf1)  }
0x17b: {  	v12 =	vxor.u32 $0xFFFFFFFF, v18;
	v6 =	vsel vm0, v13, v6;
	v7 =	vsel vm0, v10, v7;
	v10, _, _ =	vpop (xrf1)  }
0x17c: {  	(xrf1) =	vsort.ascd.msk.u32 $0xffff, v6, v6;
	v6 =	vsel vm0, v10, v12  }
0x17d: {  	v9 =	vxor.u32 $0xFFFFFFFF, v9  }
0x17e: {  	(xrf1) =	vsort.ascd.msk.u32 $0xffff, v7, v7;
	v7, _, _ =	vpop (xrf1)  }
0x17f: {  	v5 =	vxor.u32 $0xFFFFFFFF, v5;
	(xrf1) =	vsort.ascd.msk.u32 $0xffff, v6, v6;
	v6, _, _ =	vpop (xrf1)  }
0x180: {  	v5 =	vsel vm0, v7, v5;
	v7 =	vxor.u32 $0xFFFFFFFF, v19;
	v6 =	vsel vm0, v6, v9;
	v9, _, _ =	vpop (xrf1)  }
0x181: {  	(xrf1) =	vsort.ascd.msk.u32 $0xffff, v5, v5;
	v5 =	vsel vm0, v9, v7;
	_ =	sdelay $0x1  }
0x182: {  	(xrf1) =	vsort.ascd.msk.u32 $0xffff, v6, v6;
	v6, _, _ =	vpop (xrf1)  }
0x183: {  	(xrf1) =	vsort.ascd.msk.u32 $0xffff, v5, v5;
	v5, _, _ =	vpop (xrf1)  }
0x184: {  	v7, _, _ =	vpop (xrf1)  }
0x185: {  	v10, _, _ =	vpop (xrf1)  }
0x186: {  	v12, _, _ =	vpop (xrf1)  }
0x187: {  	v13, _, _ =	vpop (xrf1)  }
0x188: {  	v9 =	vxor.u32 $0xFFFFFFFF, v11;
	v14, _, _ =	vpop (xrf1)  }
0x189: {  	v6 =	vsel vm0, v6, v9;
	v15, _, _ =	vpop (xrf1)  }
0x18a: {  	v8 =	vxor.u32 $0xFFFFFFFF, v8;
	v11, _, _ =	vpop (xrf1)  }
0x18b: {  	v5 =	vsel vm0, v5, v8;
	v16, _, _ =	vpop (xrf1);
	(xrf1) =	vsort.ascd.msk.u32 $0xffff, v6, v6  }
0x18c: {  	v9 =	vandn.u32 $0xFFFFFFC0, v10;
	v6, _, _ =	vpop (xrf1);
	(xrf1) =	vsort.ascd.msk.u32 $0xffff, v5, v5;
	v5 =	vxor.u32 $0xFFFFFFFF, v12  }
0x18d: {  	v8 =	vnsel vm0, $0x0, v9;
	v5 =	vsel vm0, v6, v5  }
0x18e: {  	(xrf2) =	vadd.scan.msk.f32 $0xffff, v8;
	v8 =	vxor.u32 $0xFFFFFFFF, v14;
	v12, _, _ =	vpop (xrf1)  }
0x18f: {  	v13 =	vxor.u32 $0xFFFFFFFF, v13;
	v6, _, _ =	vpop (xrf1)  }
0x190: {  	v12 =	vsel vm0, v12, v13;
	(xrf1) =	vsort.ascd.msk.u32 $0xffff, v5, v5;
	v5, _, _ =	vpop (xrf1)  }
0x191: {  	v7 =	vxor.u32 $0xFFFFFFFF, v7;
	v6 =	vsel vm0, v6, v8;
	v8, _, _ =	vpop (xrf1);
	(xrf1) =	vsort.ascd.msk.u32 $0xffff, v12, v12  }
0x192: {  	v7 =	vsel vm0, v8, v7;
	(xrf1) =	vsort.ascd.msk.u32 $0xffff, v6, v6  }
0x193: {  	(xrf1) =	vsort.ascd.msk.u32 $0xffff, v7, v7;
	_ =	sdelay $0x7  }
0x194: {  	v6, _, _ =	vpop (xrf2)  }
0x195: {  	v7, _, _ =	vpop (xrf1)  }
0x196: {  	s30 =	simm.s32 $0x2300;
	v8, _, _ =	vpop (xrf1)  }
0x197: {  	v22 =	vld [tilespmem:s30+$0xFFFFFFA0];
	v12 =	vxor.u32 $0xFFFFFFFF, v15;
	v17, _, _ =	vpop (xrf1)  }
0x198: {  	v23 =	vld [tilespmem:s30+$0xA0];
	v11 =	vxor.u32 $0xFFFFFFFF, v11;
	v5 =	vsel vm0, v5, v12;
	v15, _, _ =	vpop (xrf1)  }
0x199: {  	v12 =	vxor.u32 $0xFFFFFFFF, v16;
	(xrf1) =	vsort.ascd.msk.u32 $0xffff, v5, v5;
	v5 =	vld [tilespmem:s30+$0xD0];
	v7 =	vsel vm0, v7, v11;
	v16, _, _ =	vpop (xrf1)  }
0x19a: {  	v8 =	vsel vm0, v8, v12;
	(xrf1) =	vsort.ascd.msk.u32 $0xffff, v7, v7;
	v7 =	vld [tilespmem:s30+$0xE0];
	v11 =	vandn.u32 $0xFFFFFFC0, v17;
	v18, _, _ =	vpop (xrf1)  }
0x19b: {  	v19 =	vld [tilespmem:s30+$0xF0];
	v6 =	vbroadcast v6, $0xF;
	(xrf1) =	vsort.ascd.msk.u32 $0xffff, v8, v8;
	v8 =	vnsel vm0, $0x0, v11;
	v14 =	vandn.u32 $0xFFFFFFC0, v18  }
0x19c: {  	v20 =	vld [tilespmem:s30+$0xC0];
	(xrf2) =	vadd.scan.msk.f32 $0xffff, v8;
	v12 =	vandn.u32 $0xFFFFFFC0, v15;
	v8 =	vnsel vm0, $0x0, v14  }
0x19d: {  	(erf) = vrcp.f32 v6;
	v6 =	vnsel vm0, $0x0, v12;
	v13 =	vandn.u32 $0xFFFFFFC0, v16;
	(xrf2) =	vadd.scan.msk.f32 $0xffff, v8;
	v8 =	vld [tilespmem:s30+$0xFFFFFF20]  }
0x19e: {  	v5 =	vand.u32 $0xFFFFFFC0, v5;
	v21 =	vnsel vm0, $0x0, v13;
	(xrf2) =	vadd.scan.msk.f32 $0xffff, v6;
	v6 =	vld [tilespmem:s30+$0xFFFFFF60]  }
0x19f: {  	v5 =	vor.u32 v1, v5;
	v7 =	vand.u32 $0xFFFFFFC0, v7;
	(xrf2) =	vadd.scan.msk.f32 $0xffff, v21;
	v21 =	vld [tilespmem:s30+$0xFFFFFFE0]  }
0x1a0: {  	v24 =	vld [tilespmem:s30+$0xFFFFFF10];
	v19 =	vand.u32 $0xFFFFFFC0, v19;
	(xrf1) =	vsort.ascd.msk.u32 $0xffff, v5, v5;
	v7 =	vxor.u32 v4, v7  }
0x1a1: {  	v20 =	vand.u32 $0xFFFFFFC0, v20;
	v19 =	vor.u32 v2, v19;
	v5 =	vld [tilespmem:s30+$0x20];
	(xrf1) =	vsort.ascd.msk.u32 $0xffff, v7, v7  }
0x1a2: {  	v20 =	vxor.u32 v3, v20;
	(xrf1) =	vsort.ascd.msk.u32 $0xffff, v19, v19;
	v7 =	vand.u32 $0xFFFFFFC0, v8;
	v8 =	vld [tilespmem:s30+$0x60]  }
0x1a3: {  	v25 =	vld [tilespmem:s30+$0xFFFFFF70];
	v19 =	vand.u32 $0xFFFFFFC0, v22;
	(xrf1) =	vsort.ascd.msk.u32 $0xffff, v20, v20;
	v7 =	vxor.u32 v4, v7;
	v6 =	vand.u32 $0xFFFFFFC0, v6  }
0x1a4: {  	v26 =	vld [tilespmem:s30+$0xFFFFFF90];
	v19 =	vxor.u32 v4, v19;
	v6 =	vxor.u32 v4, v6;
	(xrf1) =	vsort.ascd.msk.u32 $0xffff, v7, v7;
	v20 =	vand.u32 $0xFFFFFFC0, v21  }
0x1a5: {  	v7 =	vld [tilespmem:s30+$0xFFFFFF30];
	(xrf1) =	vsort.ascd.msk.u32 $0xffff, v6, v6;
	v20 =	vxor.u32 v4, v20  }
0x1a6: {  	v5 =	vand.u32 $0xFFFFFFC0, v5;
	v6 =	vld [tilespmem:s30+$0xFFFFFF50];
	(xrf1) =	vsort.ascd.msk.u32 $0xffff, v19, v19  }
0x1a7: {  	v5 =	vxor.u32 v4, v5;
	v19, _, _ =	vpop (xrf1);
	v8 =	vand.u32 $0xFFFFFFC0, v8;
	(xrf1) =	vsort.ascd.msk.u32 $0xffff, v20, v20  }
0x1a8: {  	v23 =	vand.u32 $0xFFFFFFC0, v23;
	v20, _, _ =	vpop (xrf1);
	v8 =	vxor.u32 v4, v8;
	(xrf1) =	vsort.ascd.msk.u32 $0xffff, v5, v5  }
0x1a9: {  	v25 =	vand.u32 $0xFFFFFFC0, v25;
	v23 =	vxor.u32 v4, v23;
	v5 =	vand.u32 $0xFFFFFFC0, v24;
	v24 =	vld [tilespmem:s30+$0xFFFFFFB0];
	(xrf1) =	vsort.ascd.msk.u32 $0xffff, v8, v8  }
0x1aa: {  	v26 =	vand.u32 $0xFFFFFFC0, v26;
	v8 =	vor.u32 v1, v5;
	v7 =	vand.u32 $0xFFFFFFC0, v7;
	(xrf1) =	vsort.ascd.msk.u32 $0xffff, v23, v23  }
0x1ab: {  	v25 =	vor.u32 v2, v25;
	v7 =	vor.u32 v2, v7;
	v6 =	vand.u32 $0xFFFFFFC0, v6;
	(xrf1) =	vsort.ascd.msk.u32 $0xffff, v8, v8  }
0x1ac: {  	v28 =	vld [tilespmem:s30+$0xFFFFFFD0];
	v26 =	vor.u32 v1, v26;
	v6 =	vor.u32 v1, v6;
	(xrf1) =	vsort.ascd.msk.u32 $0xffff, v7, v7  }
0x1ad: {  	v29 =	vld [tilespmem:s30+$0x30];
	v21, _, _ =	vpop (xrf1);
	(xrf1) =	vsort.ascd.msk.u32 $0xffff, v6, v6  }
0x1ae: {  	v30 =	vld [tilespmem:s30+$0x50];
	v24 =	vand.u32 $0xFFFFFFC0, v24;
	(xrf1) =	vsort.ascd.msk.u32 $0xffff, v25, v25;
	v25, _, _ =	vpop (xrf1)  }
0x1af: {  	v7 =	vld [tilespmem:s30+$0xFFFFFFF0];
	v24 =	vor.u32 v2, v24;
	(xrf1) =	vsort.ascd.msk.u32 $0xffff, v26, v26;
	v26, _, _ =	vpop (xrf1)  }
0x1b0: {  	v6 =	vld [tilespmem:s30+$0x10];
	v26 =	vxor.u32 $0xFFFFFFFF, v26  }
0x1b1: {  	v31 =	vld [tilespmem:s30+$0x70];
	v28 =	vand.u32 $0xFFFFFFC0, v28  }
0x1b2: {  	v28 =	vor.u32 v1, v28;
	(xrf1) =	vsort.ascd.msk.u32 $0xffff, v24, v24;
	v24, _, _ =	vpop (xrf1)  }
0x1b3: {  	v25 =	vxor.u32 $0xFFFFFFFF, v25;
	(xrf1) =	vsort.ascd.msk.u32 $0xffff, v28, v28;
	v28 =	vld [tilespmem:s30+$0x90];
	v24 =	vsel vm0, v26, v24;
	v26, _, _ =	vpop (xrf1)  }
0x1b4: {  	v29 =	vand.u32 $0xFFFFFFC0, v29;
	v7 =	vand.u32 $0xFFFFFFC0, v7;
	(xrf1) =	vsort.ascd.msk.u32 $0xffff, v24, v24;
	v24 =	vld [tilespmem:s30+$0xB0];
	v25 =	vsel vm0, v26, v25;
	v26, _, _ =	vpop (xrf1)  }
0x1b5: {  	v30 =	vand.u32 $0xFFFFFFC0, v30;
	v6 =	vand.u32 $0xFFFFFFC0, v6;
	v7 =	vor.u32 v2, v7;
	v43, _, _ =	vpop (xrf1);
	(xrf1) =	vsort.ascd.msk.u32 $0xffff, v25, v25;
	v25 =	vld [tilespmem:s30+$0xFFFFFF40]  }
0x1b6: {  	v31 =	vand.u32 $0xFFFFFFC0, v31;
	v30 =	vor.u32 v1, v30;
	v6 =	vor.u32 v1, v6;
	v44, _, _ =	vpop (xrf1);
	(xrf1) =	vsort.ascd.msk.u32 $0xffff, v7, v7;
	v7 =	vld [tilespmem:s30+$0xFFFFFF80]  }
0x1b7: {  	v29 =	vor.u32 v2, v29;
	v31 =	vor.u32 v2, v31;
	v45, _, _ =	vpop (xrf1);
	(xrf1) =	vsort.ascd.msk.u32 $0xffff, v6, v6;
	v6 =	vld [tilespmem:s30+$0xFFFFFFC0]  }
0x1b8: {  	v46, _, _ =	vpop (xrf1);
	(xrf1) =	vsort.ascd.msk.u32 $0xffff, v29, v29;
	v29 =	vld [tilespmem:s30+$0x0]  }
0x1b9: {  	v47 =	vld [tilespmem:s30+$0xFFFFFF00];
	v28 =	vand.u32 $0xFFFFFFC0, v28;
	v24 =	vand.u32 $0xFFFFFFC0, v24;
	(xrf1) =	vsort.ascd.msk.u32 $0xffff, v30, v30;
	v30, _, _ =	vpop (xrf1)  }
0x1ba: {  	v48 =	vld [tilespmem:s30+$0x40];
	v28 =	vor.u32 v1, v28;
	v24 =	vor.u32 v2, v24;
	(xrf1) =	vsort.ascd.msk.u32 $0xffff, v31, v31;
	v31, _, _ =	vpop (xrf1)  }
0x1bb: {  	v25 =	vand.u32 $0xFFFFFFC0, v25;
	v38, _, _ =	vpop (xrf1);
	(xrf1) =	vsort.ascd.msk.u32 $0xffff, v28, v28;
	v28 =	vld [tilespmem:s30+$0x80]  }
0x1bc: {  	v25 =	vxor.u32 v3, v25;
	v7 =	vand.u32 $0xFFFFFFC0, v7;
	v39, _, _ =	vpop (xrf1);
	(xrf1) =	vsort.ascd.msk.u32 $0xffff, v24, v24  }
0x1bd: {  	v7 =	vxor.u32 v3, v7;
	v6 =	vand.u32 $0xFFFFFFC0, v6;
	(xrf1) =	vsort.ascd.msk.u32 $0xffff, v25, v25;
	v24, _, _ =	vpop (xrf1);
	v25 =	vand.u32 $0xFFFFFFC0, v29  }
0x1be: {  	v6 =	vxor.u32 v3, v6;
	v29, _, _ =	vpop (xrf1);
	(xrf1) =	vsort.ascd.msk.u32 $0xffff, v7, v7;
	v7 =	vxor.u32 v3, v25;
	v25 =	vand.u32 $0xFFFFFFC0, v47  }
0x1bf: {  	(xrf1) =	vsort.ascd.msk.u32 $0xffff, v6, v6;
	v6 =	vand.u32 $0xFFFFFFC0, v48;
	v25 =	vxor.u32 v3, v25  }
0x1c0: {  	v49, _, _ =	vpop (xrf1);
	(xrf1) =	vsort.ascd.msk.u32 $0xffff, v7, v7;
	v6 =	vxor.u32 v3, v6;
	v7 =	vand.u32 $0xFFFFFFC0, v28  }
0x1c1: {  	v50, _, _ =	vpop (xrf1);
	v7 =	vxor.u32 v3, v7  }
0x1c2: {  	(xrf1) =	vsort.ascd.msk.u32 $0xffff, v25, v25;
	v25, _, _ =	vpop (xrf1)  }
0x1c3: {  	v26 =	vxor.u32 $0xFFFFFFFF, v26;
	(xrf1) =	vsort.ascd.msk.u32 $0xffff, v6, v6;
	v6, _, _ =	vpop (xrf1)  }
0x1c4: {  	v26 =	vsel vm0, v26, v39;
	(xrf1) =	vsort.ascd.msk.u32 $0xffff, v7, v7;
	v6 =	vxor.u32 $0xFFFFFFFF, v6;
	v7, _, _ =	vpop (xrf1)  }
0x1c5: {  	v27, _, _ =	vpop (xrf2);
	(xrf1) =	vsort.ascd.msk.u32 $0xffff, v26, v26;
	v26 =	vxor.u32 $0xFFFFFFFF, v43;
	v6 =	vsel vm0, v7, v6  }
0x1c6: {  	v7, _, _ =	vpop (xrf1);
	v26 =	vsel vm0, v26, v29;
	(xrf1) =	vsort.ascd.msk.u32 $0xffff, v6, v6;
	v6 =	vxor.u32 $0xFFFFFFFF, v44  }
0x1c7: {  	v51 =	vxor.u32 $0xFFFFFFFF, v45;
	v28, _, _ =	vpop (xrf1);
	v6 =	vsel vm0, v6, v50  }
0x1c8: {  	v52 =	vxor.u32 $0xFFFFFFFF, v46;
	v7 =	vsel vm0, v51, v7;
	v29, _, _ =	vpop (xrf1)  }
0x1c9: {  	v27 =	vbroadcast v27, $0xF;
	(xrf1) =	vsort.ascd.msk.u32 $0xffff, v26, v26;
	v26, _, _ =	vpop (xrf1);
	v29 =	vsel vm0, v52, v29  }
0x1ca: {  	(xrf1) =	vsort.ascd.msk.u32 $0xffff, v6, v6;
	v6, _, _ =	vpop (xrf1)  }
0x1cb: {  	(xrf1) =	vsort.ascd.msk.u32 $0xffff, v7, v7;
	v7, _, _ =	vpop (xrf1)  }
0x1cc: {  	(xrf1) =	vsort.ascd.msk.u32 $0xffff, v29, v29;
	v29, _, _ =	vpop (xrf1)  }
0x1cd: {  	(erf) = vrcp.f32 v27;
	v30 =	vxor.u32 $0xFFFFFFFF, v30;
	v24 =	vxor.u32 $0xFFFFFFFF, v24;
	v27, _, _ =	vpop (xrf1)  }
0x1ce: {  	v22 =	vpop (erf);
	v31 =	vxor.u32 $0xFFFFFFFF, v31;
	v6 =	vsel vm0, v30, v6;
	v24 =	vsel vm0, v27, v24  }
0x1cf: {  	(xrf1) =	vsort.ascd.msk.u32 $0xffff, v6, v6;
	v6 =	vsel vm0, v31, v29;
	v29 =	vxor.u32 $0xFFFFFFFF, v49;
	v27, _, _ =	vpop (xrf1)  }
0x1d0: {  	v5, _, _ =	vpop (xrf2);
	(xrf1) =	vsort.ascd.msk.u32 $0xffff, v6, v6;
	v6 =	vxor.u32 $0xFFFFFFFF, v25;
	v25 =	vsel vm0, v27, v29;
	v27 =	vxor.u32 $0xFFFFFFFF, v28  }
0x1d1: {  	(xrf1) =	vsort.ascd.msk.u32 $0xffff, v24, v24;
	v24, _, _ =	vpop (xrf1)  }
0x1d2: {  	v6 =	vsel vm0, v24, v6;
	v24, _, _ =	vpop (xrf1)  }
0x1d3: {  	(xrf1) =	vsort.ascd.msk.u32 $0xffff, v25, v25;
	v25 =	vxor.u32 $0xFFFFFFFF, v38;
	v24 =	vsel vm0, v24, v27;
	v27, _, _ =	vpop (xrf1)  }
0x1d4: {  	v8, _, _ =	vpop (xrf2);
	(xrf1) =	vsort.ascd.msk.u32 $0xffff, v6, v6;
	v6 =	vsel vm0, v27, v25  }
0x1d5: {  	v23, _, _ =	vpop (xrf2)  }
0x1d6: {  	(xrf1) =	vsort.ascd.msk.u32 $0xffff, v24, v24;
	v25 =	vxor.u32 $0xFFFFFFFF, v26;
	v24, _, _ =	vpop (xrf1)  }
0x1d7: {  	(xrf1) =	vsort.ascd.msk.u32 $0xffff, v6, v6;
	v6, _, _ =	vpop (xrf1)  }
0x1d8: {  	v27, _, _ =	vpop (xrf1)  }
0x1d9: {  	v24 =	vsel vm0, v24, v25;
	v25, _, _ =	vpop (xrf1)  }
0x1da: {  	v7 =	vxor.u32 $0xFFFFFFFF, v7;
	v28, _, _ =	vpop (xrf1)  }
0x1db: {  	s31 =	simm.s32 $0x438;
	(xrf1) =	vsort.ascd.msk.u32 $0xffff, v24, v24;
	v6 =	vsel vm0, v6, v7;
	v26 =	vandn.u32 $0xFFFFFFC0, v25;
	v53, _, _ =	vpop (xrf1)  }
0x1dc: {  	v54 =	vadd.s32 s31, v0;
	s21 =	simm.s32 $0x418;
	(xrf1) =	vsort.ascd.msk.u32 $0xffff, v6, v6;
	v6 =	vnsel vm0, $0x0, v26;
	v56, _, _ =	vpop (xrf1)  }
0x1dd: {  	v57 =	vadd.s32 s21, v0;
	(xrf2) =	vadd.scan.msk.f32 $0xffff, v6;
	v59, _, _ =	vpop (xrf1)  }
0x1de: {  	v10 =	vand.u32 $0x3F, v10;
	v17 =	vand.u32 $0x3F, v17;
	v55 =	vbroadcast v5, $0xF;
	v61, _, _ =	vpop (xrf1)  }
0x1df: {  	v15 =	vand.u32 $0x3F, v15;
	v60 =	vbroadcast v8, $0xF;
	v23 =	vbroadcast v23, $0xF;
	v62, _, _ =	vpop (xrf1)  }
0x1e0: {  	s1 =	simm.s32 $0x408;
	v22 =	vmul.f32 v9, v22;
	(erf) = vrcp.f32 v55;
	v9 =	vxor.u32 $0xFFFFFFFF, v28;
	v28, _, _ =	vpop (xrf1)  }
0x1e1: {  	s10 =	simm.s32 $0x410;
	[tilespmem:v54+s14+$0x0] =	vst.idx.msk $0xff, v10;
	(erf) = vrcp.f32 v60;
	v30 =	vadd.s32 s1, v0;
	v24 =	vpop (erf);
	v28 =	vsel vm0, v28, v9  }
0x1e2: {  	v31 =	vor.u32 s10, v0;
	v7 =	vandn.u32 $0xFFFFFFC0, v20;
	v6 =	vandn.u32 $0xFFFFFFC0, v19;
	v63, _, _ =	vpop (xrf1);
	(xrf1) =	vsort.ascd.msk.u32 $0xffff, v28, v28  }
0x1e3: {  	[tilespmem:v54+s15+$0x0] =	vst.idx.msk $0xff, v22;
	(erf) = vrcp.f32 v23;
	v58 =	vnsel vm0, $0x0, v6;
	v22 =	vxor.u32 $0xFFFFFFFF, v56;
	v23, _, _ =	vpop (xrf1)  }
0x1e4: {  	s0 =	simm.s32 $0x400;
	v40 =	vnsel vm0, $0x0, v7;
	v10 =	vxor.u32 $0xFFFFFFFF, v53;
	(xrf2) =	vadd.scan.msk.f32 $0xffff, v58;
	v22 =	vsel vm0, v23, v22;
	v28, _, _ =	vpop (xrf1)  }
0x1e5: {  	s23 =	simm.s32 $0x428;
	v29 =	vor.u32 s0, v0;
	v27 =	vxor.u32 $0xFFFFFFFF, v27;
	(xrf2) =	vadd.scan.msk.f32 $0xffff, v40;
	v10 =	vsel vm0, v63, v10;
	v23, _, _ =	vpop (xrf1)  }
0x1e6: {  	s22 =	simm.s32 $0x420;
	v8 =	vadd.s32 s23, v0;
	[tilespmem:v30+s14+$0x0] =	vst.idx.msk $0xff, v17;
	(xrf1) =	vsort.ascd.msk.u32 $0xffff, v10, v10;
	v17 =	vsel vm0, v23, v27  }
0x1e7: {  	v18 =	vand.u32 $0x3F, v18;
	v5 =	vor.u32 s22, v0;
	v10 =	vxor.u32 $0xFFFFFFFF, v59;
	(xrf1) =	vsort.ascd.msk.u32 $0xffff, v22, v22;
	v22, _, _ =	vpop (xrf2)  }
0x1e8: {  	[tilespmem:v31+s14+$0x0] =	vst.idx.msk $0xff, v15;
	v10 =	vsel vm0, v28, v10;
	v22 =	vbroadcast v22, $0xF;
	(xrf1) =	vsort.ascd.msk.u32 $0xffff, v17, v17  }
0x1e9: {  	v11 =	vmul.f32 v11, v24;
	v23 =	vxor.u32 $0xFFFFFFFF, v61;
	v17, _, _ =	vpop (xrf1);
	(xrf1) =	vsort.ascd.msk.u32 $0xffff, v10, v10;
	v10 =	vand.u32 $0x3F, v16  }
0x1ea: {  	[tilespmem:v29+s14+$0x0] =	vst.idx.msk $0xff, v18;
	v18 =	vpop (erf);
	(erf) = vrcp.f32 v22;
	v16 =	vand.u32 $0x3F, v19;
	v19 =	vand.u32 $0x3F, v20  }
0x1eb: {  	v14 =	vmul.f32 v14, v18;
	v17 =	vsel vm0, v17, v23;
	v15, _, _ =	vpop (xrf1);
	[tilespmem:v8+s14+$0x0] =	vst.idx.msk $0xff, v19;
	v19 =	vxor.u32 $0xFFFFFFFF, v62  }
0x1ec: {  	[tilespmem:v30+s15+$0x0] =	vst.idx.msk $0xff, v11;
	(xrf1) =	vsort.ascd.msk.u32 $0xffff, v17, v17;
	v11 =	vsel vm0, v15, v19  }
0x1ed: {  	[tilespmem:v5+s14+$0x0] =	vst.idx.msk $0xff, v16;
	v16 =	vpop (erf);
	(xrf1) =	vsort.ascd.msk.u32 $0xffff, v11, v11  }
0x1ee: {  	s24 =	simm.s32 $0x430;
	v17, _, _ =	vpop (xrf2)  }
0x1ef: {  	s26 =	simm.s32 $0x478;
	v9 =	vor.u32 s24, v0;
	v20 =	vand.u32 $0x3F, v21;
	[tilespmem:v57+s14+$0x0] =	vst.idx.msk $0xff, v10;
	v10 =	vandn.u32 $0xFFFFFFC0, v21;
	v18 =	vpop (erf)  }
0x1f0: {  	[tilespmem:v29+s15+$0x0] =	vst.idx.msk $0xff, v14;
	v27 =	vnsel vm0, $0x0, v10;
	v19 =	vadd.s32 s26, v0;
	v15 =	vmul.f32 v13, v18;
	v14, _, _ =	vpop (xrf1)  }
0x1f1: {  	v16 =	vmul.f32 v12, v16;
	v17 =	vbroadcast v17, $0xF;
	v12, _, _ =	vpop (xrf2);
	v23 =	vandn.u32 $0xFFFFFFC0, v14  }
0x1f2: {  	(xrf2) =	vadd.scan.msk.f32 $0xffff, v27;
	v18 =	vbroadcast v12, $0xF;
	[tilespmem:v57+s15+$0x0] =	vst.idx.msk $0xff, v15;
	v15 =	vnsel vm0, $0x0, v23  }
0x1f3: {  	s25 =	simm.s32 $0x448;
	[tilespmem:v31+s15+$0x0] =	vst.idx.msk $0xff, v16;
	v16 =	vand.u32 $0x3F, v25;
	(erf) = vrcp.f32 v17;
	v28 =	vand.u32 $0x3F, v14;
	v14 =	vpop (erf)  }
0x1f4: {  	s21 =	simm.s32 $0x440;
	s22 =	simm.s32 $0x460;
	[tilespmem:v9+s14+$0x0] =	vst.idx.msk $0xff, v20;
	v20 =	vadd.s32 s25, v0;
	(erf) = vrcp.f32 v18;
	v18 =	vmul.f32 v26, v14;
	v14, _, _ =	vpop (xrf1)  }
0x1f5: {  	s29 =	simm.s32 $0x458;
	s31 =	simm.s32 $0x470;
	s30 =	simm.s32 $0x468;
	v24 =	vor.u32 s22, v0;
	v13 =	vor.u32 s21, v0;
	(xrf2) =	vadd.scan.msk.f32 $0xffff, v15;
	v15, _, _ =	vpop (xrf1)  }
0x1f6: {  	s28 =	simm.s32 $0x450;
	v22 =	vadd.s32 s30, v0;
	v21 =	vor.u32 s31, v0;
	v11 =	vadd.s32 s29, v0;
	[tilespmem:v19+s14+$0x0] =	vst.idx.msk $0xff, v16;
	v16, _, _ =	vpop (xrf1)  }
0x1f7: {  	v12 =	vor.u32 s28, v0;
	v17 =	vand.u32 $0x3F, v14;
	[tilespmem:v19+s15+$0x0] =	vst.idx.msk $0xff, v18;
	v18 =	vand.u32 $0x3F, v16  }
0x1f8: {  	v14 =	vandn.u32 $0xFFFFFFC0, v14;
	v26 =	vand.u32 $0x3F, v15;
	v15 =	vandn.u32 $0xFFFFFFC0, v15  }
0x1f9: {  	[tilespmem:v20+s14+$0x0] =	vst.idx.msk $0xff, v28;
	v29 =	vnsel vm0, $0x0, v14;
	v16 =	vandn.u32 $0xFFFFFFC0, v16;
	v28 =	vnsel vm0, $0x0, v15;
	v19, _, _ =	vpop (xrf1)  }
0x1fa: {  	s23 =	simm.s32 $0x2500;
	s22 =	simm.s32 $0x8;
	v30 =	vnsel vm0, $0x0, v16;
	[tilespmem:v13+s14+$0x0] =	vst.idx.msk $0xff, v18;
	v27 =	vand.u32 $0x3F, v19;
	v25 =	vandn.u32 $0xFFFFFFC0, v19;
	v18, _, _ =	vpop (xrf1)  }
.LBB2_4:
0x1fb: {  	v31 =	vld [tilespmem:s23+$0xD0];
	v19 =	vnsel vm0, $0x0, v25;
	v32 =	vand.u32 $0x3F, v18;
	v33 =	vandn.u32 $0xFFFFFFC0, v18;
	(xrf2) =	vadd.scan.msk.f32 $0xffff, v30;
	v30, _, _ =	vpop (xrf1)  }
0x1fc: {  	s22 =	sadd.s32 $0x8, s22;
	v34 =	vld [tilespmem:s23+$0xE0];
	[tilespmem:v12+s14+$0x0] =	vst.idx.msk $0xff, v17;
	v18 =	vnsel vm0, $0x0, v33;
	v35 =	vand.u32 $0x3F, v30;
	v30 =	vandn.u32 $0xFFFFFFC0, v30;
	v36, _, _ =	vpop (xrf2)  }
0x1fd: {  	p0 =	slt.u32 s22, $0x78;
	v37 =	vld [tilespmem:s23+$0xF0];
	[tilespmem:v11+s14+$0x0] =	vst.idx.msk $0xff, v26;
	v17 =	vnsel vm0, $0x0, v30;
	v26 =	vbroadcast v36, $0xF;
	v36 =	vpop (erf)  }
0x1fe: {  	v38 =	vld [tilespmem:s23+$0xC0];
	[tilespmem:v24+s14+$0x0] =	vst.idx.msk $0xff, v27;
	(xrf2) =	vadd.scan.msk.f32 $0xffff, v29;
	v27 =	vmul.f32 v6, v36;
	v29 =	vpop (erf);
	v6 =	vmov v25  }
0x1ff: {  	v25 =	vld [tilespmem:s23+$0xFFFFFF20];
	[tilespmem:v22+s14+$0x0] =	vst.idx.msk $0xff, v32;
	v29 =	vmul.f32 v7, v29;
	v7 =	vmov v33  }
0x200: {  	v32 =	vld [tilespmem:s23+$0xFFFFFF60];
	v33 =	vand.u32 $0xFFFFFFC0, v31;
	[tilespmem:v5+s15+$0x0] =	vst.idx.msk $0xff, v27;
	(erf) = vrcp.f32 v26;
	v5 =	vmov v24  }
0x201: {  	v24 =	vld [tilespmem:s23+$0xFFFFFFA0];
	v26 =	vor.u32 v1, v33;
	v27 =	vand.u32 $0xFFFFFFC0, v34;
	v31, _, _ =	vpop (xrf2);
	(xrf2) =	vadd.scan.msk.f32 $0xffff, v28;
	[tilespmem:v8+s15+$0x0] =	vst.idx.msk $0xff, v29  }
0x202: {  	v8 =	vmovc v22;
	v28 =	vld [tilespmem:s23+$0xFFFFFFE0];
	v29 =	vand.u32 $0xFFFFFFC0, v37;
	v27 =	vxor.u32 v4, v27;
	(xrf1) =	vsort.ascd.msk.u32 $0xffff, v26, v26;
	v26 =	vbroadcast v31, $0xF  }
0x203: {  	v22 =	vld [tilespmem:s23+$0x20];
	v34 =	vand.u32 $0xFFFFFFC0, v38;
	v29 =	vor.u32 v2, v29;
	(xrf1) =	vsort.ascd.msk.u32 $0xffff, v27, v27;
	[tilespmem:v21+s14+$0x0] =	vst.idx.msk $0xff, v35  }
0x204: {  	v25 =	vand.u32 $0xFFFFFFC0, v25;
	v27 =	vld [tilespmem:s23+$0x60];
	v33 =	vxor.u32 v3, v34;
	(xrf1) =	vsort.ascd.msk.u32 $0xffff, v29, v29;
	(erf) = vrcp.f32 v26  }
0x205: {  	v25 =	vxor.u32 v4, v25;
	v26 =	vand.u32 $0xFFFFFFC0, v32;
	v29 =	vld [tilespmem:s23+$0xA0];
	(xrf1) =	vsort.ascd.msk.u32 $0xffff, v33, v33;
	v31, _, _ =	vpop (xrf2)  }
0x206: {  	v32 =	vld [tilespmem:s23+$0xFFFFFF10];
	v26 =	vxor.u32 v4, v26;
	v34 =	vand.u32 $0xFFFFFFC0, v24;
	(xrf1) =	vsort.ascd.msk.u32 $0xffff, v25, v25;
	v25 =	vbroadcast v31, $0xF  }
0x207: {  	v31 =	vld [tilespmem:s23+$0xFFFFFF30];
	v33 =	vxor.u32 v4, v34;
	v28 =	vand.u32 $0xFFFFFFC0, v28;
	(xrf1) =	vsort.ascd.msk.u32 $0xffff, v26, v26  }
0x208: {  	v26 =	vld [tilespmem:s23+$0xFFFFFF50];
	v28 =	vxor.u32 v4, v28;
	v22 =	vand.u32 $0xFFFFFFC0, v22;
	(xrf1) =	vsort.ascd.msk.u32 $0xffff, v33, v33;
	v24, _, _ =	vpop (xrf2)  }
0x209: {  	v33 =	vld [tilespmem:s23+$0xFFFFFF70];
	v34 =	vxor.u32 v4, v22;
	v36 =	vand.u32 $0xFFFFFFC0, v27;
	(xrf1) =	vsort.ascd.msk.u32 $0xffff, v28, v28;
	v22 =	vbroadcast v24, $0xF;
	v24 =	vpop (erf)  }
0x20a: {  	v28 =	vld [tilespmem:s23+$0xFFFFFF90];
	v35 =	vxor.u32 v4, v36;
	v29 =	vand.u32 $0xFFFFFFC0, v29;
	(xrf1) =	vsort.ascd.msk.u32 $0xffff, v34, v34;
	v34 =	vmul.f32 v10, v24  }
0x20b: {  	v10 =	vmov v30;
	v24 =	vand.u32 $0xFFFFFFC0, v32;
	v32 =	vld [tilespmem:s23+$0xFFFFFFB0];
	v29 =	vxor.u32 v4, v29;
	(xrf1) =	vsort.ascd.msk.u32 $0xffff, v35, v35;
	v27, _, _ =	vpop (xrf2)  }
0x20c: {  	v36 =	vor.u32 v1, v24;
	v31 =	vand.u32 $0xFFFFFFC0, v31;
	v35 =	vld [tilespmem:s23+$0xFFFFFFD0];
	(xrf1) =	vsort.ascd.msk.u32 $0xffff, v29, v29;
	v24 =	vbroadcast v27, $0xF  }
0x20d: {  	v27 =	vor.u32 v2, v31;
	v26 =	vand.u32 $0xFFFFFFC0, v26;
	v29 =	vld [tilespmem:s23+$0xFFFFFFF0];
	(xrf1) =	vsort.ascd.msk.u32 $0xffff, v36, v36;
	v30 =	vpop (erf);
	[tilespmem:v9+s15+$0x0] =	vst.idx.msk $0xff, v34  }
0x20e: {  	v34 =	vor.u32 v1, v26;
	v36 =	vand.u32 $0xFFFFFFC0, v33;
	v31 =	vld [tilespmem:s23+$0x10];
	(xrf1) =	vsort.ascd.msk.u32 $0xffff, v27, v27;
	v23 =	vmul.f32 v23, v30  }
0x20f: {  	v9 =	vmovc v21;
	v33 =	vor.u32 v2, v36;
	v27 =	vand.u32 $0xFFFFFFC0, v28;
	v28 =	vld [tilespmem:s23+$0x30];
	(xrf1) =	vsort.ascd.msk.u32 $0xffff, v34, v34  }
0x210: {  	v34 =	vor.u32 v1, v27;
	v27 =	vand.u32 $0xFFFFFFC0, v32;
	v30 =	vld [tilespmem:s23+$0x50];
	(xrf1) =	vsort.ascd.msk.u32 $0xffff, v33, v33;
	v26, _, _ =	vpop (xrf1);
	[tilespmem:v20+s15+$0x0] =	vst.idx.msk $0xff, v23  }
0x211: {  	v33 =	vor.u32 v2, v27;
	v23 =	vand.u32 $0xFFFFFFC0, v35;
	v27 =	vld [tilespmem:s23+$0x70];
	(xrf1) =	vsort.ascd.msk.u32 $0xffff, v34, v34;
	v21, _, _ =	vpop (xrf1)  }
0x212: {  	v23 =	vor.u32 v1, v23;
	v29 =	vand.u32 $0xFFFFFFC0, v29;
	v32 =	vld [tilespmem:s23+$0x90];
	v34 =	vxor.u32 $0xFFFFFFFF, v21;
	(xrf1) =	vsort.ascd.msk.u32 $0xffff, v33, v33;
	v20, _, _ =	vpop (xrf1)  }
0x213: {  	v35 =	vxor.u32 $0xFFFFFFFF, v26;
	v31 =	vand.u32 $0xFFFFFFC0, v31;
	v33 =	vld [tilespmem:s23+$0xB0];
	v20 =	vsel vm0, v34, v20;
	(xrf1) =	vsort.ascd.msk.u32 $0xffff, v23, v23;
	v21, _, _ =	vpop (xrf1)  }
0x214: {  	v29 =	vor.u32 v2, v29;
	v23 =	vld [tilespmem:s23+$0xFFFFFF40];
	v28 =	vand.u32 $0xFFFFFFC0, v28;
	v21 =	vsel vm0, v21, v35;
	v26, _, _ =	vpop (xrf1);
	(xrf1) =	vsort.ascd.msk.u32 $0xffff, v20, v20  }
0x215: {  	v31 =	vor.u32 v1, v31;
	v20 =	vld [tilespmem:s23+$0xFFFFFF80];
	v28 =	vor.u32 v2, v28;
	v30 =	vand.u32 $0xFFFFFFC0, v30;
	v34, _, _ =	vpop (xrf1);
	(xrf1) =	vsort.ascd.msk.u32 $0xffff, v21, v21  }
0x216: {  	v21 =	vxor.u32 $0xFFFFFFFF, v26;
	v26 =	vld [tilespmem:s23+$0xFFFFFFC0];
	v30 =	vor.u32 v1, v30;
	v27 =	vand.u32 $0xFFFFFFC0, v27;
	v35, _, _ =	vpop (xrf1);
	(xrf1) =	vsort.ascd.msk.u32 $0xffff, v29, v29  }
0x217: {  	v29 =	vxor.u32 $0xFFFFFFFF, v34;
	v34 =	vld [tilespmem:s23+$0x0];
	v27 =	vor.u32 v2, v27;
	v32 =	vand.u32 $0xFFFFFFC0, v32;
	v36, _, _ =	vpop (xrf1);
	(xrf1) =	vsort.ascd.msk.u32 $0xffff, v31, v31  }
0x218: {  	v31 =	vxor.u32 $0xFFFFFFFF, v35;
	v35 =	vld [tilespmem:s23+$0x40];
	v32 =	vor.u32 v1, v32;
	v33 =	vand.u32 $0xFFFFFFC0, v33;
	v37, _, _ =	vpop (xrf1);
	(xrf1) =	vsort.ascd.msk.u32 $0xffff, v28, v28  }
0x219: {  	v28 =	vxor.u32 $0xFFFFFFFF, v36;
	v23 =	vand.u32 $0xFFFFFFC0, v23;
	v36 =	vld [tilespmem:s23+$0x80];
	v33 =	vor.u32 v2, v33;
	(xrf1) =	vsort.ascd.msk.u32 $0xffff, v30, v30;
	v30, _, _ =	vpop (xrf1)  }
0x21a: {  	v37 =	vxor.u32 $0xFFFFFFFF, v37;
	v38 =	vld [tilespmem:s23+$0xFFFFFF00];
	v23 =	vxor.u32 v3, v23;
	v20 =	vand.u32 $0xFFFFFFC0, v20;
	(xrf1) =	vsort.ascd.msk.u32 $0xffff, v27, v27;
	v27, _, _ =	vpop (xrf1)  }
0x21b: {  	v30 =	vxor.u32 $0xFFFFFFFF, v30;
	v20 =	vxor.u32 v3, v20;
	v26 =	vand.u32 $0xFFFFFFC0, v26;
	v39, _, _ =	vpop (xrf1);
	(xrf1) =	vsort.ascd.msk.u32 $0xffff, v32, v32  }
0x21c: {  	v27 =	vxor.u32 $0xFFFFFFFF, v27;
	v26 =	vxor.u32 v3, v26;
	v32 =	vand.u32 $0xFFFFFFC0, v34;
	v34, _, _ =	vpop (xrf1);
	(xrf1) =	vsort.ascd.msk.u32 $0xffff, v33, v33  }
0x21d: {  	v21 =	vsel vm0, v21, v34;
	v32 =	vxor.u32 v3, v32;
	v33 =	vand.u32 $0xFFFFFFC0, v35;
	(xrf1) =	vsort.ascd.msk.u32 $0xffff, v23, v23;
	v23, _, _ =	vpop (xrf1)  }
0x21e: {  	v34 =	vxor.u32 $0xFFFFFFFF, v39;
	v33 =	vxor.u32 v3, v33;
	v35 =	vand.u32 $0xFFFFFFC0, v36;
	v36, _, _ =	vpop (xrf1);
	(xrf1) =	vsort.ascd.msk.u32 $0xffff, v20, v20  }
0x21f: {  	v39 =	vand.u32 $0xFFFFFFC0, v38;
	v29 =	vsel vm0, v29, v36;
	v35 =	vxor.u32 v3, v35;
	v36, _, _ =	vpop (xrf1);
	(xrf1) =	vsort.ascd.msk.u32 $0xffff, v26, v26  }
0x220: {  	v23 =	vxor.u32 $0xFFFFFFFF, v23;
	v38 =	vxor.u32 v3, v39;
	v26 =	vxor.u32 $0xFFFFFFFF, v36;
	v36, _, _ =	vpop (xrf1);
	(xrf1) =	vsort.ascd.msk.u32 $0xffff, v32, v32  }
0x221: {  	v31 =	vsel vm0, v31, v36;
	(xrf1) =	vsort.ascd.msk.u32 $0xffff, v38, v38;
	v20, _, _ =	vpop (xrf1)  }
0x222: {  	v20 =	vxor.u32 $0xFFFFFFFF, v20;
	(xrf1) =	vsort.ascd.msk.u32 $0xffff, v33, v33;
	v32, _, _ =	vpop (xrf1)  }
0x223: {  	v32 =	vxor.u32 $0xFFFFFFFF, v32;
	(xrf1) =	vsort.ascd.msk.u32 $0xffff, v35, v35;
	v33, _, _ =	vpop (xrf1)  }
0x224: {  	v32 =	vsel vm0, v33, v32;
	(xrf1) =	vsort.ascd.msk.u32 $0xffff, v21, v21;
	v21, _, _ =	vpop (xrf1)  }
0x225: {  	v21 =	vsel vm0, v28, v21;
	v28, _, _ =	vpop (xrf1);
	(xrf1) =	vsort.ascd.msk.u32 $0xffff, v32, v32  }
0x226: {  	v28 =	vxor.u32 $0xFFFFFFFF, v28;
	(xrf1) =	vsort.ascd.msk.u32 $0xffff, v29, v29;
	v29, _, _ =	vpop (xrf1)  }
0x227: {  	v32 =	vsel vm0, v37, v29;
	(xrf1) =	vsort.ascd.msk.u32 $0xffff, v31, v31;
	v31, _, _ =	vpop (xrf1)  }
0x228: {  	v31 =	vxor.u32 $0xFFFFFFFF, v31;
	(xrf1) =	vsort.ascd.msk.u32 $0xffff, v21, v21;
	v21, _, _ =	vpop (xrf1)  }
0x229: {  	v30 =	vsel vm0, v30, v21;
	(xrf1) =	vsort.ascd.msk.u32 $0xffff, v32, v32;
	v29, _, _ =	vpop (xrf1)  }
0x22a: {  	v29 =	vxor.u32 $0xFFFFFFFF, v29;
	(xrf1) =	vsort.ascd.msk.u32 $0xffff, v30, v30;
	v21, _, _ =	vpop (xrf1)  }
0x22b: {  	v21 =	vsel vm0, v27, v21;
	v27, _, _ =	vpop (xrf1)  }
0x22c: {  	v30 =	vsel vm0, v27, v23;
	v27, _, _ =	vpop (xrf1);
	(xrf1) =	vsort.ascd.msk.u32 $0xffff, v21, v21  }
0x22d: {  	v26 =	vsel vm0, v27, v26;
	(xrf1) =	vsort.ascd.msk.u32 $0xffff, v30, v30;
	v23, _, _ =	vpop (xrf1)  }
0x22e: {  	v20 =	vsel vm0, v23, v20;
	(xrf1) =	vsort.ascd.msk.u32 $0xffff, v26, v26;
	v21, _, _ =	vpop (xrf1)  }
0x22f: {  	v26 =	vsel vm0, v21, v28;
	v23, _, _ =	vpop (xrf1);
	(xrf1) =	vsort.ascd.msk.u32 $0xffff, v20, v20  }
0x230: {  	v27 =	vsel vm0, v23, v34;
	(xrf1) =	vsort.ascd.msk.u32 $0xffff, v26, v26;
	v21, _, _ =	vpop (xrf1);
	(erf) = vrcp.f32 v25  }
0x231: {  	v21 =	vsel vm0, v21, v31;
	(xrf1) =	vsort.ascd.msk.u32 $0xffff, v27, v27;
	v20, _, _ =	vpop (xrf1)  }
0x232: {  	v20 =	vsel vm0, v20, v29;
	v23, _, _ =	vpop (xrf1)  }
0x233: {  	v23 =	vxor.u32 $0xFFFFFFFF, v23;
	(xrf1) =	vsort.ascd.msk.u32 $0xffff, v21, v21;
	v25, _, _ =	vpop (xrf1)  }
0x234: {  	v26 =	vandn.u32 $0xFFFFFFC0, v25;
	v21, _, _ =	vpop (xrf1);
	(xrf1) =	vsort.ascd.msk.u32 $0xffff, v20, v20  }
0x235: {  	v20 =	vxor.u32 $0xFFFFFFFF, v21;
	v21 =	vnsel vm0, $0x0, v26;
	v27, _, _ =	vpop (xrf1)  }
0x236: {  	v27 =	vxor.u32 $0xFFFFFFFF, v27;
	v28, _, _ =	vpop (xrf1);
	(xrf2) =	vadd.scan.msk.f32 $0xffff, v21  }
0x237: {  	v21 =	vxor.u32 $0xFFFFFFFF, v28;
	v28, _, _ =	vpop (xrf1)  }
0x238: {  	v28 =	vxor.u32 $0xFFFFFFFF, v28;
	v29, _, _ =	vpop (xrf1)  }
0x239: {  	v29 =	vxor.u32 $0xFFFFFFFF, v29;
	v30 =	vpop (erf);
	(xrf2) =	vadd.scan.msk.f32 $0xffff, v19  }
0x23a: {  	v19, _, _ =	vpop (xrf1);
	v31 =	vmul.f32 v16, v30  }
0x23b: {  	v19 =	vxor.u32 $0xFFFFFFFF, v19;
	v30, _, _ =	vpop (xrf1);
	(erf) = vrcp.f32 v22  }
0x23c: {  	v20 =	vsel vm0, v30, v20;
	v22, _, _ =	vpop (xrf1);
	[tilespmem:v13+s15+$0x0] =	vst.idx.msk $0xff, v31;
	(erf) = vrcp.f32 v24;
	(xrf2) =	vadd.scan.msk.f32 $0xffff, v18  }
0x23d: {  	v13 =	vsel vm0, v22, v27;
	(xrf1) =	vsort.ascd.msk.u32 $0xffff, v20, v20;
	v16, _, _ =	vpop (xrf1)  }
0x23e: {  	v21 =	vsel vm0, v16, v21;
	v18, _, _ =	vpop (xrf1)  }
0x23f: {  	v18 =	vsel vm0, v18, v28;
	v20, _, _ =	vpop (xrf1);
	(xrf1) =	vsort.ascd.msk.u32 $0xffff, v13, v13  }
0x240: {  	v20 =	vsel vm0, v20, v23;
	(xrf1) =	vsort.ascd.msk.u32 $0xffff, v21, v21;
	v16, _, _ =	vpop (xrf2)  }
0x241: {  	v16 =	vbroadcast v16, $0xF;
	(xrf1) =	vsort.ascd.msk.u32 $0xffff, v20, v20;
	v13, _, _ =	vpop (xrf1)  }
0x242: {  	v20 =	vsel vm0, v13, v29;
	(xrf1) =	vsort.ascd.msk.u32 $0xffff, v18, v18;
	v18, _, _ =	vpop (xrf1)  }
0x243: {  	v18 =	vsel vm0, v18, v19;
	(xrf1) =	vsort.ascd.msk.u32 $0xffff, v20, v20;
	(erf) = vrcp.f32 v16;
	v13, _, _ =	vpop (xrf2)  }
0x244: {  	(xrf1) =	vsort.ascd.msk.u32 $0xffff, v18, v18;
	v16 =	vbroadcast v13, $0xF;
	v13 =	vpop (erf)  }
0x245: {  	v13 =	vmul.f32 v14, v13;
	v14 =	vpop (erf)  }
0x246: {  	v14 =	vmul.f32 v15, v14;
	v15, _, _ =	vpop (xrf2)  }
0x247: {  	s21 =	sadd.s32 $0x40, s21;
	[tilespmem:v12+s15+$0x0] =	vst.idx.msk $0xff, v13;
	v15 =	vbroadcast v15, $0xF  }
0x248: {  	s0 =	sadd.s32 $0x8, s21;
	s1 =	sadd.s32 $0x10, s21;
	s10 =	sadd.s32 $0x38, s21;
	v13 =	vor.u32 s21, v0;
	[tilespmem:v11+s15+$0x0] =	vst.idx.msk $0xff, v14  }
0x249: {  	s24 =	sadd.s32 $0x28, s21;
	v20 =	vadd.s32 s0, v0;
	s0 =	sadd.s32 $0x18, s21;
	v18 =	vadd.s32 s10, v0;
	v12 =	vor.u32 s1, v0;
	s1 =	sadd.s32 $0x20, s21;
	(xrf2) =	vadd.scan.msk.f32 $0xffff, v17  }
0x24a: {  	v22 =	vadd.s32 s24, v0;
	v11 =	vadd.s32 s0, v0;
	v24 =	vor.u32 s1, v0;
	s0 =	sadd.s32 $0x30, s21  }
0x24b: {  	v21 =	vor.u32 s0, v0;
	v14, _, _ =	vpop (xrf1);
	(erf) = vrcp.f32 v16  }
0x24c: {  	v19 =	vand.u32 $0x3F, v14;
	v23 =	vandn.u32 $0xFFFFFFC0, v14;
	v14 =	vpop (erf);
	(erf) = vrcp.f32 v15  }
.Ltmp1:
0x24d: {  	v28 =	vand.u32 $0x3F, v25;
	v27 =	vnsel vm0, $0x0, v23;
	v25 =	vmul.f32 v26, v14;
	v14, _, _ =	vpop (xrf1);
	(pc) =	sbr.rel @p0 .LBB2_4-.Ltmp1, $4  }
0x24e: {  	v17 =	vand.u32 $0x3F, v14;
	v14 =	vandn.u32 $0xFFFFFFC0, v14;
	[tilespmem:v18+s14+$0x0] =	vst.idx.msk $0xff, v28;
	(xrf2) =	vadd.scan.msk.f32 $0xffff, v27;
	v15, _, _ =	vpop (xrf1)  }
0x24f: {  	v29 =	vnsel vm0, $0x0, v14;
	v26 =	vand.u32 $0x3F, v15;
	v15 =	vandn.u32 $0xFFFFFFC0, v15;
	[tilespmem:v18+s15+$0x0] =	vst.idx.msk $0xff, v25;
	v16, _, _ =	vpop (xrf1)  }
0x250: {  	v31 =	vand.u32 $0x3F, v16;
	v16 =	vandn.u32 $0xFFFFFFC0, v16;
	[tilespmem:v20+s14+$0x0] =	vst.idx.msk $0xff, v19;
	v28 =	vnsel vm0, $0x0, v15;
	v19, _, _ =	vpop (xrf1)  }
0x251: {  	s23 =	sadd.s32 $0x200, s23;
	v30 =	vnsel vm0, $0x0, v16;
	[tilespmem:v13+s14+$0x0] =	vst.idx.msk $0xff, v31;
	v27 =	vand.u32 $0x3F, v19;
	v25 =	vandn.u32 $0xFFFFFFC0, v19;
	v18, _, _ =	vpop (xrf1)  }
0x252: {  	(xrf2) =	vadd.scan.msk.f32 $0xffff, v30;
	_ =	sdelay $0x1  }
0x253: {  	(xrf2) =	vadd.scan.msk.f32 $0xffff, v29  }
0x254: {  	v30, _, _ =	vpop (xrf1)  }
0x255: {  	v19 =	vnsel vm0, $0x0, v25;
	v31 =	vandn.u32 $0xFFFFFFC0, v30;
	(xrf2) =	vadd.scan.msk.f32 $0xffff, v28  }
0x256: {  	v29 =	vandn.u32 $0xFFFFFFC0, v18;
	(xrf2) =	vadd.scan.msk.f32 $0xffff, v19;
	v19 =	vnsel vm0, $0x0, v31  }
0x257: {  	v28 =	vnsel vm0, $0x0, v29  }
0x258: {  	(xrf2) =	vadd.scan.msk.f32 $0xffff, v28  }
0x259: {  	(xrf2) =	vadd.scan.msk.f32 $0xffff, v19;
	v19, _, _ =	vpop (xrf2)  }
0x25a: {  	v28, _, _ =	vpop (xrf2);
	v19 =	vbroadcast v19, $0xF  }
0x25b: {  	v28 =	vbroadcast v28, $0xF;
	v32, _, _ =	vpop (xrf2)  }
0x25c: {  	(erf) = vrcp.f32 v19;
	v19 =	vbroadcast v32, $0xF  }
0x25d: {  	v33, _, _ =	vpop (xrf2)  }
0x25e: {  	(erf) = vrcp.f32 v28;
	v28 =	vbroadcast v33, $0xF  }
0x25f: {  	v45, _, _ =	vpop (xrf2)  }
0x260: {  	(erf) = vrcp.f32 v19;
	v19, _, _ =	vpop (xrf2)  }
0x261: {  	v19 =	vbroadcast v19, $0xF  }
0x262: {  	v32 =	vbroadcast v45, $0xF;
	(erf) = vrcp.f32 v28;
	v28, _, _ =	vpop (xrf2)  }
0x263: {  	v46, _, _ =	vpop (xrf2)  }
0x264: {  	[tilespmem:v12+s14+$0x0] =	vst.idx.msk $0xff, v17;
	(erf) = vrcp.f32 v32;
	v17 =	vbroadcast v46, $0xF  }
0x265: {  	v28 =	vbroadcast v28, $0xF;
	(erf) = vrcp.f32 v19;
	v19 =	vpop (erf)  }
0x266: {  	v6 =	vmul.f32 v6, v19;
	v19 =	vpop (erf)  }
0x267: {  	[tilespmem:v11+s14+$0x0] =	vst.idx.msk $0xff, v26;
	(erf) = vrcp.f32 v28;
	v7 =	vmul.f32 v7, v19  }
0x268: {  	(erf) = vrcp.f32 v17;
	v17 =	vpop (erf);
	[tilespmem:v5+s15+$0x0] =	vst.idx.msk $0xff, v6  }
0x269: {  	v5 =	vpop (erf);
	[tilespmem:v8+s15+$0x0] =	vst.idx.msk $0xff, v7;
	v7 =	vmul.f32 v10, v17  }
0x26a: {  	[tilespmem:v24+s14+$0x0] =	vst.idx.msk $0xff, v27;
	v6 =	vand.u32 $0x3F, v30;
	v8 =	vpop (erf)  }
0x26b: {  	v18 =	vand.u32 $0x3F, v18;
	[tilespmem:v9+s15+$0x0] =	vst.idx.msk $0xff, v7;
	v7 =	vmul.f32 v16, v8  }
0x26c: {  	[tilespmem:v22+s14+$0x0] =	vst.idx.msk $0xff, v18;
	v5 =	vmul.f32 v23, v5  }
0x26d: {  	[tilespmem:v21+s14+$0x0] =	vst.idx.msk $0xff, v6;
	v6 =	vpop (erf)  }
0x26e: {  	[tilespmem:v20+s15+$0x0] =	vst.idx.msk $0xff, v5;
	v8 =	vpop (erf);
	v5 =	vmul.f32 v14, v6  }
0x26f: {  	[tilespmem:v13+s15+$0x0] =	vst.idx.msk $0xff, v7;
	v6 =	vmul.f32 v15, v8;
	v7 =	vpop (erf)  }
0x270: {  	[tilespmem:v12+s15+$0x0] =	vst.idx.msk $0xff, v5;
	v5 =	vmul.f32 v25, v7;
	v7 =	vpop (erf)  }
0x271: {  	[tilespmem:v11+s15+$0x0] =	vst.idx.msk $0xff, v6;
	v6 =	vmul.f32 v29, v7;
	v7 =	vpop (erf)  }
0x272: {  	[tilespmem:v24+s15+$0x0] =	vst.idx.msk $0xff, v5;
	v5 =	vmul.f32 v31, v7  }
0x273: {  	[tilespmem:v22+s15+$0x0] =	vst.idx.msk $0xff, v6  }
0x274: {  	[tilespmem:v21+s15+$0x0] =	vst.idx.msk $0xff, v5  }
0x275: {  	_ =	swait.ge [sflag:s17], $0x2000  }
0x276: {  	[sflag:s17] =	ssyncset.done $0x0  }
0x277: {  	s21 =	simm.s32 $0x4100;
	[sflag:s17] =	ssyncadd.s32 $0xFFFFE000  }
0x278: {  	v5 =	vld [tilespmem:s21+$0xD0]  }
0x279: {  	v6 =	vld [tilespmem:s21+$0xE0]  }
0x27a: {  	v7 =	vld [tilespmem:s21+$0xF0]  }
0x27b: {  	v8 =	vld [tilespmem:s21+$0xC0]  }
0x27c: {  	v9 =	vld [tilespmem:s21+$0xFFFFFF20]  }
0x27d: {  	v10 =	vld [tilespmem:s21+$0xFFFFFF60]  }
0x27e: {  	v11 =	vld [tilespmem:s21+$0xFFFFFFA0];
	v5 =	vand.u32 $0xFFFFFFC0, v5  }
0x27f: {  	v12 =	vld [tilespmem:s21+$0xFFFFFFE0];
	v6 =	vand.u32 $0xFFFFFFC0, v6;
	v5 =	vor.u32 v1, v5  }
0x280: {  	v7 =	vand.u32 $0xFFFFFFC0, v7;
	v6 =	vxor.u32 v4, v6;
	(xrf1) =	vsort.ascd.msk.u32 $0xffff, v5, v5;
	v5 =	vld [tilespmem:s21+$0x20]  }
0x281: {  	v8 =	vand.u32 $0xFFFFFFC0, v8;
	v7 =	vor.u32 v2, v7;
	(xrf1) =	vsort.ascd.msk.u32 $0xffff, v6, v6;
	v6 =	vand.u32 $0xFFFFFFC0, v9;
	v9 =	vld [tilespmem:s21+$0x60]  }
0x282: {  	v8 =	vxor.u32 v3, v8;
	(xrf1) =	vsort.ascd.msk.u32 $0xffff, v7, v7;
	v7 =	vand.u32 $0xFFFFFFC0, v10;
	v10 =	vld [tilespmem:s21+$0xA0]  }
0x283: {  	v6 =	vxor.u32 v4, v6;
	(xrf1) =	vsort.ascd.msk.u32 $0xffff, v8, v8;
	v8 =	vld [tilespmem:s21+$0xFFFFFF10]  }
0x284: {  	v11 =	vand.u32 $0xFFFFFFC0, v11;
	v7 =	vxor.u32 v4, v7;
	(xrf1) =	vsort.ascd.msk.u32 $0xffff, v6, v6;
	v6 =	vld [tilespmem:s21+$0xFFFFFF30]  }
0x285: {  	v12 =	vand.u32 $0xFFFFFFC0, v12;
	v11 =	vxor.u32 v4, v11;
	(xrf1) =	vsort.ascd.msk.u32 $0xffff, v7, v7;
	v7 =	vld [tilespmem:s21+$0xFFFFFF50]  }
0x286: {  	v12 =	vxor.u32 v4, v12;
	v5 =	vand.u32 $0xFFFFFFC0, v5;
	(xrf1) =	vsort.ascd.msk.u32 $0xffff, v11, v11;
	v11 =	vld [tilespmem:s21+$0xFFFFFF70]  }
0x287: {  	v5 =	vxor.u32 v4, v5;
	v9 =	vand.u32 $0xFFFFFFC0, v9;
	(xrf1) =	vsort.ascd.msk.u32 $0xffff, v12, v12;
	v12 =	vld [tilespmem:s21+$0xFFFFFF90]  }
0x288: {  	v9 =	vxor.u32 v4, v9;
	v10 =	vand.u32 $0xFFFFFFC0, v10;
	(xrf1) =	vsort.ascd.msk.u32 $0xffff, v5, v5;
	v5 =	vand.u32 $0xFFFFFFC0, v8;
	v8 =	vld [tilespmem:s21+$0xFFFFFFB0]  }
0x289: {  	v10 =	vxor.u32 v4, v10;
	(xrf1) =	vsort.ascd.msk.u32 $0xffff, v9, v9;
	v9 =	vld [tilespmem:s21+$0xFFFFFFD0]  }
0x28a: {  	v5 =	vor.u32 v1, v5;
	(xrf1) =	vsort.ascd.msk.u32 $0xffff, v10, v10;
	v7 =	vand.u32 $0xFFFFFFC0, v7  }
0x28b: {  	v6 =	vand.u32 $0xFFFFFFC0, v6;
	(xrf1) =	vsort.ascd.msk.u32 $0xffff, v5, v5;
	v5 =	vor.u32 v1, v7;
	v7 =	vand.u32 $0xFFFFFFC0, v11  }
0x28c: {  	v13 =	vld [tilespmem:s21+$0x70];
	v6 =	vor.u32 v2, v6;
	v7 =	vor.u32 v2, v7;
	v10 =	vand.u32 $0xFFFFFFC0, v12  }
0x28d: {  	(xrf1) =	vsort.ascd.msk.u32 $0xffff, v6, v6;
	v6 =	vld [tilespmem:s21+$0xFFFFFFF0];
	v10 =	vor.u32 v1, v10;
	v8 =	vand.u32 $0xFFFFFFC0, v8  }
0x28e: {  	v12 =	vld [tilespmem:s21+$0x50];
	(xrf1) =	vsort.ascd.msk.u32 $0xffff, v5, v5;
	v8 =	vor.u32 v2, v8;
	v9 =	vand.u32 $0xFFFFFFC0, v9  }
0x28f: {  	v5 =	vld [tilespmem:s21+$0x10];
	(xrf1) =	vsort.ascd.msk.u32 $0xffff, v7, v7;
	v7, _, _ =	vpop (xrf1);
	v9 =	vor.u32 v1, v9  }
0x290: {  	v11 =	vld [tilespmem:s21+$0x30];
	(xrf1) =	vsort.ascd.msk.u32 $0xffff, v10, v10;
	v10, _, _ =	vpop (xrf1)  }
0x291: {  	(xrf1) =	vsort.ascd.msk.u32 $0xffff, v8, v8;
	v10 =	vxor.u32 $0xFFFFFFFF, v10;
	v8, _, _ =	vpop (xrf1)  }
0x292: {  	v7 =	vxor.u32 $0xFFFFFFFF, v7;
	(xrf1) =	vsort.ascd.msk.u32 $0xffff, v9, v9;
	v8 =	vsel vm0, v10, v8;
	v9, _, _ =	vpop (xrf1);
	v10 =	vld [tilespmem:s21+$0x90]  }
0x293: {  	v13 =	vand.u32 $0xFFFFFFC0, v13;
	v6 =	vand.u32 $0xFFFFFFC0, v6;
	v7 =	vsel vm0, v9, v7;
	v9, _, _ =	vpop (xrf1);
	(xrf1) =	vsort.ascd.msk.u32 $0xffff, v8, v8;
	v8 =	vld [tilespmem:s21+$0xB0]  }
0x294: {  	v12 =	vand.u32 $0xFFFFFFC0, v12;
	v5 =	vand.u32 $0xFFFFFFC0, v5;
	v6 =	vor.u32 v2, v6;
	v14, _, _ =	vpop (xrf1);
	(xrf1) =	vsort.ascd.msk.u32 $0xffff, v7, v7;
	v7 =	vld [tilespmem:s21+$0xFFFFFF40]  }
0x295: {  	v11 =	vand.u32 $0xFFFFFFC0, v11;
	v12 =	vor.u32 v1, v12;
	v5 =	vor.u32 v1, v5;
	v15, _, _ =	vpop (xrf1);
	(xrf1) =	vsort.ascd.msk.u32 $0xffff, v6, v6;
	v6 =	vld [tilespmem:s21+$0xFFFFFF80]  }
0x296: {  	v13 =	vor.u32 v2, v13;
	v11 =	vor.u32 v2, v11;
	v16, _, _ =	vpop (xrf1);
	(xrf1) =	vsort.ascd.msk.u32 $0xffff, v5, v5;
	v5 =	vld [tilespmem:s21+$0xFFFFFFC0]  }
0x297: {  	v17, _, _ =	vpop (xrf1);
	(xrf1) =	vsort.ascd.msk.u32 $0xffff, v11, v11;
	v11 =	vld [tilespmem:s21+$0x0]  }
0x298: {  	v18 =	vld [tilespmem:s21+$0xFFFFFF00];
	v10 =	vand.u32 $0xFFFFFFC0, v10;
	(xrf1) =	vsort.ascd.msk.u32 $0xffff, v12, v12;
	v12, _, _ =	vpop (xrf1)  }
0x299: {  	v10 =	vor.u32 v1, v10;
	v8 =	vand.u32 $0xFFFFFFC0, v8;
	(xrf1) =	vsort.ascd.msk.u32 $0xffff, v13, v13;
	v13, _, _ =	vpop (xrf1);
	v7 =	vand.u32 $0xFFFFFFC0, v7  }
0x29a: {  	v8 =	vor.u32 v2, v8;
	v19, _, _ =	vpop (xrf1);
	(xrf1) =	vsort.ascd.msk.u32 $0xffff, v10, v10;
	v10 =	vld [tilespmem:s21+$0x40];
	v7 =	vxor.u32 v3, v7  }
0x29b: {  	v6 =	vand.u32 $0xFFFFFFC0, v6;
	v20, _, _ =	vpop (xrf1);
	(xrf1) =	vsort.ascd.msk.u32 $0xffff, v8, v8  }
0x29c: {  	v8 =	vld [tilespmem:s21+$0x80];
	v6 =	vxor.u32 v3, v6;
	v5 =	vand.u32 $0xFFFFFFC0, v5;
	(xrf1) =	vsort.ascd.msk.u32 $0xffff, v7, v7;
	v11 =	vand.u32 $0xFFFFFFC0, v11  }
0x29d: {  	v5 =	vxor.u32 v3, v5;
	v7, _, _ =	vpop (xrf1);
	(xrf1) =	vsort.ascd.msk.u32 $0xffff, v6, v6;
	v6 =	vxor.u32 v3, v11;
	v11 =	vand.u32 $0xFFFFFFC0, v18  }
0x29e: {  	v21, _, _ =	vpop (xrf1);
	(xrf1) =	vsort.ascd.msk.u32 $0xffff, v5, v5;
	v5 =	vxor.u32 v3, v11  }
0x29f: {  	v18, _, _ =	vpop (xrf1);
	(xrf1) =	vsort.ascd.msk.u32 $0xffff, v6, v6;
	v6 =	vand.u32 $0xFFFFFFC0, v10  }
0x2a0: {  	v11, _, _ =	vpop (xrf1);
	v6 =	vxor.u32 v3, v6  }
0x2a1: {  	(xrf1) =	vsort.ascd.msk.u32 $0xffff, v5, v5;
	v8 =	vand.u32 $0xFFFFFFC0, v8;
	v5, _, _ =	vpop (xrf1)  }
0x2a2: {  	v9 =	vxor.u32 $0xFFFFFFFF, v9;
	v8 =	vxor.u32 v3, v8;
	v10, _, _ =	vpop (xrf1)  }
0x2a3: {  	v9 =	vsel vm0, v9, v20;
	(xrf1) =	vsort.ascd.msk.u32 $0xffff, v6, v6;
	v6, _, _ =	vpop (xrf1);
	v10 =	vxor.u32 $0xFFFFFFFF, v10  }
0x2a4: {  	v6 =	vsel vm0, v6, v10  }
0x2a5: {  	(xrf1) =	vsort.ascd.msk.u32 $0xffff, v8, v8;
	v8, _, _ =	vpop (xrf1);
	v10 =	vxor.u32 $0xFFFFFFFF, v15  }
0x2a6: {  	v14 =	vxor.u32 $0xFFFFFFFF, v14;
	(xrf1) =	vsort.ascd.msk.u32 $0xffff, v9, v9;
	v9, _, _ =	vpop (xrf1);
	v10 =	vsel vm0, v10, v11  }
0x2a7: {  	v14 =	vsel vm0, v14, v21;
	v15 =	vxor.u32 $0xFFFFFFFF, v16;
	(xrf1) =	vsort.ascd.msk.u32 $0xffff, v6, v6;
	v6, _, _ =	vpop (xrf1)  }
0x2a8: {  	v8 =	vsel vm0, v15, v8;
	(xrf1) =	vsort.ascd.msk.u32 $0xffff, v14, v14;
	v14 =	vxor.u32 $0xFFFFFFFF, v17;
	v11, _, _ =	vpop (xrf1)  }
0x2a9: {  	v12 =	vxor.u32 $0xFFFFFFFF, v12;
	(xrf1) =	vsort.ascd.msk.u32 $0xffff, v10, v10;
	v6 =	vsel vm0, v14, v6;
	v10, _, _ =	vpop (xrf1)  }
0x2aa: {  	v10 =	vsel vm0, v12, v10  }
0x2ab: {  	(xrf1) =	vsort.ascd.msk.u32 $0xffff, v8, v8;
	v8, _, _ =	vpop (xrf1)  }
0x2ac: {  	(xrf1) =	vsort.ascd.msk.u32 $0xffff, v6, v6;
	v6, _, _ =	vpop (xrf1)  }
0x2ad: {  	v13 =	vxor.u32 $0xFFFFFFFF, v13;
	v7 =	vxor.u32 $0xFFFFFFFF, v7;
	(xrf1) =	vsort.ascd.msk.u32 $0xffff, v10, v10;
	v10, _, _ =	vpop (xrf1)  }
0x2ae: {  	v12 =	vxor.u32 $0xFFFFFFFF, v18;
	v6 =	vsel vm0, v13, v6;
	v7 =	vsel vm0, v10, v7;
	v10, _, _ =	vpop (xrf1)  }
0x2af: {  	(xrf1) =	vsort.ascd.msk.u32 $0xffff, v6, v6;
	v6 =	vsel vm0, v10, v12  }
0x2b0: {  	v9 =	vxor.u32 $0xFFFFFFFF, v9  }
0x2b1: {  	(xrf1) =	vsort.ascd.msk.u32 $0xffff, v7, v7;
	v7, _, _ =	vpop (xrf1)  }
0x2b2: {  	v5 =	vxor.u32 $0xFFFFFFFF, v5;
	(xrf1) =	vsort.ascd.msk.u32 $0xffff, v6, v6;
	v6, _, _ =	vpop (xrf1)  }
0x2b3: {  	v5 =	vsel vm0, v7, v5;
	v7 =	vxor.u32 $0xFFFFFFFF, v19;
	v6 =	vsel vm0, v6, v9;
	v9, _, _ =	vpop (xrf1)  }
0x2b4: {  	(xrf1) =	vsort.ascd.msk.u32 $0xffff, v5, v5;
	v5 =	vsel vm0, v9, v7;
	_ =	sdelay $0x1  }
0x2b5: {  	(xrf1) =	vsort.ascd.msk.u32 $0xffff, v6, v6;
	v6, _, _ =	vpop (xrf1)  }
0x2b6: {  	(xrf1) =	vsort.ascd.msk.u32 $0xffff, v5, v5;
	v5, _, _ =	vpop (xrf1)  }
0x2b7: {  	v7, _, _ =	vpop (xrf1)  }
0x2b8: {  	v10, _, _ =	vpop (xrf1)  }
0x2b9: {  	v9, _, _ =	vpop (xrf1)  }
0x2ba: {  	v12, _, _ =	vpop (xrf1)  }
0x2bb: {  	v13, _, _ =	vpop (xrf1)  }
0x2bc: {  	v11 =	vxor.u32 $0xFFFFFFFF, v11;
	v14, _, _ =	vpop (xrf1)  }
0x2bd: {  	v15, _, _ =	vpop (xrf1)  }
0x2be: {  	v8 =	vxor.u32 $0xFFFFFFFF, v8;
	v6 =	vsel vm0, v6, v11;
	v16, _, _ =	vpop (xrf1)  }
0x2bf: {  	(xrf1) =	vsort.ascd.msk.u32 $0xffff, v6, v6;
	v6 =	vxor.u32 $0xFFFFFFFF, v9;
	v11, _, _ =	vpop (xrf1)  }
0x2c0: {  	v6 =	vsel vm0, v11, v6  }
0x2c1: {  	v5 =	vsel vm0, v5, v8;
	v8, _, _ =	vpop (xrf1)  }
0x2c2: {  	(xrf1) =	vsort.ascd.msk.u32 $0xffff, v5, v5;
	v5 =	vxor.u32 $0xFFFFFFFF, v12;
	v9, _, _ =	vpop (xrf1)  }
0x2c3: {  	v11 =	vxor.u32 $0xFFFFFFFF, v13;
	v5 =	vsel vm0, v8, v5;
	(xrf1) =	vsort.ascd.msk.u32 $0xffff, v6, v6;
	v6, _, _ =	vpop (xrf1)  }
0x2c4: {  	v7 =	vxor.u32 $0xFFFFFFFF, v7;
	v8 =	vsel vm0, v9, v11;
	(xrf1) =	vsort.ascd.msk.u32 $0xffff, v5, v5;
	v9, _, _ =	vpop (xrf1)  }
0x2c5: {  	(xrf1) =	vsort.ascd.msk.u32 $0xffff, v8, v8;
	v5 =	vsel vm0, v9, v7  }
0x2c6: {  	(xrf1) =	vsort.ascd.msk.u32 $0xffff, v5, v5;
	_ =	sdelay $0x3  }
0x2c7: {  	v9 =	vandn.u32 $0xFFFFFFC0, v10  }
0x2c8: {  	v5 =	vnsel vm0, $0x0, v9  }
0x2c9: {  	(xrf2) =	vadd.scan.msk.f32 $0xffff, v5;
	_ =	sdelay $0x2  }
0x2ca: {  	v5, _, _ =	vpop (xrf1)  }
0x2cb: {  	v8 =	vxor.u32 $0xFFFFFFFF, v14;
	v7, _, _ =	vpop (xrf1)  }
0x2cc: {  	s30 =	simm.s32 $0x4300;
	v6 =	vsel vm0, v6, v8;
	v17, _, _ =	vpop (xrf1)  }
0x2cd: {  	v11 =	vxor.u32 $0xFFFFFFFF, v15;
	(xrf1) =	vsort.ascd.msk.u32 $0xffff, v6, v6;
	v6 =	vld [tilespmem:s30+$0xD0];
	v15, _, _ =	vpop (xrf1)  }
0x2ce: {  	v22 =	vld [tilespmem:s30+$0xFFFFFFA0];
	v8 =	vxor.u32 $0xFFFFFFFF, v16;
	v5 =	vsel vm0, v5, v11;
	v16, _, _ =	vpop (xrf1)  }
0x2cf: {  	v7 =	vsel vm0, v7, v8;
	(xrf1) =	vsort.ascd.msk.u32 $0xffff, v5, v5;
	v5 =	vld [tilespmem:s30+$0xE0];
	v11 =	vandn.u32 $0xFFFFFFC0, v17;
	v18, _, _ =	vpop (xrf1)  }
0x2d0: {  	v19 =	vld [tilespmem:s30+$0xF0];
	(xrf1) =	vsort.ascd.msk.u32 $0xffff, v7, v7;
	v7 =	vnsel vm0, $0x0, v11;
	v14 =	vandn.u32 $0xFFFFFFC0, v18  }
0x2d1: {  	v20 =	vld [tilespmem:s30+$0xC0];
	v8, _, _ =	vpop (xrf2);
	v12 =	vandn.u32 $0xFFFFFFC0, v15;
	(xrf2) =	vadd.scan.msk.f32 $0xffff, v7;
	v7 =	vnsel vm0, $0x0, v14  }
0x2d2: {  	v6 =	vand.u32 $0xFFFFFFC0, v6;
	v8 =	vbroadcast v8, $0xF;
	v21 =	vnsel vm0, $0x0, v12;
	(xrf2) =	vadd.scan.msk.f32 $0xffff, v7;
	v7 =	vld [tilespmem:s30+$0xFFFFFF20]  }
0x2d3: {  	v6 =	vor.u32 v1, v6;
	v13 =	vandn.u32 $0xFFFFFFC0, v16;
	(xrf2) =	vadd.scan.msk.f32 $0xffff, v21;
	v21 =	vld [tilespmem:s30+$0xFFFFFF60]  }
0x2d4: {  	v23 =	vld [tilespmem:s30+$0x20];
	v5 =	vand.u32 $0xFFFFFFC0, v5;
	(erf) = vrcp.f32 v8;
	v8 =	vnsel vm0, $0x0, v13;
	(xrf1) =	vsort.ascd.msk.u32 $0xffff, v6, v6  }
0x2d5: {  	v19 =	vand.u32 $0xFFFFFFC0, v19;
	v5 =	vxor.u32 v4, v5;
	(xrf2) =	vadd.scan.msk.f32 $0xffff, v8;
	v8 =	vld [tilespmem:s30+$0xFFFFFFE0]  }
0x2d6: {  	v24 =	vld [tilespmem:s30+$0xFFFFFF50];
	v19 =	vor.u32 v2, v19;
	v6 =	vand.u32 $0xFFFFFFC0, v20;
	(xrf1) =	vsort.ascd.msk.u32 $0xffff, v5, v5  }
0x2d7: {  	v6 =	vxor.u32 v3, v6;
	(xrf1) =	vsort.ascd.msk.u32 $0xffff, v19, v19;
	v5 =	vand.u32 $0xFFFFFFC0, v7;
	v7 =	vld [tilespmem:s30+$0x60]  }
0x2d8: {  	v20 =	vld [tilespmem:s30+$0xA0];
	(xrf1) =	vsort.ascd.msk.u32 $0xffff, v6, v6;
	v5 =	vxor.u32 v4, v5;
	v19 =	vand.u32 $0xFFFFFFC0, v21  }
0x2d9: {  	v21 =	vld [tilespmem:s30+$0xFFFFFF10];
	v6 =	vxor.u32 v4, v19;
	v19 =	vand.u32 $0xFFFFFFC0, v22;
	(xrf1) =	vsort.ascd.msk.u32 $0xffff, v5, v5  }
0x2da: {  	v25 =	vld [tilespmem:s30+$0xFFFFFF70];
	v8 =	vand.u32 $0xFFFFFFC0, v8;
	v19 =	vxor.u32 v4, v19;
	(xrf1) =	vsort.ascd.msk.u32 $0xffff, v6, v6  }
0x2db: {  	v23 =	vand.u32 $0xFFFFFFC0, v23;
	v5 =	vld [tilespmem:s30+$0xFFFFFF30];
	v8 =	vxor.u32 v4, v8;
	(xrf1) =	vsort.ascd.msk.u32 $0xffff, v19, v19  }
0x2dc: {  	v26 =	vld [tilespmem:s30+$0xFFFFFF90];
	v23 =	vxor.u32 v4, v23;
	v7 =	vand.u32 $0xFFFFFFC0, v7;
	(xrf1) =	vsort.ascd.msk.u32 $0xffff, v8, v8  }
0x2dd: {  	v27 =	vld [tilespmem:s30+$0xFFFFFFB0];
	v8 =	vand.u32 $0xFFFFFFC0, v20;
	v7 =	vxor.u32 v4, v7;
	(xrf1) =	vsort.ascd.msk.u32 $0xffff, v23, v23  }
0x2de: {  	v19, _, _ =	vpop (xrf1);
	v23 =	vand.u32 $0xFFFFFFC0, v21;
	v8 =	vxor.u32 v4, v8;
	(xrf1) =	vsort.ascd.msk.u32 $0xffff, v7, v7  }
0x2df: {  	v24 =	vand.u32 $0xFFFFFFC0, v24;
	v20, _, _ =	vpop (xrf1);
	v7 =	vor.u32 v1, v23;
	(xrf1) =	vsort.ascd.msk.u32 $0xffff, v8, v8  }
0x2e0: {  	v28 =	vld [tilespmem:s30+$0xFFFFFFD0];
	v23 =	vand.u32 $0xFFFFFFC0, v5;
	(xrf1) =	vsort.ascd.msk.u32 $0xffff, v7, v7;
	v7 =	vor.u32 v1, v24;
	v24 =	vand.u32 $0xFFFFFFC0, v25  }
0x2e1: {  	v26 =	vand.u32 $0xFFFFFFC0, v26;
	v23 =	vor.u32 v2, v23;
	v24 =	vor.u32 v2, v24  }
0x2e2: {  	v29 =	vld [tilespmem:s30+$0x30];
	v27 =	vand.u32 $0xFFFFFFC0, v27;
	v26 =	vor.u32 v1, v26;
	(xrf1) =	vsort.ascd.msk.u32 $0xffff, v23, v23  }
0x2e3: {  	v30 =	vld [tilespmem:s30+$0x50];
	v27 =	vor.u32 v2, v27;
	v21, _, _ =	vpop (xrf1);
	(xrf1) =	vsort.ascd.msk.u32 $0xffff, v7, v7  }
0x2e4: {  	v25 =	vld [tilespmem:s30+$0xFFFFFFF0];
	(xrf1) =	vsort.ascd.msk.u32 $0xffff, v24, v24;
	v24, _, _ =	vpop (xrf1)  }
0x2e5: {  	v28 =	vand.u32 $0xFFFFFFC0, v28;
	v7 =	vld [tilespmem:s30+$0x10];
	(xrf1) =	vsort.ascd.msk.u32 $0xffff, v26, v26;
	v26, _, _ =	vpop (xrf1)  }
0x2e6: {  	v31 =	vld [tilespmem:s30+$0x70];
	v28 =	vor.u32 v1, v28;
	(xrf1) =	vsort.ascd.msk.u32 $0xffff, v27, v27;
	v26 =	vxor.u32 $0xFFFFFFFF, v26;
	v27, _, _ =	vpop (xrf1)  }
0x2e7: {  	v24 =	vxor.u32 $0xFFFFFFFF, v24;
	(xrf1) =	vsort.ascd.msk.u32 $0xffff, v28, v28;
	v26 =	vsel vm0, v26, v27;
	v27, _, _ =	vpop (xrf1)  }
0x2e8: {  	v28 =	vld [tilespmem:s30+$0x90];
	v24 =	vsel vm0, v27, v24;
	v27, _, _ =	vpop (xrf1);
	(xrf1) =	vsort.ascd.msk.u32 $0xffff, v26, v26  }
0x2e9: {  	v29 =	vand.u32 $0xFFFFFFC0, v29;
	v25 =	vand.u32 $0xFFFFFFC0, v25;
	v47, _, _ =	vpop (xrf1);
	(xrf1) =	vsort.ascd.msk.u32 $0xffff, v24, v24;
	v24 =	vld [tilespmem:s30+$0xFFFFFF40]  }
0x2ea: {  	v30 =	vand.u32 $0xFFFFFFC0, v30;
	v25 =	vor.u32 v2, v25;
	v7 =	vand.u32 $0xFFFFFFC0, v7;
	v26 =	vld [tilespmem:s30+$0xB0]  }
0x2eb: {  	v31 =	vand.u32 $0xFFFFFFC0, v31;
	v30 =	vor.u32 v1, v30;
	v7 =	vor.u32 v1, v7;
	v48, _, _ =	vpop (xrf1);
	(xrf1) =	vsort.ascd.msk.u32 $0xffff, v25, v25;
	v25 =	vld [tilespmem:s30+$0xFFFFFF80]  }
0x2ec: {  	v29 =	vor.u32 v2, v29;
	v31 =	vor.u32 v2, v31;
	v34, _, _ =	vpop (xrf1);
	(xrf1) =	vsort.ascd.msk.u32 $0xffff, v7, v7;
	v7 =	vld [tilespmem:s30+$0xFFFFFFC0]  }
0x2ed: {  	v35, _, _ =	vpop (xrf1);
	(xrf1) =	vsort.ascd.msk.u32 $0xffff, v29, v29;
	v29 =	vld [tilespmem:s30+$0x0]  }
0x2ee: {  	v36 =	vld [tilespmem:s30+$0xFFFFFF00];
	v28 =	vand.u32 $0xFFFFFFC0, v28;
	(xrf1) =	vsort.ascd.msk.u32 $0xffff, v30, v30;
	v30, _, _ =	vpop (xrf1);
	v24 =	vand.u32 $0xFFFFFFC0, v24  }
0x2ef: {  	v37 =	vld [tilespmem:s30+$0x40];
	v28 =	vor.u32 v1, v28;
	v26 =	vand.u32 $0xFFFFFFC0, v26;
	(xrf1) =	vsort.ascd.msk.u32 $0xffff, v31, v31;
	v31, _, _ =	vpop (xrf1);
	v24 =	vxor.u32 v3, v24  }
0x2f0: {  	v26 =	vor.u32 v2, v26;
	v38, _, _ =	vpop (xrf1);
	(xrf1) =	vsort.ascd.msk.u32 $0xffff, v28, v28;
	v28 =	vld [tilespmem:s30+$0x80]  }
0x2f1: {  	v25 =	vand.u32 $0xFFFFFFC0, v25;
	v39, _, _ =	vpop (xrf1);
	(xrf1) =	vsort.ascd.msk.u32 $0xffff, v26, v26  }
0x2f2: {  	v25 =	vxor.u32 v3, v25;
	v7 =	vand.u32 $0xFFFFFFC0, v7;
	(xrf1) =	vsort.ascd.msk.u32 $0xffff, v24, v24;
	v26 =	vand.u32 $0xFFFFFFC0, v29;
	v24, _, _ =	vpop (xrf1)  }
0x2f3: {  	v7 =	vxor.u32 v3, v7;
	v29, _, _ =	vpop (xrf1);
	(xrf1) =	vsort.ascd.msk.u32 $0xffff, v25, v25;
	v25 =	vxor.u32 v3, v26;
	v26 =	vand.u32 $0xFFFFFFC0, v36  }
0x2f4: {  	(xrf1) =	vsort.ascd.msk.u32 $0xffff, v7, v7;
	v7 =	vand.u32 $0xFFFFFFC0, v37;
	v26 =	vxor.u32 v3, v26  }
0x2f5: {  	v49, _, _ =	vpop (xrf1);
	(xrf1) =	vsort.ascd.msk.u32 $0xffff, v25, v25;
	v7 =	vxor.u32 v3, v7;
	v25 =	vand.u32 $0xFFFFFFC0, v28  }
0x2f6: {  	v50, _, _ =	vpop (xrf1);
	v25 =	vxor.u32 v3, v25  }
0x2f7: {  	(xrf1) =	vsort.ascd.msk.u32 $0xffff, v26, v26;
	v26, _, _ =	vpop (xrf1)  }
0x2f8: {  	v27 =	vxor.u32 $0xFFFFFFFF, v27;
	(xrf1) =	vsort.ascd.msk.u32 $0xffff, v7, v7;
	v7, _, _ =	vpop (xrf1)  }
0x2f9: {  	v27 =	vsel vm0, v27, v39;
	(xrf1) =	vsort.ascd.msk.u32 $0xffff, v25, v25;
	v7 =	vxor.u32 $0xFFFFFFFF, v7;
	v25, _, _ =	vpop (xrf1)  }
0x2fa: {  	v6, _, _ =	vpop (xrf2);
	(xrf1) =	vsort.ascd.msk.u32 $0xffff, v27, v27;
	v27 =	vxor.u32 $0xFFFFFFFF, v47;
	v7 =	vsel vm0, v25, v7  }
0x2fb: {  	v25, _, _ =	vpop (xrf1);
	v27 =	vsel vm0, v27, v29;
	(xrf1) =	vsort.ascd.msk.u32 $0xffff, v7, v7;
	v7 =	vxor.u32 $0xFFFFFFFF, v48  }
0x2fc: {  	v51 =	vxor.u32 $0xFFFFFFFF, v34;
	v28, _, _ =	vpop (xrf1);
	v7 =	vsel vm0, v7, v50  }
0x2fd: {  	v52 =	vxor.u32 $0xFFFFFFFF, v35;
	v25 =	vsel vm0, v51, v25;
	v29, _, _ =	vpop (xrf1)  }
0x2fe: {  	(xrf1) =	vsort.ascd.msk.u32 $0xffff, v27, v27;
	v27, _, _ =	vpop (xrf1);
	v29 =	vsel vm0, v52, v29  }
0x2ff: {  	v6 =	vbroadcast v6, $0xF;
	(xrf1) =	vsort.ascd.msk.u32 $0xffff, v7, v7;
	v7, _, _ =	vpop (xrf1)  }
0x300: {  	(xrf1) =	vsort.ascd.msk.u32 $0xffff, v25, v25;
	v25, _, _ =	vpop (xrf1)  }
0x301: {  	(erf) = vrcp.f32 v6;
	v30 =	vxor.u32 $0xFFFFFFFF, v30;
	(xrf1) =	vsort.ascd.msk.u32 $0xffff, v29, v29;
	v29, _, _ =	vpop (xrf1)  }
0x302: {  	v31 =	vxor.u32 $0xFFFFFFFF, v31;
	v6 =	vxor.u32 $0xFFFFFFFF, v24;
	v7 =	vsel vm0, v30, v7;
	v24, _, _ =	vpop (xrf1)  }
0x303: {  	v22 =	vpop (erf);
	(xrf1) =	vsort.ascd.msk.u32 $0xffff, v7, v7;
	v7 =	vsel vm0, v31, v29;
	v6 =	vsel vm0, v24, v6  }
0x304: {  	v5, _, _ =	vpop (xrf2);
	(xrf1) =	vsort.ascd.msk.u32 $0xffff, v7, v7;
	v7 =	vxor.u32 $0xFFFFFFFF, v26  }
0x305: {  	v24, _, _ =	vpop (xrf1);
	v26 =	vxor.u32 $0xFFFFFFFF, v28  }
0x306: {  	v29 =	vxor.u32 $0xFFFFFFFF, v49;
	(xrf1) =	vsort.ascd.msk.u32 $0xffff, v6, v6;
	v6, _, _ =	vpop (xrf1)  }
0x307: {  	v24 =	vsel vm0, v24, v29;
	v6 =	vsel vm0, v6, v7;
	v7, _, _ =	vpop (xrf1)  }
0x308: {  	(xrf1) =	vsort.ascd.msk.u32 $0xffff, v24, v24;
	v24 =	vxor.u32 $0xFFFFFFFF, v38;
	v7 =	vsel vm0, v7, v26;
	v26, _, _ =	vpop (xrf1)  }
0x309: {  	v8, _, _ =	vpop (xrf2);
	(xrf1) =	vsort.ascd.msk.u32 $0xffff, v6, v6;
	v6 =	vsel vm0, v26, v24  }
0x30a: {  	v23, _, _ =	vpop (xrf2);
	v24 =	vxor.u32 $0xFFFFFFFF, v27  }
0x30b: {  	(xrf1) =	vsort.ascd.msk.u32 $0xffff, v7, v7;
	v7, _, _ =	vpop (xrf1)  }
0x30c: {  	(xrf1) =	vsort.ascd.msk.u32 $0xffff, v6, v6;
	v6, _, _ =	vpop (xrf1)  }
0x30d: {  	v7 =	vsel vm0, v7, v24;
	v24, _, _ =	vpop (xrf1)  }
0x30e: {  	v26 =	vxor.u32 $0xFFFFFFFF, v25;
	v25, _, _ =	vpop (xrf1)  }
0x30f: {  	v28, _, _ =	vpop (xrf1)  }
0x310: {  	s31 =	simm.s32 $0x838;
	(xrf1) =	vsort.ascd.msk.u32 $0xffff, v7, v7;
	v6 =	vsel vm0, v6, v26;
	v26 =	vandn.u32 $0xFFFFFFC0, v25;
	v53, _, _ =	vpop (xrf1)  }
0x311: {  	v54 =	vadd.s32 s31, v0;
	s21 =	simm.s32 $0x818;
	(xrf1) =	vsort.ascd.msk.u32 $0xffff, v6, v6;
	v6 =	vnsel vm0, $0x0, v26;
	v56, _, _ =	vpop (xrf1)  }
0x312: {  	v57 =	vadd.s32 s21, v0;
	(xrf2) =	vadd.scan.msk.f32 $0xffff, v6;
	v59, _, _ =	vpop (xrf1)  }
0x313: {  	v10 =	vand.u32 $0x3F, v10;
	v17 =	vand.u32 $0x3F, v17;
	v55 =	vbroadcast v5, $0xF;
	v61, _, _ =	vpop (xrf1)  }
0x314: {  	v15 =	vand.u32 $0x3F, v15;
	v60 =	vbroadcast v8, $0xF;
	v23 =	vbroadcast v23, $0xF;
	v62, _, _ =	vpop (xrf1)  }
0x315: {  	s1 =	simm.s32 $0x808;
	v22 =	vmul.f32 v9, v22;
	(erf) = vrcp.f32 v55;
	v9 =	vxor.u32 $0xFFFFFFFF, v28;
	v28, _, _ =	vpop (xrf1)  }
0x316: {  	s10 =	simm.s32 $0x810;
	[tilespmem:v54+s14+$0x0] =	vst.idx.msk $0xff, v10;
	(erf) = vrcp.f32 v60;
	v30 =	vadd.s32 s1, v0;
	v27 =	vpop (erf);
	v28 =	vsel vm0, v28, v9  }
0x317: {  	v31 =	vor.u32 s10, v0;
	(erf) = vrcp.f32 v23;
	v6 =	vandn.u32 $0xFFFFFFC0, v19;
	v63, _, _ =	vpop (xrf1);
	(xrf1) =	vsort.ascd.msk.u32 $0xffff, v28, v28  }
0x318: {  	[tilespmem:v54+s15+$0x0] =	vst.idx.msk $0xff, v22;
	v7 =	vandn.u32 $0xFFFFFFC0, v20;
	v58 =	vnsel vm0, $0x0, v6;
	v22 =	vxor.u32 $0xFFFFFFFF, v56;
	v23, _, _ =	vpop (xrf1)  }
0x319: {  	s0 =	simm.s32 $0x800;
	v40 =	vnsel vm0, $0x0, v7;
	v10 =	vxor.u32 $0xFFFFFFFF, v53;
	(xrf2) =	vadd.scan.msk.f32 $0xffff, v58;
	v22 =	vsel vm0, v23, v22;
	v28, _, _ =	vpop (xrf1)  }
0x31a: {  	s23 =	simm.s32 $0x828;
	v29 =	vor.u32 s0, v0;
	v24 =	vxor.u32 $0xFFFFFFFF, v24;
	(xrf2) =	vadd.scan.msk.f32 $0xffff, v40;
	v10 =	vsel vm0, v63, v10;
	v23, _, _ =	vpop (xrf1)  }
0x31b: {  	s22 =	simm.s32 $0x820;
	v8 =	vadd.s32 s23, v0;
	[tilespmem:v30+s14+$0x0] =	vst.idx.msk $0xff, v17;
	(xrf1) =	vsort.ascd.msk.u32 $0xffff, v10, v10;
	v17 =	vsel vm0, v23, v24  }
0x31c: {  	v18 =	vand.u32 $0x3F, v18;
	v5 =	vor.u32 s22, v0;
	v10 =	vxor.u32 $0xFFFFFFFF, v59;
	(xrf1) =	vsort.ascd.msk.u32 $0xffff, v22, v22;
	v22, _, _ =	vpop (xrf2)  }
0x31d: {  	[tilespmem:v31+s14+$0x0] =	vst.idx.msk $0xff, v15;
	v10 =	vsel vm0, v28, v10;
	v22 =	vbroadcast v22, $0xF;
	(xrf1) =	vsort.ascd.msk.u32 $0xffff, v17, v17  }
0x31e: {  	v11 =	vmul.f32 v11, v27;
	v23 =	vxor.u32 $0xFFFFFFFF, v61;
	v17, _, _ =	vpop (xrf1);
	(xrf1) =	vsort.ascd.msk.u32 $0xffff, v10, v10;
	v10 =	vand.u32 $0x3F, v16  }
0x31f: {  	[tilespmem:v29+s14+$0x0] =	vst.idx.msk $0xff, v18;
	v18 =	vpop (erf);
	(erf) = vrcp.f32 v22;
	v16 =	vand.u32 $0x3F, v19;
	v19 =	vand.u32 $0x3F, v20  }
0x320: {  	v14 =	vmul.f32 v14, v18;
	v17 =	vsel vm0, v17, v23;
	v15, _, _ =	vpop (xrf1);
	[tilespmem:v8+s14+$0x0] =	vst.idx.msk $0xff, v19;
	v19 =	vxor.u32 $0xFFFFFFFF, v62  }
0x321: {  	[tilespmem:v30+s15+$0x0] =	vst.idx.msk $0xff, v11;
	(xrf1) =	vsort.ascd.msk.u32 $0xffff, v17, v17;
	v11 =	vsel vm0, v15, v19  }
0x322: {  	[tilespmem:v5+s14+$0x0] =	vst.idx.msk $0xff, v16;
	v16 =	vpop (erf);
	(xrf1) =	vsort.ascd.msk.u32 $0xffff, v11, v11  }
0x323: {  	s24 =	simm.s32 $0x830;
	v17, _, _ =	vpop (xrf2)  }
0x324: {  	s26 =	simm.s32 $0x878;
	v9 =	vor.u32 s24, v0;
	v20 =	vand.u32 $0x3F, v21;
	[tilespmem:v57+s14+$0x0] =	vst.idx.msk $0xff, v10;
	v10 =	vandn.u32 $0xFFFFFFC0, v21;
	v18 =	vpop (erf)  }
0x325: {  	[tilespmem:v29+s15+$0x0] =	vst.idx.msk $0xff, v14;
	v28 =	vnsel vm0, $0x0, v10;
	v19 =	vadd.s32 s26, v0;
	v15 =	vmul.f32 v13, v18;
	v14, _, _ =	vpop (xrf1)  }
0x326: {  	v16 =	vmul.f32 v12, v16;
	v17 =	vbroadcast v17, $0xF;
	v12, _, _ =	vpop (xrf2);
	v23 =	vandn.u32 $0xFFFFFFC0, v14  }
0x327: {  	(xrf2) =	vadd.scan.msk.f32 $0xffff, v28;
	v18 =	vbroadcast v12, $0xF;
	[tilespmem:v57+s15+$0x0] =	vst.idx.msk $0xff, v15;
	v15 =	vnsel vm0, $0x0, v23  }
0x328: {  	s25 =	simm.s32 $0x848;
	[tilespmem:v31+s15+$0x0] =	vst.idx.msk $0xff, v16;
	v16 =	vand.u32 $0x3F, v25;
	(erf) = vrcp.f32 v17;
	v27 =	vand.u32 $0x3F, v14;
	v14 =	vpop (erf)  }
0x329: {  	s21 =	simm.s32 $0x840;
	s22 =	simm.s32 $0x860;
	[tilespmem:v9+s14+$0x0] =	vst.idx.msk $0xff, v20;
	v20 =	vadd.s32 s25, v0;
	(erf) = vrcp.f32 v18;
	v18 =	vmul.f32 v26, v14;
	v14, _, _ =	vpop (xrf1)  }
0x32a: {  	s29 =	simm.s32 $0x858;
	s31 =	simm.s32 $0x870;
	s30 =	simm.s32 $0x868;
	v24 =	vor.u32 s22, v0;
	v13 =	vor.u32 s21, v0;
	(xrf2) =	vadd.scan.msk.f32 $0xffff, v15;
	v15, _, _ =	vpop (xrf1)  }
0x32b: {  	s28 =	simm.s32 $0x850;
	v22 =	vadd.s32 s30, v0;
	v21 =	vor.u32 s31, v0;
	v11 =	vadd.s32 s29, v0;
	[tilespmem:v19+s14+$0x0] =	vst.idx.msk $0xff, v16;
	v16, _, _ =	vpop (xrf1)  }
0x32c: {  	v12 =	vor.u32 s28, v0;
	v17 =	vand.u32 $0x3F, v14;
	[tilespmem:v19+s15+$0x0] =	vst.idx.msk $0xff, v18;
	v18 =	vand.u32 $0x3F, v16  }
0x32d: {  	v14 =	vandn.u32 $0xFFFFFFC0, v14;
	v26 =	vand.u32 $0x3F, v15;
	v15 =	vandn.u32 $0xFFFFFFC0, v15  }
0x32e: {  	[tilespmem:v20+s14+$0x0] =	vst.idx.msk $0xff, v27;
	v29 =	vnsel vm0, $0x0, v14;
	v16 =	vandn.u32 $0xFFFFFFC0, v16;
	v28 =	vnsel vm0, $0x0, v15;
	v19, _, _ =	vpop (xrf1)  }
0x32f: {  	s23 =	simm.s32 $0x4500;
	s22 =	simm.s32 $0x8;
	v30 =	vnsel vm0, $0x0, v16;
	[tilespmem:v13+s14+$0x0] =	vst.idx.msk $0xff, v18;
	v27 =	vand.u32 $0x3F, v19;
	v25 =	vandn.u32 $0xFFFFFFC0, v19;
	v18, _, _ =	vpop (xrf1)  }
.LBB2_6:
0x330: {  	v31 =	vld [tilespmem:s23+$0xD0];
	v19 =	vnsel vm0, $0x0, v25;
	v32 =	vand.u32 $0x3F, v18;
	v33 =	vandn.u32 $0xFFFFFFC0, v18;
	(xrf2) =	vadd.scan.msk.f32 $0xffff, v30;
	v30, _, _ =	vpop (xrf1)  }
0x331: {  	s22 =	sadd.s32 $0x8, s22;
	v34 =	vld [tilespmem:s23+$0xE0];
	[tilespmem:v12+s14+$0x0] =	vst.idx.msk $0xff, v17;
	v18 =	vnsel vm0, $0x0, v33;
	v35 =	vand.u32 $0x3F, v30;
	v30 =	vandn.u32 $0xFFFFFFC0, v30;
	v36, _, _ =	vpop (xrf2)  }
0x332: {  	p0 =	slt.u32 s22, $0x78;
	v37 =	vld [tilespmem:s23+$0xF0];
	[tilespmem:v11+s14+$0x0] =	vst.idx.msk $0xff, v26;
	v17 =	vnsel vm0, $0x0, v30;
	v26 =	vbroadcast v36, $0xF;
	v36 =	vpop (erf)  }
0x333: {  	v38 =	vld [tilespmem:s23+$0xC0];
	[tilespmem:v24+s14+$0x0] =	vst.idx.msk $0xff, v27;
	(xrf2) =	vadd.scan.msk.f32 $0xffff, v29;
	v27 =	vmul.f32 v6, v36;
	v29 =	vpop (erf);
	v6 =	vmov v25  }
0x334: {  	v25 =	vld [tilespmem:s23+$0xFFFFFF20];
	[tilespmem:v22+s14+$0x0] =	vst.idx.msk $0xff, v32;
	v29 =	vmul.f32 v7, v29;
	v7 =	vmov v33  }
0x335: {  	v32 =	vld [tilespmem:s23+$0xFFFFFF60];
	v33 =	vand.u32 $0xFFFFFFC0, v31;
	[tilespmem:v5+s15+$0x0] =	vst.idx.msk $0xff, v27;
	(erf) = vrcp.f32 v26;
	v5 =	vmov v24  }
0x336: {  	v24 =	vld [tilespmem:s23+$0xFFFFFFA0];
	v26 =	vor.u32 v1, v33;
	v27 =	vand.u32 $0xFFFFFFC0, v34;
	v31, _, _ =	vpop (xrf2);
	(xrf2) =	vadd.scan.msk.f32 $0xffff, v28;
	[tilespmem:v8+s15+$0x0] =	vst.idx.msk $0xff, v29  }
0x337: {  	v8 =	vmovc v22;
	v28 =	vld [tilespmem:s23+$0xFFFFFFE0];
	v29 =	vand.u32 $0xFFFFFFC0, v37;
	v27 =	vxor.u32 v4, v27;
	(xrf1) =	vsort.ascd.msk.u32 $0xffff, v26, v26;
	v26 =	vbroadcast v31, $0xF  }
0x338: {  	v22 =	vld [tilespmem:s23+$0x20];
	v34 =	vand.u32 $0xFFFFFFC0, v38;
	v29 =	vor.u32 v2, v29;
	(xrf1) =	vsort.ascd.msk.u32 $0xffff, v27, v27;
	[tilespmem:v21+s14+$0x0] =	vst.idx.msk $0xff, v35  }
0x339: {  	v25 =	vand.u32 $0xFFFFFFC0, v25;
	v27 =	vld [tilespmem:s23+$0x60];
	v33 =	vxor.u32 v3, v34;
	(xrf1) =	vsort.ascd.msk.u32 $0xffff, v29, v29;
	(erf) = vrcp.f32 v26  }
0x33a: {  	v25 =	vxor.u32 v4, v25;
	v26 =	vand.u32 $0xFFFFFFC0, v32;
	v29 =	vld [tilespmem:s23+$0xA0];
	(xrf1) =	vsort.ascd.msk.u32 $0xffff, v33, v33;
	v31, _, _ =	vpop (xrf2)  }
0x33b: {  	v32 =	vld [tilespmem:s23+$0xFFFFFF10];
	v26 =	vxor.u32 v4, v26;
	v34 =	vand.u32 $0xFFFFFFC0, v24;
	(xrf1) =	vsort.ascd.msk.u32 $0xffff, v25, v25;
	v25 =	vbroadcast v31, $0xF  }
0x33c: {  	v31 =	vld [tilespmem:s23+$0xFFFFFF30];
	v33 =	vxor.u32 v4, v34;
	v28 =	vand.u32 $0xFFFFFFC0, v28;
	(xrf1) =	vsort.ascd.msk.u32 $0xffff, v26, v26  }
0x33d: {  	v26 =	vld [tilespmem:s23+$0xFFFFFF50];
	v28 =	vxor.u32 v4, v28;
	v22 =	vand.u32 $0xFFFFFFC0, v22;
	(xrf1) =	vsort.ascd.msk.u32 $0xffff, v33, v33;
	v24, _, _ =	vpop (xrf2)  }
0x33e: {  	v33 =	vld [tilespmem:s23+$0xFFFFFF70];
	v34 =	vxor.u32 v4, v22;
	v36 =	vand.u32 $0xFFFFFFC0, v27;
	(xrf1) =	vsort.ascd.msk.u32 $0xffff, v28, v28;
	v22 =	vbroadcast v24, $0xF;
	v24 =	vpop (erf)  }
0x33f: {  	v28 =	vld [tilespmem:s23+$0xFFFFFF90];
	v35 =	vxor.u32 v4, v36;
	v29 =	vand.u32 $0xFFFFFFC0, v29;
	(xrf1) =	vsort.ascd.msk.u32 $0xffff, v34, v34;
	v34 =	vmul.f32 v10, v24  }
0x340: {  	v10 =	vmov v30;
	v24 =	vand.u32 $0xFFFFFFC0, v32;
	v32 =	vld [tilespmem:s23+$0xFFFFFFB0];
	v29 =	vxor.u32 v4, v29;
	(xrf1) =	vsort.ascd.msk.u32 $0xffff, v35, v35;
	v27, _, _ =	vpop (xrf2)  }
0x341: {  	v36 =	vor.u32 v1, v24;
	v31 =	vand.u32 $0xFFFFFFC0, v31;
	v35 =	vld [tilespmem:s23+$0xFFFFFFD0];
	(xrf1) =	vsort.ascd.msk.u32 $0xffff, v29, v29;
	v24 =	vbroadcast v27, $0xF  }
0x342: {  	v27 =	vor.u32 v2, v31;
	v26 =	vand.u32 $0xFFFFFFC0, v26;
	v29 =	vld [tilespmem:s23+$0xFFFFFFF0];
	(xrf1) =	vsort.ascd.msk.u32 $0xffff, v36, v36;
	v30 =	vpop (erf);
	[tilespmem:v9+s15+$0x0] =	vst.idx.msk $0xff, v34  }
0x343: {  	v34 =	vor.u32 v1, v26;
	v36 =	vand.u32 $0xFFFFFFC0, v33;
	v31 =	vld [tilespmem:s23+$0x10];
	(xrf1) =	vsort.ascd.msk.u32 $0xffff, v27, v27;
	v23 =	vmul.f32 v23, v30  }
0x344: {  	v9 =	vmovc v21;
	v33 =	vor.u32 v2, v36;
	v27 =	vand.u32 $0xFFFFFFC0, v28;
	v28 =	vld [tilespmem:s23+$0x30];
	(xrf1) =	vsort.ascd.msk.u32 $0xffff, v34, v34  }
0x345: {  	v34 =	vor.u32 v1, v27;
	v27 =	vand.u32 $0xFFFFFFC0, v32;
	v30 =	vld [tilespmem:s23+$0x50];
	(xrf1) =	vsort.ascd.msk.u32 $0xffff, v33, v33;
	v26, _, _ =	vpop (xrf1);
	[tilespmem:v20+s15+$0x0] =	vst.idx.msk $0xff, v23  }
0x346: {  	v33 =	vor.u32 v2, v27;
	v23 =	vand.u32 $0xFFFFFFC0, v35;
	v27 =	vld [tilespmem:s23+$0x70];
	(xrf1) =	vsort.ascd.msk.u32 $0xffff, v34, v34;
	v21, _, _ =	vpop (xrf1)  }
0x347: {  	v23 =	vor.u32 v1, v23;
	v29 =	vand.u32 $0xFFFFFFC0, v29;
	v32 =	vld [tilespmem:s23+$0x90];
	v34 =	vxor.u32 $0xFFFFFFFF, v21;
	(xrf1) =	vsort.ascd.msk.u32 $0xffff, v33, v33;
	v20, _, _ =	vpop (xrf1)  }
0x348: {  	v35 =	vxor.u32 $0xFFFFFFFF, v26;
	v31 =	vand.u32 $0xFFFFFFC0, v31;
	v33 =	vld [tilespmem:s23+$0xB0];
	v20 =	vsel vm0, v34, v20;
	(xrf1) =	vsort.ascd.msk.u32 $0xffff, v23, v23;
	v21, _, _ =	vpop (xrf1)  }
0x349: {  	v29 =	vor.u32 v2, v29;
	v23 =	vld [tilespmem:s23+$0xFFFFFF40];
	v28 =	vand.u32 $0xFFFFFFC0, v28;
	v21 =	vsel vm0, v21, v35;
	v26, _, _ =	vpop (xrf1);
	(xrf1) =	vsort.ascd.msk.u32 $0xffff, v20, v20  }
0x34a: {  	v31 =	vor.u32 v1, v31;
	v20 =	vld [tilespmem:s23+$0xFFFFFF80];
	v28 =	vor.u32 v2, v28;
	v30 =	vand.u32 $0xFFFFFFC0, v30;
	v34, _, _ =	vpop (xrf1);
	(xrf1) =	vsort.ascd.msk.u32 $0xffff, v21, v21  }
0x34b: {  	v21 =	vxor.u32 $0xFFFFFFFF, v26;
	v26 =	vld [tilespmem:s23+$0xFFFFFFC0];
	v30 =	vor.u32 v1, v30;
	v27 =	vand.u32 $0xFFFFFFC0, v27;
	v35, _, _ =	vpop (xrf1);
	(xrf1) =	vsort.ascd.msk.u32 $0xffff, v29, v29  }
0x34c: {  	v29 =	vxor.u32 $0xFFFFFFFF, v34;
	v34 =	vld [tilespmem:s23+$0x0];
	v27 =	vor.u32 v2, v27;
	v32 =	vand.u32 $0xFFFFFFC0, v32;
	v36, _, _ =	vpop (xrf1);
	(xrf1) =	vsort.ascd.msk.u32 $0xffff, v31, v31  }
0x34d: {  	v31 =	vxor.u32 $0xFFFFFFFF, v35;
	v35 =	vld [tilespmem:s23+$0x40];
	v32 =	vor.u32 v1, v32;
	v33 =	vand.u32 $0xFFFFFFC0, v33;
	v37, _, _ =	vpop (xrf1);
	(xrf1) =	vsort.ascd.msk.u32 $0xffff, v28, v28  }
0x34e: {  	v28 =	vxor.u32 $0xFFFFFFFF, v36;
	v23 =	vand.u32 $0xFFFFFFC0, v23;
	v36 =	vld [tilespmem:s23+$0x80];
	v33 =	vor.u32 v2, v33;
	(xrf1) =	vsort.ascd.msk.u32 $0xffff, v30, v30;
	v30, _, _ =	vpop (xrf1)  }
0x34f: {  	v37 =	vxor.u32 $0xFFFFFFFF, v37;
	v38 =	vld [tilespmem:s23+$0xFFFFFF00];
	v23 =	vxor.u32 v3, v23;
	v20 =	vand.u32 $0xFFFFFFC0, v20;
	(xrf1) =	vsort.ascd.msk.u32 $0xffff, v27, v27;
	v27, _, _ =	vpop (xrf1)  }
0x350: {  	v30 =	vxor.u32 $0xFFFFFFFF, v30;
	v20 =	vxor.u32 v3, v20;
	v26 =	vand.u32 $0xFFFFFFC0, v26;
	v39, _, _ =	vpop (xrf1);
	(xrf1) =	vsort.ascd.msk.u32 $0xffff, v32, v32  }
0x351: {  	v27 =	vxor.u32 $0xFFFFFFFF, v27;
	v26 =	vxor.u32 v3, v26;
	v32 =	vand.u32 $0xFFFFFFC0, v34;
	v34, _, _ =	vpop (xrf1);
	(xrf1) =	vsort.ascd.msk.u32 $0xffff, v33, v33  }
0x352: {  	v21 =	vsel vm0, v21, v34;
	v32 =	vxor.u32 v3, v32;
	v33 =	vand.u32 $0xFFFFFFC0, v35;
	(xrf1) =	vsort.ascd.msk.u32 $0xffff, v23, v23;
	v23, _, _ =	vpop (xrf1)  }
0x353: {  	v34 =	vxor.u32 $0xFFFFFFFF, v39;
	v33 =	vxor.u32 v3, v33;
	v35 =	vand.u32 $0xFFFFFFC0, v36;
	v36, _, _ =	vpop (xrf1);
	(xrf1) =	vsort.ascd.msk.u32 $0xffff, v20, v20  }
0x354: {  	v39 =	vand.u32 $0xFFFFFFC0, v38;
	v29 =	vsel vm0, v29, v36;
	v35 =	vxor.u32 v3, v35;
	v36, _, _ =	vpop (xrf1);
	(xrf1) =	vsort.ascd.msk.u32 $0xffff, v26, v26  }
0x355: {  	v23 =	vxor.u32 $0xFFFFFFFF, v23;
	v38 =	vxor.u32 v3, v39;
	v26 =	vxor.u32 $0xFFFFFFFF, v36;
	v36, _, _ =	vpop (xrf1);
	(xrf1) =	vsort.ascd.msk.u32 $0xffff, v32, v32  }
0x356: {  	v31 =	vsel vm0, v31, v36;
	(xrf1) =	vsort.ascd.msk.u32 $0xffff, v38, v38;
	v20, _, _ =	vpop (xrf1)  }
0x357: {  	v20 =	vxor.u32 $0xFFFFFFFF, v20;
	(xrf1) =	vsort.ascd.msk.u32 $0xffff, v33, v33;
	v32, _, _ =	vpop (xrf1)  }
0x358: {  	v32 =	vxor.u32 $0xFFFFFFFF, v32;
	(xrf1) =	vsort.ascd.msk.u32 $0xffff, v35, v35;
	v33, _, _ =	vpop (xrf1)  }
0x359: {  	v32 =	vsel vm0, v33, v32;
	(xrf1) =	vsort.ascd.msk.u32 $0xffff, v21, v21;
	v21, _, _ =	vpop (xrf1)  }
0x35a: {  	v21 =	vsel vm0, v28, v21;
	v28, _, _ =	vpop (xrf1);
	(xrf1) =	vsort.ascd.msk.u32 $0xffff, v32, v32  }
0x35b: {  	v28 =	vxor.u32 $0xFFFFFFFF, v28;
	(xrf1) =	vsort.ascd.msk.u32 $0xffff, v29, v29;
	v29, _, _ =	vpop (xrf1)  }
0x35c: {  	v32 =	vsel vm0, v37, v29;
	(xrf1) =	vsort.ascd.msk.u32 $0xffff, v31, v31;
	v31, _, _ =	vpop (xrf1)  }
0x35d: {  	v31 =	vxor.u32 $0xFFFFFFFF, v31;
	(xrf1) =	vsort.ascd.msk.u32 $0xffff, v21, v21;
	v21, _, _ =	vpop (xrf1)  }
0x35e: {  	v30 =	vsel vm0, v30, v21;
	(xrf1) =	vsort.ascd.msk.u32 $0xffff, v32, v32;
	v29, _, _ =	vpop (xrf1)  }
0x35f: {  	v29 =	vxor.u32 $0xFFFFFFFF, v29;
	(xrf1) =	vsort.ascd.msk.u32 $0xffff, v30, v30;
	v21, _, _ =	vpop (xrf1)  }
0x360: {  	v21 =	vsel vm0, v27, v21;
	v27, _, _ =	vpop (xrf1)  }
0x361: {  	v30 =	vsel vm0, v27, v23;
	v27, _, _ =	vpop (xrf1);
	(xrf1) =	vsort.ascd.msk.u32 $0xffff, v21, v21  }
0x362: {  	v26 =	vsel vm0, v27, v26;
	(xrf1) =	vsort.ascd.msk.u32 $0xffff, v30, v30;
	v23, _, _ =	vpop (xrf1)  }
0x363: {  	v20 =	vsel vm0, v23, v20;
	(xrf1) =	vsort.ascd.msk.u32 $0xffff, v26, v26;
	v21, _, _ =	vpop (xrf1)  }
0x364: {  	v26 =	vsel vm0, v21, v28;
	v23, _, _ =	vpop (xrf1);
	(xrf1) =	vsort.ascd.msk.u32 $0xffff, v20, v20  }
0x365: {  	v27 =	vsel vm0, v23, v34;
	(xrf1) =	vsort.ascd.msk.u32 $0xffff, v26, v26;
	v21, _, _ =	vpop (xrf1);
	(erf) = vrcp.f32 v25  }
0x366: {  	v21 =	vsel vm0, v21, v31;
	(xrf1) =	vsort.ascd.msk.u32 $0xffff, v27, v27;
	v20, _, _ =	vpop (xrf1)  }
0x367: {  	v20 =	vsel vm0, v20, v29;
	v23, _, _ =	vpop (xrf1)  }
0x368: {  	v23 =	vxor.u32 $0xFFFFFFFF, v23;
	(xrf1) =	vsort.ascd.msk.u32 $0xffff, v21, v21;
	v25, _, _ =	vpop (xrf1)  }
0x369: {  	v26 =	vandn.u32 $0xFFFFFFC0, v25;
	v21, _, _ =	vpop (xrf1);
	(xrf1) =	vsort.ascd.msk.u32 $0xffff, v20, v20  }
0x36a: {  	v20 =	vxor.u32 $0xFFFFFFFF, v21;
	v21 =	vnsel vm0, $0x0, v26;
	v27, _, _ =	vpop (xrf1)  }
0x36b: {  	v27 =	vxor.u32 $0xFFFFFFFF, v27;
	v28, _, _ =	vpop (xrf1);
	(xrf2) =	vadd.scan.msk.f32 $0xffff, v21  }
0x36c: {  	v21 =	vxor.u32 $0xFFFFFFFF, v28;
	v28, _, _ =	vpop (xrf1)  }
0x36d: {  	v28 =	vxor.u32 $0xFFFFFFFF, v28;
	v29, _, _ =	vpop (xrf1)  }
0x36e: {  	v29 =	vxor.u32 $0xFFFFFFFF, v29;
	v30 =	vpop (erf);
	(xrf2) =	vadd.scan.msk.f32 $0xffff, v19  }
0x36f: {  	v19, _, _ =	vpop (xrf1);
	v31 =	vmul.f32 v16, v30  }
0x370: {  	v19 =	vxor.u32 $0xFFFFFFFF, v19;
	v30, _, _ =	vpop (xrf1);
	(erf) = vrcp.f32 v22  }
0x371: {  	v20 =	vsel vm0, v30, v20;
	v22, _, _ =	vpop (xrf1);
	[tilespmem:v13+s15+$0x0] =	vst.idx.msk $0xff, v31;
	(erf) = vrcp.f32 v24;
	(xrf2) =	vadd.scan.msk.f32 $0xffff, v18  }
0x372: {  	v13 =	vsel vm0, v22, v27;
	(xrf1) =	vsort.ascd.msk.u32 $0xffff, v20, v20;
	v16, _, _ =	vpop (xrf1)  }
0x373: {  	v21 =	vsel vm0, v16, v21;
	v18, _, _ =	vpop (xrf1)  }
0x374: {  	v18 =	vsel vm0, v18, v28;
	v20, _, _ =	vpop (xrf1);
	(xrf1) =	vsort.ascd.msk.u32 $0xffff, v13, v13  }
0x375: {  	v20 =	vsel vm0, v20, v23;
	(xrf1) =	vsort.ascd.msk.u32 $0xffff, v21, v21;
	v16, _, _ =	vpop (xrf2)  }
0x376: {  	v16 =	vbroadcast v16, $0xF;
	(xrf1) =	vsort.ascd.msk.u32 $0xffff, v20, v20;
	v13, _, _ =	vpop (xrf1)  }
0x377: {  	v20 =	vsel vm0, v13, v29;
	(xrf1) =	vsort.ascd.msk.u32 $0xffff, v18, v18;
	v18, _, _ =	vpop (xrf1)  }
0x378: {  	v18 =	vsel vm0, v18, v19;
	(xrf1) =	vsort.ascd.msk.u32 $0xffff, v20, v20;
	(erf) = vrcp.f32 v16;
	v13, _, _ =	vpop (xrf2)  }
0x379: {  	(xrf1) =	vsort.ascd.msk.u32 $0xffff, v18, v18;
	v16 =	vbroadcast v13, $0xF;
	v13 =	vpop (erf)  }
0x37a: {  	v13 =	vmul.f32 v14, v13;
	v14 =	vpop (erf)  }
0x37b: {  	v14 =	vmul.f32 v15, v14;
	v15, _, _ =	vpop (xrf2)  }
0x37c: {  	s21 =	sadd.s32 $0x40, s21;
	[tilespmem:v12+s15+$0x0] =	vst.idx.msk $0xff, v13;
	v15 =	vbroadcast v15, $0xF  }
0x37d: {  	s0 =	sadd.s32 $0x8, s21;
	s1 =	sadd.s32 $0x10, s21;
	s10 =	sadd.s32 $0x38, s21;
	v13 =	vor.u32 s21, v0;
	[tilespmem:v11+s15+$0x0] =	vst.idx.msk $0xff, v14  }
0x37e: {  	s24 =	sadd.s32 $0x28, s21;
	v20 =	vadd.s32 s0, v0;
	s0 =	sadd.s32 $0x18, s21;
	v18 =	vadd.s32 s10, v0;
	v12 =	vor.u32 s1, v0;
	s1 =	sadd.s32 $0x20, s21;
	(xrf2) =	vadd.scan.msk.f32 $0xffff, v17  }
0x37f: {  	v22 =	vadd.s32 s24, v0;
	v11 =	vadd.s32 s0, v0;
	v24 =	vor.u32 s1, v0;
	s0 =	sadd.s32 $0x30, s21  }
0x380: {  	v21 =	vor.u32 s0, v0;
	v14, _, _ =	vpop (xrf1);
	(erf) = vrcp.f32 v16  }
0x381: {  	v19 =	vand.u32 $0x3F, v14;
	v23 =	vandn.u32 $0xFFFFFFC0, v14;
	v14 =	vpop (erf);
	(erf) = vrcp.f32 v15  }
.Ltmp2:
0x382: {  	v28 =	vand.u32 $0x3F, v25;
	v27 =	vnsel vm0, $0x0, v23;
	v25 =	vmul.f32 v26, v14;
	v14, _, _ =	vpop (xrf1);
	(pc) =	sbr.rel @p0 .LBB2_6-.Ltmp2, $4  }
0x383: {  	v17 =	vand.u32 $0x3F, v14;
	v14 =	vandn.u32 $0xFFFFFFC0, v14;
	[tilespmem:v18+s14+$0x0] =	vst.idx.msk $0xff, v28;
	(xrf2) =	vadd.scan.msk.f32 $0xffff, v27;
	v15, _, _ =	vpop (xrf1)  }
0x384: {  	v29 =	vnsel vm0, $0x0, v14;
	v26 =	vand.u32 $0x3F, v15;
	v15 =	vandn.u32 $0xFFFFFFC0, v15;
	[tilespmem:v18+s15+$0x0] =	vst.idx.msk $0xff, v25;
	v16, _, _ =	vpop (xrf1)  }
0x385: {  	v31 =	vand.u32 $0x3F, v16;
	v16 =	vandn.u32 $0xFFFFFFC0, v16;
	[tilespmem:v20+s14+$0x0] =	vst.idx.msk $0xff, v19;
	v28 =	vnsel vm0, $0x0, v15;
	v19, _, _ =	vpop (xrf1)  }
0x386: {  	s23 =	sadd.s32 $0x200, s23;
	v30 =	vnsel vm0, $0x0, v16;
	[tilespmem:v13+s14+$0x0] =	vst.idx.msk $0xff, v31;
	v27 =	vand.u32 $0x3F, v19;
	v25 =	vandn.u32 $0xFFFFFFC0, v19;
	v18, _, _ =	vpop (xrf1)  }
0x387: {  	(xrf2) =	vadd.scan.msk.f32 $0xffff, v30;
	_ =	sdelay $0x1  }
0x388: {  	(xrf2) =	vadd.scan.msk.f32 $0xffff, v29  }
0x389: {  	v30, _, _ =	vpop (xrf1)  }
0x38a: {  	v19 =	vnsel vm0, $0x0, v25;
	v31 =	vandn.u32 $0xFFFFFFC0, v30;
	(xrf2) =	vadd.scan.msk.f32 $0xffff, v28  }
0x38b: {  	v29 =	vandn.u32 $0xFFFFFFC0, v18;
	(xrf2) =	vadd.scan.msk.f32 $0xffff, v19;
	v19 =	vnsel vm0, $0x0, v31  }
0x38c: {  	v28 =	vnsel vm0, $0x0, v29  }
0x38d: {  	(xrf2) =	vadd.scan.msk.f32 $0xffff, v28  }
0x38e: {  	(xrf2) =	vadd.scan.msk.f32 $0xffff, v19;
	v19, _, _ =	vpop (xrf2)  }
0x38f: {  	v28, _, _ =	vpop (xrf2);
	v19 =	vbroadcast v19, $0xF  }
0x390: {  	v28 =	vbroadcast v28, $0xF;
	v32, _, _ =	vpop (xrf2)  }
0x391: {  	(erf) = vrcp.f32 v19;
	v19 =	vbroadcast v32, $0xF  }
0x392: {  	v33, _, _ =	vpop (xrf2)  }
0x393: {  	(erf) = vrcp.f32 v28;
	v28 =	vbroadcast v33, $0xF  }
0x394: {  	v45, _, _ =	vpop (xrf2)  }
0x395: {  	(erf) = vrcp.f32 v19;
	v19, _, _ =	vpop (xrf2)  }
0x396: {  	v19 =	vbroadcast v19, $0xF  }
0x397: {  	v32 =	vbroadcast v45, $0xF;
	(erf) = vrcp.f32 v28;
	v28, _, _ =	vpop (xrf2)  }
0x398: {  	v46, _, _ =	vpop (xrf2)  }
0x399: {  	[tilespmem:v12+s14+$0x0] =	vst.idx.msk $0xff, v17;
	(erf) = vrcp.f32 v32;
	v17 =	vbroadcast v46, $0xF  }
0x39a: {  	v28 =	vbroadcast v28, $0xF;
	(erf) = vrcp.f32 v19;
	v19 =	vpop (erf)  }
0x39b: {  	v6 =	vmul.f32 v6, v19;
	v19 =	vpop (erf)  }
0x39c: {  	[tilespmem:v11+s14+$0x0] =	vst.idx.msk $0xff, v26;
	(erf) = vrcp.f32 v28;
	v7 =	vmul.f32 v7, v19  }
0x39d: {  	(erf) = vrcp.f32 v17;
	v17 =	vpop (erf);
	[tilespmem:v5+s15+$0x0] =	vst.idx.msk $0xff, v6  }
0x39e: {  	v5 =	vpop (erf);
	[tilespmem:v8+s15+$0x0] =	vst.idx.msk $0xff, v7;
	v7 =	vmul.f32 v10, v17  }
0x39f: {  	[tilespmem:v24+s14+$0x0] =	vst.idx.msk $0xff, v27;
	v6 =	vand.u32 $0x3F, v30;
	v8 =	vpop (erf)  }
0x3a0: {  	v18 =	vand.u32 $0x3F, v18;
	[tilespmem:v9+s15+$0x0] =	vst.idx.msk $0xff, v7;
	v7 =	vmul.f32 v16, v8  }
0x3a1: {  	[tilespmem:v22+s14+$0x0] =	vst.idx.msk $0xff, v18;
	v5 =	vmul.f32 v23, v5  }
0x3a2: {  	[tilespmem:v21+s14+$0x0] =	vst.idx.msk $0xff, v6;
	v6 =	vpop (erf)  }
0x3a3: {  	[tilespmem:v20+s15+$0x0] =	vst.idx.msk $0xff, v5;
	v8 =	vpop (erf);
	v5 =	vmul.f32 v14, v6  }
0x3a4: {  	[tilespmem:v13+s15+$0x0] =	vst.idx.msk $0xff, v7;
	v6 =	vmul.f32 v15, v8;
	v7 =	vpop (erf)  }
0x3a5: {  	[tilespmem:v12+s15+$0x0] =	vst.idx.msk $0xff, v5;
	v5 =	vmul.f32 v25, v7;
	v7 =	vpop (erf)  }
0x3a6: {  	[tilespmem:v11+s15+$0x0] =	vst.idx.msk $0xff, v6;
	v6 =	vmul.f32 v29, v7;
	v7 =	vpop (erf)  }
0x3a7: {  	[tilespmem:v24+s15+$0x0] =	vst.idx.msk $0xff, v5;
	v5 =	vmul.f32 v31, v7  }
0x3a8: {  	[tilespmem:v22+s15+$0x0] =	vst.idx.msk $0xff, v6  }
0x3a9: {  	[tilespmem:v21+s15+$0x0] =	vst.idx.msk $0xff, v5  }
0x3aa: {  	_ =	swait.ge [sflag:s18], $0x2000  }
0x3ab: {  	[sflag:s18] =	ssyncset.done $0x0  }
0x3ac: {  	s21 =	simm.s32 $0x6100;
	[sflag:s18] =	ssyncadd.s32 $0xFFFFE000  }
0x3ad: {  	v5 =	vld [tilespmem:s21+$0xD0]  }
0x3ae: {  	v6 =	vld [tilespmem:s21+$0xE0]  }
0x3af: {  	v7 =	vld [tilespmem:s21+$0xF0]  }
0x3b0: {  	v8 =	vld [tilespmem:s21+$0xC0]  }
0x3b1: {  	v9 =	vld [tilespmem:s21+$0xFFFFFF20]  }
0x3b2: {  	v10 =	vld [tilespmem:s21+$0xFFFFFF60]  }
0x3b3: {  	v11 =	vld [tilespmem:s21+$0xFFFFFFA0];
	v5 =	vand.u32 $0xFFFFFFC0, v5  }
0x3b4: {  	v12 =	vld [tilespmem:s21+$0xFFFFFFE0];
	v6 =	vand.u32 $0xFFFFFFC0, v6;
	v5 =	vor.u32 v1, v5  }
0x3b5: {  	v7 =	vand.u32 $0xFFFFFFC0, v7;
	v6 =	vxor.u32 v4, v6;
	(xrf1) =	vsort.ascd.msk.u32 $0xffff, v5, v5;
	v5 =	vld [tilespmem:s21+$0x20]  }
0x3b6: {  	v8 =	vand.u32 $0xFFFFFFC0, v8;
	v7 =	vor.u32 v2, v7;
	(xrf1) =	vsort.ascd.msk.u32 $0xffff, v6, v6;
	v6 =	vand.u32 $0xFFFFFFC0, v9;
	v9 =	vld [tilespmem:s21+$0x60]  }
0x3b7: {  	v8 =	vxor.u32 v3, v8;
	(xrf1) =	vsort.ascd.msk.u32 $0xffff, v7, v7;
	v7 =	vand.u32 $0xFFFFFFC0, v10;
	v10 =	vld [tilespmem:s21+$0xA0]  }
0x3b8: {  	v6 =	vxor.u32 v4, v6;
	(xrf1) =	vsort.ascd.msk.u32 $0xffff, v8, v8;
	v8 =	vld [tilespmem:s21+$0xFFFFFF10]  }
0x3b9: {  	v11 =	vand.u32 $0xFFFFFFC0, v11;
	v7 =	vxor.u32 v4, v7;
	(xrf1) =	vsort.ascd.msk.u32 $0xffff, v6, v6;
	v6 =	vld [tilespmem:s21+$0xFFFFFF30]  }
0x3ba: {  	v12 =	vand.u32 $0xFFFFFFC0, v12;
	v11 =	vxor.u32 v4, v11;
	(xrf1) =	vsort.ascd.msk.u32 $0xffff, v7, v7;
	v7 =	vld [tilespmem:s21+$0xFFFFFF50]  }
0x3bb: {  	v12 =	vxor.u32 v4, v12;
	v5 =	vand.u32 $0xFFFFFFC0, v5;
	(xrf1) =	vsort.ascd.msk.u32 $0xffff, v11, v11;
	v11 =	vld [tilespmem:s21+$0xFFFFFF70]  }
0x3bc: {  	v5 =	vxor.u32 v4, v5;
	v9 =	vand.u32 $0xFFFFFFC0, v9;
	(xrf1) =	vsort.ascd.msk.u32 $0xffff, v12, v12;
	v12 =	vld [tilespmem:s21+$0xFFFFFF90]  }
0x3bd: {  	v9 =	vxor.u32 v4, v9;
	v10 =	vand.u32 $0xFFFFFFC0, v10;
	(xrf1) =	vsort.ascd.msk.u32 $0xffff, v5, v5;
	v5 =	vand.u32 $0xFFFFFFC0, v8;
	v8 =	vld [tilespmem:s21+$0xFFFFFFB0]  }
0x3be: {  	v10 =	vxor.u32 v4, v10;
	(xrf1) =	vsort.ascd.msk.u32 $0xffff, v9, v9;
	v9 =	vld [tilespmem:s21+$0xFFFFFFD0]  }
0x3bf: {  	v5 =	vor.u32 v1, v5;
	(xrf1) =	vsort.ascd.msk.u32 $0xffff, v10, v10;
	v7 =	vand.u32 $0xFFFFFFC0, v7  }
0x3c0: {  	v6 =	vand.u32 $0xFFFFFFC0, v6;
	(xrf1) =	vsort.ascd.msk.u32 $0xffff, v5, v5;
	v5 =	vor.u32 v1, v7;
	v7 =	vand.u32 $0xFFFFFFC0, v11  }
0x3c1: {  	v13 =	vld [tilespmem:s21+$0x70];
	v6 =	vor.u32 v2, v6;
	v7 =	vor.u32 v2, v7;
	v10 =	vand.u32 $0xFFFFFFC0, v12  }
0x3c2: {  	(xrf1) =	vsort.ascd.msk.u32 $0xffff, v6, v6;
	v6 =	vld [tilespmem:s21+$0xFFFFFFF0];
	v10 =	vor.u32 v1, v10;
	v8 =	vand.u32 $0xFFFFFFC0, v8  }
0x3c3: {  	v12 =	vld [tilespmem:s21+$0x50];
	(xrf1) =	vsort.ascd.msk.u32 $0xffff, v5, v5;
	v8 =	vor.u32 v2, v8;
	v9 =	vand.u32 $0xFFFFFFC0, v9  }
0x3c4: {  	v5 =	vld [tilespmem:s21+$0x10];
	(xrf1) =	vsort.ascd.msk.u32 $0xffff, v7, v7;
	v7, _, _ =	vpop (xrf1);
	v9 =	vor.u32 v1, v9  }
0x3c5: {  	v11 =	vld [tilespmem:s21+$0x30];
	(xrf1) =	vsort.ascd.msk.u32 $0xffff, v10, v10;
	v10, _, _ =	vpop (xrf1)  }
0x3c6: {  	(xrf1) =	vsort.ascd.msk.u32 $0xffff, v8, v8;
	v10 =	vxor.u32 $0xFFFFFFFF, v10;
	v8, _, _ =	vpop (xrf1)  }
0x3c7: {  	v7 =	vxor.u32 $0xFFFFFFFF, v7;
	(xrf1) =	vsort.ascd.msk.u32 $0xffff, v9, v9;
	v8 =	vsel vm0, v10, v8;
	v9, _, _ =	vpop (xrf1);
	v10 =	vld [tilespmem:s21+$0x90]  }
0x3c8: {  	v13 =	vand.u32 $0xFFFFFFC0, v13;
	v6 =	vand.u32 $0xFFFFFFC0, v6;
	v7 =	vsel vm0, v9, v7;
	v9, _, _ =	vpop (xrf1);
	(xrf1) =	vsort.ascd.msk.u32 $0xffff, v8, v8;
	v8 =	vld [tilespmem:s21+$0xB0]  }
0x3c9: {  	v12 =	vand.u32 $0xFFFFFFC0, v12;
	v5 =	vand.u32 $0xFFFFFFC0, v5;
	v6 =	vor.u32 v2, v6;
	v14, _, _ =	vpop (xrf1);
	(xrf1) =	vsort.ascd.msk.u32 $0xffff, v7, v7;
	v7 =	vld [tilespmem:s21+$0xFFFFFF40]  }
0x3ca: {  	v11 =	vand.u32 $0xFFFFFFC0, v11;
	v12 =	vor.u32 v1, v12;
	v5 =	vor.u32 v1, v5;
	v15, _, _ =	vpop (xrf1);
	(xrf1) =	vsort.ascd.msk.u32 $0xffff, v6, v6;
	v6 =	vld [tilespmem:s21+$0xFFFFFF80]  }
0x3cb: {  	v13 =	vor.u32 v2, v13;
	v11 =	vor.u32 v2, v11;
	v16, _, _ =	vpop (xrf1);
	(xrf1) =	vsort.ascd.msk.u32 $0xffff, v5, v5;
	v5 =	vld [tilespmem:s21+$0xFFFFFFC0]  }
0x3cc: {  	v17, _, _ =	vpop (xrf1);
	(xrf1) =	vsort.ascd.msk.u32 $0xffff, v11, v11;
	v11 =	vld [tilespmem:s21+$0x0]  }
0x3cd: {  	v18 =	vld [tilespmem:s21+$0xFFFFFF00];
	v10 =	vand.u32 $0xFFFFFFC0, v10;
	(xrf1) =	vsort.ascd.msk.u32 $0xffff, v12, v12;
	v12, _, _ =	vpop (xrf1)  }
0x3ce: {  	v10 =	vor.u32 v1, v10;
	v8 =	vand.u32 $0xFFFFFFC0, v8;
	(xrf1) =	vsort.ascd.msk.u32 $0xffff, v13, v13;
	v13, _, _ =	vpop (xrf1);
	v7 =	vand.u32 $0xFFFFFFC0, v7  }
0x3cf: {  	v8 =	vor.u32 v2, v8;
	v19, _, _ =	vpop (xrf1);
	(xrf1) =	vsort.ascd.msk.u32 $0xffff, v10, v10;
	v10 =	vld [tilespmem:s21+$0x40];
	v7 =	vxor.u32 v3, v7  }
0x3d0: {  	v6 =	vand.u32 $0xFFFFFFC0, v6;
	v20, _, _ =	vpop (xrf1);
	(xrf1) =	vsort.ascd.msk.u32 $0xffff, v8, v8  }
0x3d1: {  	v8 =	vld [tilespmem:s21+$0x80];
	v6 =	vxor.u32 v3, v6;
	v5 =	vand.u32 $0xFFFFFFC0, v5;
	(xrf1) =	vsort.ascd.msk.u32 $0xffff, v7, v7;
	v11 =	vand.u32 $0xFFFFFFC0, v11  }
0x3d2: {  	v5 =	vxor.u32 v3, v5;
	v7, _, _ =	vpop (xrf1);
	(xrf1) =	vsort.ascd.msk.u32 $0xffff, v6, v6;
	v6 =	vxor.u32 v3, v11;
	v11 =	vand.u32 $0xFFFFFFC0, v18  }
0x3d3: {  	v21, _, _ =	vpop (xrf1);
	(xrf1) =	vsort.ascd.msk.u32 $0xffff, v5, v5;
	v5 =	vxor.u32 v3, v11  }
0x3d4: {  	v18, _, _ =	vpop (xrf1);
	(xrf1) =	vsort.ascd.msk.u32 $0xffff, v6, v6;
	v6 =	vand.u32 $0xFFFFFFC0, v10  }
0x3d5: {  	v11, _, _ =	vpop (xrf1);
	v6 =	vxor.u32 v3, v6  }
0x3d6: {  	(xrf1) =	vsort.ascd.msk.u32 $0xffff, v5, v5;
	v8 =	vand.u32 $0xFFFFFFC0, v8;
	v5, _, _ =	vpop (xrf1)  }
0x3d7: {  	v9 =	vxor.u32 $0xFFFFFFFF, v9;
	v8 =	vxor.u32 v3, v8;
	v10, _, _ =	vpop (xrf1)  }
0x3d8: {  	v9 =	vsel vm0, v9, v20;
	(xrf1) =	vsort.ascd.msk.u32 $0xffff, v6, v6;
	v6, _, _ =	vpop (xrf1);
	v10 =	vxor.u32 $0xFFFFFFFF, v10  }
0x3d9: {  	v6 =	vsel vm0, v6, v10  }
0x3da: {  	(xrf1) =	vsort.ascd.msk.u32 $0xffff, v8, v8;
	v8, _, _ =	vpop (xrf1);
	v10 =	vxor.u32 $0xFFFFFFFF, v15  }
0x3db: {  	v14 =	vxor.u32 $0xFFFFFFFF, v14;
	(xrf1) =	vsort.ascd.msk.u32 $0xffff, v9, v9;
	v9, _, _ =	vpop (xrf1);
	v10 =	vsel vm0, v10, v11  }
0x3dc: {  	v14 =	vsel vm0, v14, v21;
	v15 =	vxor.u32 $0xFFFFFFFF, v16;
	(xrf1) =	vsort.ascd.msk.u32 $0xffff, v6, v6;
	v6, _, _ =	vpop (xrf1)  }
0x3dd: {  	v8 =	vsel vm0, v15, v8;
	(xrf1) =	vsort.ascd.msk.u32 $0xffff, v14, v14;
	v14 =	vxor.u32 $0xFFFFFFFF, v17;
	v11, _, _ =	vpop (xrf1)  }
0x3de: {  	v12 =	vxor.u32 $0xFFFFFFFF, v12;
	(xrf1) =	vsort.ascd.msk.u32 $0xffff, v10, v10;
	v6 =	vsel vm0, v14, v6;
	v10, _, _ =	vpop (xrf1)  }
0x3df: {  	v10 =	vsel vm0, v12, v10  }
0x3e0: {  	(xrf1) =	vsort.ascd.msk.u32 $0xffff, v8, v8;
	v8, _, _ =	vpop (xrf1)  }
0x3e1: {  	(xrf1) =	vsort.ascd.msk.u32 $0xffff, v6, v6;
	v6, _, _ =	vpop (xrf1)  }
0x3e2: {  	v13 =	vxor.u32 $0xFFFFFFFF, v13;
	v7 =	vxor.u32 $0xFFFFFFFF, v7;
	(xrf1) =	vsort.ascd.msk.u32 $0xffff, v10, v10;
	v10, _, _ =	vpop (xrf1)  }
0x3e3: {  	v12 =	vxor.u32 $0xFFFFFFFF, v18;
	v6 =	vsel vm0, v13, v6;
	v7 =	vsel vm0, v10, v7;
	v10, _, _ =	vpop (xrf1)  }
0x3e4: {  	(xrf1) =	vsort.ascd.msk.u32 $0xffff, v6, v6;
	v6 =	vsel vm0, v10, v12  }
0x3e5: {  	v9 =	vxor.u32 $0xFFFFFFFF, v9  }
0x3e6: {  	(xrf1) =	vsort.ascd.msk.u32 $0xffff, v7, v7;
	v7, _, _ =	vpop (xrf1)  }
0x3e7: {  	v5 =	vxor.u32 $0xFFFFFFFF, v5;
	(xrf1) =	vsort.ascd.msk.u32 $0xffff, v6, v6;
	v6, _, _ =	vpop (xrf1)  }
0x3e8: {  	v5 =	vsel vm0, v7, v5;
	v7 =	vxor.u32 $0xFFFFFFFF, v19;
	v6 =	vsel vm0, v6, v9;
	v9, _, _ =	vpop (xrf1)  }
0x3e9: {  	(xrf1) =	vsort.ascd.msk.u32 $0xffff, v5, v5;
	v5 =	vsel vm0, v9, v7;
	_ =	sdelay $0x1  }
0x3ea: {  	(xrf1) =	vsort.ascd.msk.u32 $0xffff, v6, v6;
	v6, _, _ =	vpop (xrf1)  }
0x3eb: {  	(xrf1) =	vsort.ascd.msk.u32 $0xffff, v5, v5;
	v5, _, _ =	vpop (xrf1)  }
0x3ec: {  	v7, _, _ =	vpop (xrf1)  }
0x3ed: {  	v10, _, _ =	vpop (xrf1)  }
0x3ee: {  	v9, _, _ =	vpop (xrf1)  }
0x3ef: {  	v12, _, _ =	vpop (xrf1)  }
0x3f0: {  	v13, _, _ =	vpop (xrf1)  }
0x3f1: {  	v11 =	vxor.u32 $0xFFFFFFFF, v11;
	v14, _, _ =	vpop (xrf1)  }
0x3f2: {  	v15, _, _ =	vpop (xrf1)  }
0x3f3: {  	v8 =	vxor.u32 $0xFFFFFFFF, v8;
	v6 =	vsel vm0, v6, v11;
	v16, _, _ =	vpop (xrf1)  }
0x3f4: {  	(xrf1) =	vsort.ascd.msk.u32 $0xffff, v6, v6;
	v6 =	vxor.u32 $0xFFFFFFFF, v9;
	v11, _, _ =	vpop (xrf1)  }
0x3f5: {  	v6 =	vsel vm0, v11, v6  }
0x3f6: {  	v5 =	vsel vm0, v5, v8;
	v8, _, _ =	vpop (xrf1)  }
0x3f7: {  	(xrf1) =	vsort.ascd.msk.u32 $0xffff, v5, v5;
	v5 =	vxor.u32 $0xFFFFFFFF, v12;
	v9, _, _ =	vpop (xrf1)  }
0x3f8: {  	v11 =	vxor.u32 $0xFFFFFFFF, v13;
	v5 =	vsel vm0, v8, v5;
	(xrf1) =	vsort.ascd.msk.u32 $0xffff, v6, v6;
	v6, _, _ =	vpop (xrf1)  }
0x3f9: {  	v7 =	vxor.u32 $0xFFFFFFFF, v7;
	v8 =	vsel vm0, v9, v11;
	(xrf1) =	vsort.ascd.msk.u32 $0xffff, v5, v5;
	v9, _, _ =	vpop (xrf1)  }
0x3fa: {  	(xrf1) =	vsort.ascd.msk.u32 $0xffff, v8, v8;
	v5 =	vsel vm0, v9, v7  }
0x3fb: {  	(xrf1) =	vsort.ascd.msk.u32 $0xffff, v5, v5;
	_ =	sdelay $0x3  }
0x3fc: {  	v9 =	vandn.u32 $0xFFFFFFC0, v10  }
0x3fd: {  	v5 =	vnsel vm0, $0x0, v9  }
0x3fe: {  	(xrf2) =	vadd.scan.msk.f32 $0xffff, v5;
	_ =	sdelay $0x2  }
0x3ff: {  	v5, _, _ =	vpop (xrf1)  }
0x400: {  	v8 =	vxor.u32 $0xFFFFFFFF, v14;
	v7, _, _ =	vpop (xrf1)  }
0x401: {  	s30 =	simm.s32 $0x6300;
	v6 =	vsel vm0, v6, v8;
	v17, _, _ =	vpop (xrf1)  }
0x402: {  	v11 =	vxor.u32 $0xFFFFFFFF, v15;
	(xrf1) =	vsort.ascd.msk.u32 $0xffff, v6, v6;
	v6 =	vld [tilespmem:s30+$0xD0];
	v15, _, _ =	vpop (xrf1)  }
0x403: {  	v22 =	vld [tilespmem:s30+$0xFFFFFFA0];
	v8 =	vxor.u32 $0xFFFFFFFF, v16;
	v5 =	vsel vm0, v5, v11;
	v16, _, _ =	vpop (xrf1)  }
0x404: {  	v7 =	vsel vm0, v7, v8;
	(xrf1) =	vsort.ascd.msk.u32 $0xffff, v5, v5;
	v5 =	vld [tilespmem:s30+$0xE0];
	v11 =	vandn.u32 $0xFFFFFFC0, v17;
	v18, _, _ =	vpop (xrf1)  }
0x405: {  	v19 =	vld [tilespmem:s30+$0xF0];
	(xrf1) =	vsort.ascd.msk.u32 $0xffff, v7, v7;
	v7 =	vnsel vm0, $0x0, v11;
	v14 =	vandn.u32 $0xFFFFFFC0, v18  }
0x406: {  	v20 =	vld [tilespmem:s30+$0xC0];
	v8, _, _ =	vpop (xrf2);
	v12 =	vandn.u32 $0xFFFFFFC0, v15;
	(xrf2) =	vadd.scan.msk.f32 $0xffff, v7;
	v7 =	vnsel vm0, $0x0, v14  }
0x407: {  	v6 =	vand.u32 $0xFFFFFFC0, v6;
	v8 =	vbroadcast v8, $0xF;
	v21 =	vnsel vm0, $0x0, v12;
	(xrf2) =	vadd.scan.msk.f32 $0xffff, v7;
	v7 =	vld [tilespmem:s30+$0xFFFFFF20]  }
0x408: {  	v6 =	vor.u32 v1, v6;
	v13 =	vandn.u32 $0xFFFFFFC0, v16;
	(xrf2) =	vadd.scan.msk.f32 $0xffff, v21;
	v21 =	vld [tilespmem:s30+$0xFFFFFF60]  }
0x409: {  	v23 =	vld [tilespmem:s30+$0x20];
	v5 =	vand.u32 $0xFFFFFFC0, v5;
	(erf) = vrcp.f32 v8;
	v8 =	vnsel vm0, $0x0, v13;
	(xrf1) =	vsort.ascd.msk.u32 $0xffff, v6, v6  }
0x40a: {  	v19 =	vand.u32 $0xFFFFFFC0, v19;
	v5 =	vxor.u32 v4, v5;
	(xrf2) =	vadd.scan.msk.f32 $0xffff, v8;
	v8 =	vld [tilespmem:s30+$0xFFFFFFE0]  }
0x40b: {  	v24 =	vld [tilespmem:s30+$0xFFFFFF50];
	v19 =	vor.u32 v2, v19;
	v6 =	vand.u32 $0xFFFFFFC0, v20;
	(xrf1) =	vsort.ascd.msk.u32 $0xffff, v5, v5  }
0x40c: {  	v6 =	vxor.u32 v3, v6;
	(xrf1) =	vsort.ascd.msk.u32 $0xffff, v19, v19;
	v5 =	vand.u32 $0xFFFFFFC0, v7;
	v7 =	vld [tilespmem:s30+$0x60]  }
0x40d: {  	v20 =	vld [tilespmem:s30+$0xA0];
	(xrf1) =	vsort.ascd.msk.u32 $0xffff, v6, v6;
	v5 =	vxor.u32 v4, v5;
	v19 =	vand.u32 $0xFFFFFFC0, v21  }
0x40e: {  	v21 =	vld [tilespmem:s30+$0xFFFFFF10];
	v6 =	vxor.u32 v4, v19;
	v19 =	vand.u32 $0xFFFFFFC0, v22;
	(xrf1) =	vsort.ascd.msk.u32 $0xffff, v5, v5  }
0x40f: {  	v25 =	vld [tilespmem:s30+$0xFFFFFF70];
	v8 =	vand.u32 $0xFFFFFFC0, v8;
	v19 =	vxor.u32 v4, v19;
	(xrf1) =	vsort.ascd.msk.u32 $0xffff, v6, v6  }
0x410: {  	v23 =	vand.u32 $0xFFFFFFC0, v23;
	v5 =	vld [tilespmem:s30+$0xFFFFFF30];
	v8 =	vxor.u32 v4, v8;
	(xrf1) =	vsort.ascd.msk.u32 $0xffff, v19, v19  }
0x411: {  	v26 =	vld [tilespmem:s30+$0xFFFFFF90];
	v23 =	vxor.u32 v4, v23;
	v7 =	vand.u32 $0xFFFFFFC0, v7;
	(xrf1) =	vsort.ascd.msk.u32 $0xffff, v8, v8  }
0x412: {  	v27 =	vld [tilespmem:s30+$0xFFFFFFB0];
	v8 =	vand.u32 $0xFFFFFFC0, v20;
	v7 =	vxor.u32 v4, v7;
	(xrf1) =	vsort.ascd.msk.u32 $0xffff, v23, v23  }
0x413: {  	v19, _, _ =	vpop (xrf1);
	v23 =	vand.u32 $0xFFFFFFC0, v21;
	v8 =	vxor.u32 v4, v8;
	(xrf1) =	vsort.ascd.msk.u32 $0xffff, v7, v7  }
0x414: {  	v24 =	vand.u32 $0xFFFFFFC0, v24;
	v20, _, _ =	vpop (xrf1);
	v7 =	vor.u32 v1, v23;
	(xrf1) =	vsort.ascd.msk.u32 $0xffff, v8, v8  }
0x415: {  	v28 =	vld [tilespmem:s30+$0xFFFFFFD0];
	v23 =	vand.u32 $0xFFFFFFC0, v5;
	(xrf1) =	vsort.ascd.msk.u32 $0xffff, v7, v7;
	v7 =	vor.u32 v1, v24;
	v24 =	vand.u32 $0xFFFFFFC0, v25  }
0x416: {  	v26 =	vand.u32 $0xFFFFFFC0, v26;
	v23 =	vor.u32 v2, v23;
	v24 =	vor.u32 v2, v24  }
0x417: {  	v29 =	vld [tilespmem:s30+$0x30];
	v27 =	vand.u32 $0xFFFFFFC0, v27;
	v26 =	vor.u32 v1, v26;
	(xrf1) =	vsort.ascd.msk.u32 $0xffff, v23, v23  }
0x418: {  	v30 =	vld [tilespmem:s30+$0x50];
	v27 =	vor.u32 v2, v27;
	v21, _, _ =	vpop (xrf1);
	(xrf1) =	vsort.ascd.msk.u32 $0xffff, v7, v7  }
0x419: {  	v25 =	vld [tilespmem:s30+$0xFFFFFFF0];
	(xrf1) =	vsort.ascd.msk.u32 $0xffff, v24, v24;
	v24, _, _ =	vpop (xrf1)  }
0x41a: {  	v28 =	vand.u32 $0xFFFFFFC0, v28;
	v7 =	vld [tilespmem:s30+$0x10];
	(xrf1) =	vsort.ascd.msk.u32 $0xffff, v26, v26;
	v26, _, _ =	vpop (xrf1)  }
0x41b: {  	v31 =	vld [tilespmem:s30+$0x70];
	v28 =	vor.u32 v1, v28;
	(xrf1) =	vsort.ascd.msk.u32 $0xffff, v27, v27;
	v26 =	vxor.u32 $0xFFFFFFFF, v26;
	v27, _, _ =	vpop (xrf1)  }
0x41c: {  	v24 =	vxor.u32 $0xFFFFFFFF, v24;
	(xrf1) =	vsort.ascd.msk.u32 $0xffff, v28, v28;
	v26 =	vsel vm0, v26, v27;
	v27, _, _ =	vpop (xrf1)  }
0x41d: {  	v28 =	vld [tilespmem:s30+$0x90];
	v24 =	vsel vm0, v27, v24;
	v27, _, _ =	vpop (xrf1);
	(xrf1) =	vsort.ascd.msk.u32 $0xffff, v26, v26  }
0x41e: {  	v29 =	vand.u32 $0xFFFFFFC0, v29;
	v25 =	vand.u32 $0xFFFFFFC0, v25;
	v47, _, _ =	vpop (xrf1);
	(xrf1) =	vsort.ascd.msk.u32 $0xffff, v24, v24;
	v24 =	vld [tilespmem:s30+$0xFFFFFF40]  }
0x41f: {  	v30 =	vand.u32 $0xFFFFFFC0, v30;
	v25 =	vor.u32 v2, v25;
	v7 =	vand.u32 $0xFFFFFFC0, v7;
	v26 =	vld [tilespmem:s30+$0xB0]  }
0x420: {  	v31 =	vand.u32 $0xFFFFFFC0, v31;
	v30 =	vor.u32 v1, v30;
	v7 =	vor.u32 v1, v7;
	v48, _, _ =	vpop (xrf1);
	(xrf1) =	vsort.ascd.msk.u32 $0xffff, v25, v25;
	v25 =	vld [tilespmem:s30+$0xFFFFFF80]  }
0x421: {  	v29 =	vor.u32 v2, v29;
	v31 =	vor.u32 v2, v31;
	v34, _, _ =	vpop (xrf1);
	(xrf1) =	vsort.ascd.msk.u32 $0xffff, v7, v7;
	v7 =	vld [tilespmem:s30+$0xFFFFFFC0]  }
0x422: {  	v35, _, _ =	vpop (xrf1);
	(xrf1) =	vsort.ascd.msk.u32 $0xffff, v29, v29;
	v29 =	vld [tilespmem:s30+$0x0]  }
0x423: {  	v36 =	vld [tilespmem:s30+$0xFFFFFF00];
	v28 =	vand.u32 $0xFFFFFFC0, v28;
	(xrf1) =	vsort.ascd.msk.u32 $0xffff, v30, v30;
	v30, _, _ =	vpop (xrf1);
	v24 =	vand.u32 $0xFFFFFFC0, v24  }
0x424: {  	v37 =	vld [tilespmem:s30+$0x40];
	v28 =	vor.u32 v1, v28;
	v26 =	vand.u32 $0xFFFFFFC0, v26;
	(xrf1) =	vsort.ascd.msk.u32 $0xffff, v31, v31;
	v31, _, _ =	vpop (xrf1);
	v24 =	vxor.u32 v3, v24  }
0x425: {  	v26 =	vor.u32 v2, v26;
	v38, _, _ =	vpop (xrf1);
	(xrf1) =	vsort.ascd.msk.u32 $0xffff, v28, v28;
	v28 =	vld [tilespmem:s30+$0x80]  }
0x426: {  	v25 =	vand.u32 $0xFFFFFFC0, v25;
	v39, _, _ =	vpop (xrf1);
	(xrf1) =	vsort.ascd.msk.u32 $0xffff, v26, v26  }
0x427: {  	v25 =	vxor.u32 v3, v25;
	v7 =	vand.u32 $0xFFFFFFC0, v7;
	(xrf1) =	vsort.ascd.msk.u32 $0xffff, v24, v24;
	v26 =	vand.u32 $0xFFFFFFC0, v29;
	v24, _, _ =	vpop (xrf1)  }
0x428: {  	v7 =	vxor.u32 v3, v7;
	v29, _, _ =	vpop (xrf1);
	(xrf1) =	vsort.ascd.msk.u32 $0xffff, v25, v25;
	v25 =	vxor.u32 v3, v26;
	v26 =	vand.u32 $0xFFFFFFC0, v36  }
0x429: {  	(xrf1) =	vsort.ascd.msk.u32 $0xffff, v7, v7;
	v7 =	vand.u32 $0xFFFFFFC0, v37;
	v26 =	vxor.u32 v3, v26  }
0x42a: {  	v49, _, _ =	vpop (xrf1);
	(xrf1) =	vsort.ascd.msk.u32 $0xffff, v25, v25;
	v7 =	vxor.u32 v3, v7;
	v25 =	vand.u32 $0xFFFFFFC0, v28  }
0x42b: {  	v50, _, _ =	vpop (xrf1);
	v25 =	vxor.u32 v3, v25  }
0x42c: {  	(xrf1) =	vsort.ascd.msk.u32 $0xffff, v26, v26;
	v26, _, _ =	vpop (xrf1)  }
0x42d: {  	v27 =	vxor.u32 $0xFFFFFFFF, v27;
	(xrf1) =	vsort.ascd.msk.u32 $0xffff, v7, v7;
	v7, _, _ =	vpop (xrf1)  }
0x42e: {  	v27 =	vsel vm0, v27, v39;
	(xrf1) =	vsort.ascd.msk.u32 $0xffff, v25, v25;
	v7 =	vxor.u32 $0xFFFFFFFF, v7;
	v25, _, _ =	vpop (xrf1)  }
0x42f: {  	v6, _, _ =	vpop (xrf2);
	(xrf1) =	vsort.ascd.msk.u32 $0xffff, v27, v27;
	v27 =	vxor.u32 $0xFFFFFFFF, v47;
	v7 =	vsel vm0, v25, v7  }
0x430: {  	v25, _, _ =	vpop (xrf1);
	v27 =	vsel vm0, v27, v29;
	(xrf1) =	vsort.ascd.msk.u32 $0xffff, v7, v7;
	v7 =	vxor.u32 $0xFFFFFFFF, v48  }
0x431: {  	v51 =	vxor.u32 $0xFFFFFFFF, v34;
	v28, _, _ =	vpop (xrf1);
	v7 =	vsel vm0, v7, v50  }
0x432: {  	v52 =	vxor.u32 $0xFFFFFFFF, v35;
	v25 =	vsel vm0, v51, v25;
	v29, _, _ =	vpop (xrf1)  }
0x433: {  	(xrf1) =	vsort.ascd.msk.u32 $0xffff, v27, v27;
	v27, _, _ =	vpop (xrf1);
	v29 =	vsel vm0, v52, v29  }
0x434: {  	v6 =	vbroadcast v6, $0xF;
	(xrf1) =	vsort.ascd.msk.u32 $0xffff, v7, v7;
	v7, _, _ =	vpop (xrf1)  }
0x435: {  	(xrf1) =	vsort.ascd.msk.u32 $0xffff, v25, v25;
	v25, _, _ =	vpop (xrf1)  }
0x436: {  	(erf) = vrcp.f32 v6;
	v30 =	vxor.u32 $0xFFFFFFFF, v30;
	(xrf1) =	vsort.ascd.msk.u32 $0xffff, v29, v29;
	v29, _, _ =	vpop (xrf1)  }
0x437: {  	v31 =	vxor.u32 $0xFFFFFFFF, v31;
	v6 =	vxor.u32 $0xFFFFFFFF, v24;
	v7 =	vsel vm0, v30, v7;
	v24, _, _ =	vpop (xrf1)  }
0x438: {  	v22 =	vpop (erf);
	(xrf1) =	vsort.ascd.msk.u32 $0xffff, v7, v7;
	v7 =	vsel vm0, v31, v29;
	v6 =	vsel vm0, v24, v6  }
0x439: {  	v5, _, _ =	vpop (xrf2);
	(xrf1) =	vsort.ascd.msk.u32 $0xffff, v7, v7;
	v7 =	vxor.u32 $0xFFFFFFFF, v26  }
0x43a: {  	v24, _, _ =	vpop (xrf1);
	v26 =	vxor.u32 $0xFFFFFFFF, v28  }
0x43b: {  	v29 =	vxor.u32 $0xFFFFFFFF, v49;
	(xrf1) =	vsort.ascd.msk.u32 $0xffff, v6, v6;
	v6, _, _ =	vpop (xrf1)  }
0x43c: {  	v24 =	vsel vm0, v24, v29;
	v6 =	vsel vm0, v6, v7;
	v7, _, _ =	vpop (xrf1)  }
0x43d: {  	(xrf1) =	vsort.ascd.msk.u32 $0xffff, v24, v24;
	v24 =	vxor.u32 $0xFFFFFFFF, v38;
	v7 =	vsel vm0, v7, v26;
	v26, _, _ =	vpop (xrf1)  }
0x43e: {  	v8, _, _ =	vpop (xrf2);
	(xrf1) =	vsort.ascd.msk.u32 $0xffff, v6, v6;
	v6 =	vsel vm0, v26, v24  }
0x43f: {  	v23, _, _ =	vpop (xrf2);
	v24 =	vxor.u32 $0xFFFFFFFF, v27  }
0x440: {  	(xrf1) =	vsort.ascd.msk.u32 $0xffff, v7, v7;
	v7, _, _ =	vpop (xrf1)  }
0x441: {  	(xrf1) =	vsort.ascd.msk.u32 $0xffff, v6, v6;
	v6, _, _ =	vpop (xrf1)  }
0x442: {  	v7 =	vsel vm0, v7, v24;
	v24, _, _ =	vpop (xrf1)  }
0x443: {  	v26 =	vxor.u32 $0xFFFFFFFF, v25;
	v25, _, _ =	vpop (xrf1)  }
0x444: {  	v28, _, _ =	vpop (xrf1)  }
0x445: {  	s31 =	simm.s32 $0xC38;
	(xrf1) =	vsort.ascd.msk.u32 $0xffff, v7, v7;
	v6 =	vsel vm0, v6, v26;
	v26 =	vandn.u32 $0xFFFFFFC0, v25;
	v53, _, _ =	vpop (xrf1)  }
0x446: {  	v54 =	vadd.s32 s31, v0;
	s21 =	simm.s32 $0xC18;
	(xrf1) =	vsort.ascd.msk.u32 $0xffff, v6, v6;
	v6 =	vnsel vm0, $0x0, v26;
	v56, _, _ =	vpop (xrf1)  }
0x447: {  	v57 =	vadd.s32 s21, v0;
	(xrf2) =	vadd.scan.msk.f32 $0xffff, v6;
	v59, _, _ =	vpop (xrf1)  }
0x448: {  	v10 =	vand.u32 $0x3F, v10;
	v17 =	vand.u32 $0x3F, v17;
	v55 =	vbroadcast v5, $0xF;
	v61, _, _ =	vpop (xrf1)  }
0x449: {  	v15 =	vand.u32 $0x3F, v15;
	v60 =	vbroadcast v8, $0xF;
	v23 =	vbroadcast v23, $0xF;
	v62, _, _ =	vpop (xrf1)  }
0x44a: {  	s1 =	simm.s32 $0xC08;
	v22 =	vmul.f32 v9, v22;
	(erf) = vrcp.f32 v55;
	v9 =	vxor.u32 $0xFFFFFFFF, v28;
	v28, _, _ =	vpop (xrf1)  }
0x44b: {  	s10 =	simm.s32 $0xC10;
	[tilespmem:v54+s14+$0x0] =	vst.idx.msk $0xff, v10;
	(erf) = vrcp.f32 v60;
	v30 =	vadd.s32 s1, v0;
	v27 =	vpop (erf);
	v28 =	vsel vm0, v28, v9  }
0x44c: {  	v31 =	vor.u32 s10, v0;
	(erf) = vrcp.f32 v23;
	v6 =	vandn.u32 $0xFFFFFFC0, v19;
	v63, _, _ =	vpop (xrf1);
	(xrf1) =	vsort.ascd.msk.u32 $0xffff, v28, v28  }
0x44d: {  	[tilespmem:v54+s15+$0x0] =	vst.idx.msk $0xff, v22;
	v7 =	vandn.u32 $0xFFFFFFC0, v20;
	v58 =	vnsel vm0, $0x0, v6;
	v22 =	vxor.u32 $0xFFFFFFFF, v56;
	v23, _, _ =	vpop (xrf1)  }
0x44e: {  	s0 =	simm.s32 $0xC00;
	v40 =	vnsel vm0, $0x0, v7;
	v10 =	vxor.u32 $0xFFFFFFFF, v53;
	(xrf2) =	vadd.scan.msk.f32 $0xffff, v58;
	v22 =	vsel vm0, v23, v22;
	v28, _, _ =	vpop (xrf1)  }
0x44f: {  	s23 =	simm.s32 $0xC28;
	v29 =	vor.u32 s0, v0;
	v24 =	vxor.u32 $0xFFFFFFFF, v24;
	(xrf2) =	vadd.scan.msk.f32 $0xffff, v40;
	v10 =	vsel vm0, v63, v10;
	v23, _, _ =	vpop (xrf1)  }
0x450: {  	s22 =	simm.s32 $0xC20;
	v8 =	vadd.s32 s23, v0;
	[tilespmem:v30+s14+$0x0] =	vst.idx.msk $0xff, v17;
	(xrf1) =	vsort.ascd.msk.u32 $0xffff, v10, v10;
	v17 =	vsel vm0, v23, v24  }
0x451: {  	v18 =	vand.u32 $0x3F, v18;
	v5 =	vor.u32 s22, v0;
	v10 =	vxor.u32 $0xFFFFFFFF, v59;
	(xrf1) =	vsort.ascd.msk.u32 $0xffff, v22, v22;
	v22, _, _ =	vpop (xrf2)  }
0x452: {  	[tilespmem:v31+s14+$0x0] =	vst.idx.msk $0xff, v15;
	v10 =	vsel vm0, v28, v10;
	v22 =	vbroadcast v22, $0xF;
	(xrf1) =	vsort.ascd.msk.u32 $0xffff, v17, v17  }
0x453: {  	v11 =	vmul.f32 v11, v27;
	v23 =	vxor.u32 $0xFFFFFFFF, v61;
	v17, _, _ =	vpop (xrf1);
	(xrf1) =	vsort.ascd.msk.u32 $0xffff, v10, v10;
	v10 =	vand.u32 $0x3F, v16  }
0x454: {  	[tilespmem:v29+s14+$0x0] =	vst.idx.msk $0xff, v18;
	v18 =	vpop (erf);
	(erf) = vrcp.f32 v22;
	v16 =	vand.u32 $0x3F, v19;
	v19 =	vand.u32 $0x3F, v20  }
0x455: {  	v14 =	vmul.f32 v14, v18;
	v17 =	vsel vm0, v17, v23;
	v15, _, _ =	vpop (xrf1);
	[tilespmem:v8+s14+$0x0] =	vst.idx.msk $0xff, v19;
	v19 =	vxor.u32 $0xFFFFFFFF, v62  }
0x456: {  	[tilespmem:v30+s15+$0x0] =	vst.idx.msk $0xff, v11;
	(xrf1) =	vsort.ascd.msk.u32 $0xffff, v17, v17;
	v11 =	vsel vm0, v15, v19  }
0x457: {  	[tilespmem:v5+s14+$0x0] =	vst.idx.msk $0xff, v16;
	v16 =	vpop (erf);
	(xrf1) =	vsort.ascd.msk.u32 $0xffff, v11, v11  }
0x458: {  	s24 =	simm.s32 $0xC30;
	v17, _, _ =	vpop (xrf2)  }
0x459: {  	s26 =	simm.s32 $0xC78;
	v9 =	vor.u32 s24, v0;
	v20 =	vand.u32 $0x3F, v21;
	[tilespmem:v57+s14+$0x0] =	vst.idx.msk $0xff, v10;
	v10 =	vandn.u32 $0xFFFFFFC0, v21;
	v18 =	vpop (erf)  }
0x45a: {  	[tilespmem:v29+s15+$0x0] =	vst.idx.msk $0xff, v14;
	v28 =	vnsel vm0, $0x0, v10;
	v19 =	vadd.s32 s26, v0;
	v15 =	vmul.f32 v13, v18;
	v14, _, _ =	vpop (xrf1)  }
0x45b: {  	v16 =	vmul.f32 v12, v16;
	v17 =	vbroadcast v17, $0xF;
	v12, _, _ =	vpop (xrf2);
	v23 =	vandn.u32 $0xFFFFFFC0, v14  }
0x45c: {  	(xrf2) =	vadd.scan.msk.f32 $0xffff, v28;
	v18 =	vbroadcast v12, $0xF;
	[tilespmem:v57+s15+$0x0] =	vst.idx.msk $0xff, v15;
	v15 =	vnsel vm0, $0x0, v23  }
0x45d: {  	s25 =	simm.s32 $0xC48;
	[tilespmem:v31+s15+$0x0] =	vst.idx.msk $0xff, v16;
	v16 =	vand.u32 $0x3F, v25;
	(erf) = vrcp.f32 v17;
	v27 =	vand.u32 $0x3F, v14;
	v14 =	vpop (erf)  }
0x45e: {  	s21 =	simm.s32 $0xC40;
	s22 =	simm.s32 $0xC60;
	[tilespmem:v9+s14+$0x0] =	vst.idx.msk $0xff, v20;
	v20 =	vadd.s32 s25, v0;
	(erf) = vrcp.f32 v18;
	v18 =	vmul.f32 v26, v14;
	v14, _, _ =	vpop (xrf1)  }
0x45f: {  	s29 =	simm.s32 $0xC58;
	s31 =	simm.s32 $0xC70;
	s30 =	simm.s32 $0xC68;
	v24 =	vor.u32 s22, v0;
	v13 =	vor.u32 s21, v0;
	(xrf2) =	vadd.scan.msk.f32 $0xffff, v15;
	v15, _, _ =	vpop (xrf1)  }
0x460: {  	s28 =	simm.s32 $0xC50;
	v22 =	vadd.s32 s30, v0;
	v21 =	vor.u32 s31, v0;
	v11 =	vadd.s32 s29, v0;
	[tilespmem:v19+s14+$0x0] =	vst.idx.msk $0xff, v16;
	v16, _, _ =	vpop (xrf1)  }
0x461: {  	v12 =	vor.u32 s28, v0;
	v17 =	vand.u32 $0x3F, v14;
	[tilespmem:v19+s15+$0x0] =	vst.idx.msk $0xff, v18;
	v18 =	vand.u32 $0x3F, v16  }
0x462: {  	v14 =	vandn.u32 $0xFFFFFFC0, v14;
	v26 =	vand.u32 $0x3F, v15;
	v15 =	vandn.u32 $0xFFFFFFC0, v15  }
0x463: {  	[tilespmem:v20+s14+$0x0] =	vst.idx.msk $0xff, v27;
	v29 =	vnsel vm0, $0x0, v14;
	v16 =	vandn.u32 $0xFFFFFFC0, v16;
	v28 =	vnsel vm0, $0x0, v15;
	v19, _, _ =	vpop (xrf1)  }
0x464: {  	s23 =	simm.s32 $0x6500;
	s22 =	simm.s32 $0x8;
	v30 =	vnsel vm0, $0x0, v16;
	[tilespmem:v13+s14+$0x0] =	vst.idx.msk $0xff, v18;
	v27 =	vand.u32 $0x3F, v19;
	v25 =	vandn.u32 $0xFFFFFFC0, v19;
	v18, _, _ =	vpop (xrf1)  }
.LBB2_8:
0x465: {  	v31 =	vld [tilespmem:s23+$0xD0];
	v19 =	vnsel vm0, $0x0, v25;
	v32 =	vand.u32 $0x3F, v18;
	v33 =	vandn.u32 $0xFFFFFFC0, v18;
	(xrf2) =	vadd.scan.msk.f32 $0xffff, v30;
	v30, _, _ =	vpop (xrf1)  }
0x466: {  	s22 =	sadd.s32 $0x8, s22;
	v34 =	vld [tilespmem:s23+$0xE0];
	[tilespmem:v12+s14+$0x0] =	vst.idx.msk $0xff, v17;
	v18 =	vnsel vm0, $0x0, v33;
	v35 =	vand.u32 $0x3F, v30;
	v30 =	vandn.u32 $0xFFFFFFC0, v30;
	v36, _, _ =	vpop (xrf2)  }
0x467: {  	p0 =	slt.u32 s22, $0x78;
	v37 =	vld [tilespmem:s23+$0xF0];
	[tilespmem:v11+s14+$0x0] =	vst.idx.msk $0xff, v26;
	v17 =	vnsel vm0, $0x0, v30;
	v26 =	vbroadcast v36, $0xF;
	v36 =	vpop (erf)  }
0x468: {  	v38 =	vld [tilespmem:s23+$0xC0];
	[tilespmem:v24+s14+$0x0] =	vst.idx.msk $0xff, v27;
	(xrf2) =	vadd.scan.msk.f32 $0xffff, v29;
	v27 =	vmul.f32 v6, v36;
	v29 =	vpop (erf);
	v6 =	vmov v25  }
0x469: {  	v25 =	vld [tilespmem:s23+$0xFFFFFF20];
	[tilespmem:v22+s14+$0x0] =	vst.idx.msk $0xff, v32;
	v29 =	vmul.f32 v7, v29;
	v7 =	vmov v33  }
0x46a: {  	v32 =	vld [tilespmem:s23+$0xFFFFFF60];
	v33 =	vand.u32 $0xFFFFFFC0, v31;
	[tilespmem:v5+s15+$0x0] =	vst.idx.msk $0xff, v27;
	(erf) = vrcp.f32 v26;
	v5 =	vmov v24  }
0x46b: {  	v24 =	vld [tilespmem:s23+$0xFFFFFFA0];
	v26 =	vor.u32 v1, v33;
	v27 =	vand.u32 $0xFFFFFFC0, v34;
	v31, _, _ =	vpop (xrf2);
	(xrf2) =	vadd.scan.msk.f32 $0xffff, v28;
	[tilespmem:v8+s15+$0x0] =	vst.idx.msk $0xff, v29  }
0x46c: {  	v8 =	vmovc v22;
	v28 =	vld [tilespmem:s23+$0xFFFFFFE0];
	v29 =	vand.u32 $0xFFFFFFC0, v37;
	v27 =	vxor.u32 v4, v27;
	(xrf1) =	vsort.ascd.msk.u32 $0xffff, v26, v26;
	v26 =	vbroadcast v31, $0xF  }
0x46d: {  	v22 =	vld [tilespmem:s23+$0x20];
	v34 =	vand.u32 $0xFFFFFFC0, v38;
	v29 =	vor.u32 v2, v29;
	(xrf1) =	vsort.ascd.msk.u32 $0xffff, v27, v27;
	[tilespmem:v21+s14+$0x0] =	vst.idx.msk $0xff, v35  }
0x46e: {  	v25 =	vand.u32 $0xFFFFFFC0, v25;
	v27 =	vld [tilespmem:s23+$0x60];
	v33 =	vxor.u32 v3, v34;
	(xrf1) =	vsort.ascd.msk.u32 $0xffff, v29, v29;
	(erf) = vrcp.f32 v26  }
0x46f: {  	v25 =	vxor.u32 v4, v25;
	v26 =	vand.u32 $0xFFFFFFC0, v32;
	v29 =	vld [tilespmem:s23+$0xA0];
	(xrf1) =	vsort.ascd.msk.u32 $0xffff, v33, v33;
	v31, _, _ =	vpop (xrf2)  }
0x470: {  	v32 =	vld [tilespmem:s23+$0xFFFFFF10];
	v26 =	vxor.u32 v4, v26;
	v34 =	vand.u32 $0xFFFFFFC0, v24;
	(xrf1) =	vsort.ascd.msk.u32 $0xffff, v25, v25;
	v25 =	vbroadcast v31, $0xF  }
0x471: {  	v31 =	vld [tilespmem:s23+$0xFFFFFF30];
	v33 =	vxor.u32 v4, v34;
	v28 =	vand.u32 $0xFFFFFFC0, v28;
	(xrf1) =	vsort.ascd.msk.u32 $0xffff, v26, v26  }
0x472: {  	v26 =	vld [tilespmem:s23+$0xFFFFFF50];
	v28 =	vxor.u32 v4, v28;
	v22 =	vand.u32 $0xFFFFFFC0, v22;
	(xrf1) =	vsort.ascd.msk.u32 $0xffff, v33, v33;
	v24, _, _ =	vpop (xrf2)  }
0x473: {  	v33 =	vld [tilespmem:s23+$0xFFFFFF70];
	v34 =	vxor.u32 v4, v22;
	v36 =	vand.u32 $0xFFFFFFC0, v27;
	(xrf1) =	vsort.ascd.msk.u32 $0xffff, v28, v28;
	v22 =	vbroadcast v24, $0xF;
	v24 =	vpop (erf)  }
0x474: {  	v28 =	vld [tilespmem:s23+$0xFFFFFF90];
	v35 =	vxor.u32 v4, v36;
	v29 =	vand.u32 $0xFFFFFFC0, v29;
	(xrf1) =	vsort.ascd.msk.u32 $0xffff, v34, v34;
	v34 =	vmul.f32 v10, v24  }
0x475: {  	v10 =	vmov v30;
	v24 =	vand.u32 $0xFFFFFFC0, v32;
	v32 =	vld [tilespmem:s23+$0xFFFFFFB0];
	v29 =	vxor.u32 v4, v29;
	(xrf1) =	vsort.ascd.msk.u32 $0xffff, v35, v35;
	v27, _, _ =	vpop (xrf2)  }
0x476: {  	v36 =	vor.u32 v1, v24;
	v31 =	vand.u32 $0xFFFFFFC0, v31;
	v35 =	vld [tilespmem:s23+$0xFFFFFFD0];
	(xrf1) =	vsort.ascd.msk.u32 $0xffff, v29, v29;
	v24 =	vbroadcast v27, $0xF  }
0x477: {  	v27 =	vor.u32 v2, v31;
	v26 =	vand.u32 $0xFFFFFFC0, v26;
	v29 =	vld [tilespmem:s23+$0xFFFFFFF0];
	(xrf1) =	vsort.ascd.msk.u32 $0xffff, v36, v36;
	v30 =	vpop (erf);
	[tilespmem:v9+s15+$0x0] =	vst.idx.msk $0xff, v34  }
0x478: {  	v34 =	vor.u32 v1, v26;
	v36 =	vand.u32 $0xFFFFFFC0, v33;
	v31 =	vld [tilespmem:s23+$0x10];
	(xrf1) =	vsort.ascd.msk.u32 $0xffff, v27, v27;
	v23 =	vmul.f32 v23, v30  }
0x479: {  	v9 =	vmovc v21;
	v33 =	vor.u32 v2, v36;
	v27 =	vand.u32 $0xFFFFFFC0, v28;
	v28 =	vld [tilespmem:s23+$0x30];
	(xrf1) =	vsort.ascd.msk.u32 $0xffff, v34, v34  }
0x47a: {  	v34 =	vor.u32 v1, v27;
	v27 =	vand.u32 $0xFFFFFFC0, v32;
	v30 =	vld [tilespmem:s23+$0x50];
	(xrf1) =	vsort.ascd.msk.u32 $0xffff, v33, v33;
	v26, _, _ =	vpop (xrf1);
	[tilespmem:v20+s15+$0x0] =	vst.idx.msk $0xff, v23  }
0x47b: {  	v33 =	vor.u32 v2, v27;
	v23 =	vand.u32 $0xFFFFFFC0, v35;
	v27 =	vld [tilespmem:s23+$0x70];
	(xrf1) =	vsort.ascd.msk.u32 $0xffff, v34, v34;
	v21, _, _ =	vpop (xrf1)  }
0x47c: {  	v23 =	vor.u32 v1, v23;
	v29 =	vand.u32 $0xFFFFFFC0, v29;
	v32 =	vld [tilespmem:s23+$0x90];
	v34 =	vxor.u32 $0xFFFFFFFF, v21;
	(xrf1) =	vsort.ascd.msk.u32 $0xffff, v33, v33;
	v20, _, _ =	vpop (xrf1)  }
0x47d: {  	v35 =	vxor.u32 $0xFFFFFFFF, v26;
	v31 =	vand.u32 $0xFFFFFFC0, v31;
	v33 =	vld [tilespmem:s23+$0xB0];
	v20 =	vsel vm0, v34, v20;
	(xrf1) =	vsort.ascd.msk.u32 $0xffff, v23, v23;
	v21, _, _ =	vpop (xrf1)  }
0x47e: {  	v29 =	vor.u32 v2, v29;
	v23 =	vld [tilespmem:s23+$0xFFFFFF40];
	v28 =	vand.u32 $0xFFFFFFC0, v28;
	v21 =	vsel vm0, v21, v35;
	v26, _, _ =	vpop (xrf1);
	(xrf1) =	vsort.ascd.msk.u32 $0xffff, v20, v20  }
0x47f: {  	v31 =	vor.u32 v1, v31;
	v20 =	vld [tilespmem:s23+$0xFFFFFF80];
	v28 =	vor.u32 v2, v28;
	v30 =	vand.u32 $0xFFFFFFC0, v30;
	v34, _, _ =	vpop (xrf1);
	(xrf1) =	vsort.ascd.msk.u32 $0xffff, v21, v21  }
0x480: {  	v21 =	vxor.u32 $0xFFFFFFFF, v26;
	v26 =	vld [tilespmem:s23+$0xFFFFFFC0];
	v30 =	vor.u32 v1, v30;
	v27 =	vand.u32 $0xFFFFFFC0, v27;
	v35, _, _ =	vpop (xrf1);
	(xrf1) =	vsort.ascd.msk.u32 $0xffff, v29, v29  }
0x481: {  	v29 =	vxor.u32 $0xFFFFFFFF, v34;
	v34 =	vld [tilespmem:s23+$0x0];
	v27 =	vor.u32 v2, v27;
	v32 =	vand.u32 $0xFFFFFFC0, v32;
	v36, _, _ =	vpop (xrf1);
	(xrf1) =	vsort.ascd.msk.u32 $0xffff, v31, v31  }
0x482: {  	v31 =	vxor.u32 $0xFFFFFFFF, v35;
	v35 =	vld [tilespmem:s23+$0x40];
	v32 =	vor.u32 v1, v32;
	v33 =	vand.u32 $0xFFFFFFC0, v33;
	v37, _, _ =	vpop (xrf1);
	(xrf1) =	vsort.ascd.msk.u32 $0xffff, v28, v28  }
0x483: {  	v28 =	vxor.u32 $0xFFFFFFFF, v36;
	v23 =	vand.u32 $0xFFFFFFC0, v23;
	v36 =	vld [tilespmem:s23+$0x80];
	v33 =	vor.u32 v2, v33;
	(xrf1) =	vsort.ascd.msk.u32 $0xffff, v30, v30;
	v30, _, _ =	vpop (xrf1)  }
0x484: {  	v37 =	vxor.u32 $0xFFFFFFFF, v37;
	v38 =	vld [tilespmem:s23+$0xFFFFFF00];
	v23 =	vxor.u32 v3, v23;
	v20 =	vand.u32 $0xFFFFFFC0, v20;
	(xrf1) =	vsort.ascd.msk.u32 $0xffff, v27, v27;
	v27, _, _ =	vpop (xrf1)  }
0x485: {  	v30 =	vxor.u32 $0xFFFFFFFF, v30;
	v20 =	vxor.u32 v3, v20;
	v26 =	vand.u32 $0xFFFFFFC0, v26;
	v39, _, _ =	vpop (xrf1);
	(xrf1) =	vsort.ascd.msk.u32 $0xffff, v32, v32  }
0x486: {  	v27 =	vxor.u32 $0xFFFFFFFF, v27;
	v26 =	vxor.u32 v3, v26;
	v32 =	vand.u32 $0xFFFFFFC0, v34;
	v34, _, _ =	vpop (xrf1);
	(xrf1) =	vsort.ascd.msk.u32 $0xffff, v33, v33  }
0x487: {  	v21 =	vsel vm0, v21, v34;
	v32 =	vxor.u32 v3, v32;
	v33 =	vand.u32 $0xFFFFFFC0, v35;
	(xrf1) =	vsort.ascd.msk.u32 $0xffff, v23, v23;
	v23, _, _ =	vpop (xrf1)  }
0x488: {  	v34 =	vxor.u32 $0xFFFFFFFF, v39;
	v33 =	vxor.u32 v3, v33;
	v35 =	vand.u32 $0xFFFFFFC0, v36;
	v36, _, _ =	vpop (xrf1);
	(xrf1) =	vsort.ascd.msk.u32 $0xffff, v20, v20  }
0x489: {  	v39 =	vand.u32 $0xFFFFFFC0, v38;
	v29 =	vsel vm0, v29, v36;
	v35 =	vxor.u32 v3, v35;
	v36, _, _ =	vpop (xrf1);
	(xrf1) =	vsort.ascd.msk.u32 $0xffff, v26, v26  }
0x48a: {  	v23 =	vxor.u32 $0xFFFFFFFF, v23;
	v38 =	vxor.u32 v3, v39;
	v26 =	vxor.u32 $0xFFFFFFFF, v36;
	v36, _, _ =	vpop (xrf1);
	(xrf1) =	vsort.ascd.msk.u32 $0xffff, v32, v32  }
0x48b: {  	v31 =	vsel vm0, v31, v36;
	(xrf1) =	vsort.ascd.msk.u32 $0xffff, v38, v38;
	v20, _, _ =	vpop (xrf1)  }
0x48c: {  	v20 =	vxor.u32 $0xFFFFFFFF, v20;
	(xrf1) =	vsort.ascd.msk.u32 $0xffff, v33, v33;
	v32, _, _ =	vpop (xrf1)  }
0x48d: {  	v32 =	vxor.u32 $0xFFFFFFFF, v32;
	(xrf1) =	vsort.ascd.msk.u32 $0xffff, v35, v35;
	v33, _, _ =	vpop (xrf1)  }
0x48e: {  	v32 =	vsel vm0, v33, v32;
	(xrf1) =	vsort.ascd.msk.u32 $0xffff, v21, v21;
	v21, _, _ =	vpop (xrf1)  }
0x48f: {  	v21 =	vsel vm0, v28, v21;
	v28, _, _ =	vpop (xrf1);
	(xrf1) =	vsort.ascd.msk.u32 $0xffff, v32, v32  }
0x490: {  	v28 =	vxor.u32 $0xFFFFFFFF, v28;
	(xrf1) =	vsort.ascd.msk.u32 $0xffff, v29, v29;
	v29, _, _ =	vpop (xrf1)  }
0x491: {  	v32 =	vsel vm0, v37, v29;
	(xrf1) =	vsort.ascd.msk.u32 $0xffff, v31, v31;
	v31, _, _ =	vpop (xrf1)  }
0x492: {  	v31 =	vxor.u32 $0xFFFFFFFF, v31;
	(xrf1) =	vsort.ascd.msk.u32 $0xffff, v21, v21;
	v21, _, _ =	vpop (xrf1)  }
0x493: {  	v30 =	vsel vm0, v30, v21;
	(xrf1) =	vsort.ascd.msk.u32 $0xffff, v32, v32;
	v29, _, _ =	vpop (xrf1)  }
0x494: {  	v29 =	vxor.u32 $0xFFFFFFFF, v29;
	(xrf1) =	vsort.ascd.msk.u32 $0xffff, v30, v30;
	v21, _, _ =	vpop (xrf1)  }
0x495: {  	v21 =	vsel vm0, v27, v21;
	v27, _, _ =	vpop (xrf1)  }
0x496: {  	v30 =	vsel vm0, v27, v23;
	v27, _, _ =	vpop (xrf1);
	(xrf1) =	vsort.ascd.msk.u32 $0xffff, v21, v21  }
0x497: {  	v26 =	vsel vm0, v27, v26;
	(xrf1) =	vsort.ascd.msk.u32 $0xffff, v30, v30;
	v23, _, _ =	vpop (xrf1)  }
0x498: {  	v20 =	vsel vm0, v23, v20;
	(xrf1) =	vsort.ascd.msk.u32 $0xffff, v26, v26;
	v21, _, _ =	vpop (xrf1)  }
0x499: {  	v26 =	vsel vm0, v21, v28;
	v23, _, _ =	vpop (xrf1);
	(xrf1) =	vsort.ascd.msk.u32 $0xffff, v20, v20  }
0x49a: {  	v27 =	vsel vm0, v23, v34;
	(xrf1) =	vsort.ascd.msk.u32 $0xffff, v26, v26;
	v21, _, _ =	vpop (xrf1);
	(erf) = vrcp.f32 v25  }
0x49b: {  	v21 =	vsel vm0, v21, v31;
	(xrf1) =	vsort.ascd.msk.u32 $0xffff, v27, v27;
	v20, _, _ =	vpop (xrf1)  }
0x49c: {  	v20 =	vsel vm0, v20, v29;
	v23, _, _ =	vpop (xrf1)  }
0x49d: {  	v23 =	vxor.u32 $0xFFFFFFFF, v23;
	(xrf1) =	vsort.ascd.msk.u32 $0xffff, v21, v21;
	v25, _, _ =	vpop (xrf1)  }
0x49e: {  	v26 =	vandn.u32 $0xFFFFFFC0, v25;
	v21, _, _ =	vpop (xrf1);
	(xrf1) =	vsort.ascd.msk.u32 $0xffff, v20, v20  }
0x49f: {  	v20 =	vxor.u32 $0xFFFFFFFF, v21;
	v21 =	vnsel vm0, $0x0, v26;
	v27, _, _ =	vpop (xrf1)  }
0x4a0: {  	v27 =	vxor.u32 $0xFFFFFFFF, v27;
	v28, _, _ =	vpop (xrf1);
	(xrf2) =	vadd.scan.msk.f32 $0xffff, v21  }
0x4a1: {  	v21 =	vxor.u32 $0xFFFFFFFF, v28;
	v28, _, _ =	vpop (xrf1)  }
0x4a2: {  	v28 =	vxor.u32 $0xFFFFFFFF, v28;
	v29, _, _ =	vpop (xrf1)  }
0x4a3: {  	v29 =	vxor.u32 $0xFFFFFFFF, v29;
	v30 =	vpop (erf);
	(xrf2) =	vadd.scan.msk.f32 $0xffff, v19  }
0x4a4: {  	v19, _, _ =	vpop (xrf1);
	v31 =	vmul.f32 v16, v30  }
0x4a5: {  	v19 =	vxor.u32 $0xFFFFFFFF, v19;
	v30, _, _ =	vpop (xrf1);
	(erf) = vrcp.f32 v22  }
0x4a6: {  	v20 =	vsel vm0, v30, v20;
	v22, _, _ =	vpop (xrf1);
	[tilespmem:v13+s15+$0x0] =	vst.idx.msk $0xff, v31;
	(erf) = vrcp.f32 v24;
	(xrf2) =	vadd.scan.msk.f32 $0xffff, v18  }
0x4a7: {  	v13 =	vsel vm0, v22, v27;
	(xrf1) =	vsort.ascd.msk.u32 $0xffff, v20, v20;
	v16, _, _ =	vpop (xrf1)  }
0x4a8: {  	v21 =	vsel vm0, v16, v21;
	v18, _, _ =	vpop (xrf1)  }
0x4a9: {  	v18 =	vsel vm0, v18, v28;
	v20, _, _ =	vpop (xrf1);
	(xrf1) =	vsort.ascd.msk.u32 $0xffff, v13, v13  }
0x4aa: {  	v20 =	vsel vm0, v20, v23;
	(xrf1) =	vsort.ascd.msk.u32 $0xffff, v21, v21;
	v16, _, _ =	vpop (xrf2)  }
0x4ab: {  	v16 =	vbroadcast v16, $0xF;
	(xrf1) =	vsort.ascd.msk.u32 $0xffff, v20, v20;
	v13, _, _ =	vpop (xrf1)  }
0x4ac: {  	v20 =	vsel vm0, v13, v29;
	(xrf1) =	vsort.ascd.msk.u32 $0xffff, v18, v18;
	v18, _, _ =	vpop (xrf1)  }
0x4ad: {  	v18 =	vsel vm0, v18, v19;
	(xrf1) =	vsort.ascd.msk.u32 $0xffff, v20, v20;
	(erf) = vrcp.f32 v16;
	v13, _, _ =	vpop (xrf2)  }
0x4ae: {  	(xrf1) =	vsort.ascd.msk.u32 $0xffff, v18, v18;
	v16 =	vbroadcast v13, $0xF;
	v13 =	vpop (erf)  }
0x4af: {  	v13 =	vmul.f32 v14, v13;
	v14 =	vpop (erf)  }
0x4b0: {  	v14 =	vmul.f32 v15, v14;
	v15, _, _ =	vpop (xrf2)  }
0x4b1: {  	s21 =	sadd.s32 $0x40, s21;
	[tilespmem:v12+s15+$0x0] =	vst.idx.msk $0xff, v13;
	v15 =	vbroadcast v15, $0xF  }
0x4b2: {  	s0 =	sadd.s32 $0x8, s21;
	s1 =	sadd.s32 $0x10, s21;
	s10 =	sadd.s32 $0x38, s21;
	v13 =	vor.u32 s21, v0;
	[tilespmem:v11+s15+$0x0] =	vst.idx.msk $0xff, v14  }
0x4b3: {  	s24 =	sadd.s32 $0x28, s21;
	v20 =	vadd.s32 s0, v0;
	s0 =	sadd.s32 $0x18, s21;
	v18 =	vadd.s32 s10, v0;
	v12 =	vor.u32 s1, v0;
	s1 =	sadd.s32 $0x20, s21;
	(xrf2) =	vadd.scan.msk.f32 $0xffff, v17  }
0x4b4: {  	v22 =	vadd.s32 s24, v0;
	v11 =	vadd.s32 s0, v0;
	v24 =	vor.u32 s1, v0;
	s0 =	sadd.s32 $0x30, s21  }
0x4b5: {  	v21 =	vor.u32 s0, v0;
	v14, _, _ =	vpop (xrf1);
	(erf) = vrcp.f32 v16  }
0x4b6: {  	v19 =	vand.u32 $0x3F, v14;
	v23 =	vandn.u32 $0xFFFFFFC0, v14;
	v14 =	vpop (erf);
	(erf) = vrcp.f32 v15  }
.Ltmp3:
0x4b7: {  	v28 =	vand.u32 $0x3F, v25;
	v27 =	vnsel vm0, $0x0, v23;
	v25 =	vmul.f32 v26, v14;
	v14, _, _ =	vpop (xrf1);
	(pc) =	sbr.rel @p0 .LBB2_8-.Ltmp3, $4  }
0x4b8: {  	v17 =	vand.u32 $0x3F, v14;
	v14 =	vandn.u32 $0xFFFFFFC0, v14;
	[tilespmem:v18+s14+$0x0] =	vst.idx.msk $0xff, v28;
	(xrf2) =	vadd.scan.msk.f32 $0xffff, v27;
	v15, _, _ =	vpop (xrf1)  }
0x4b9: {  	v29 =	vnsel vm0, $0x0, v14;
	v26 =	vand.u32 $0x3F, v15;
	v15 =	vandn.u32 $0xFFFFFFC0, v15;
	[tilespmem:v18+s15+$0x0] =	vst.idx.msk $0xff, v25;
	v16, _, _ =	vpop (xrf1)  }
0x4ba: {  	v31 =	vand.u32 $0x3F, v16;
	v16 =	vandn.u32 $0xFFFFFFC0, v16;
	[tilespmem:v20+s14+$0x0] =	vst.idx.msk $0xff, v19;
	v28 =	vnsel vm0, $0x0, v15;
	v19, _, _ =	vpop (xrf1)  }
0x4bb: {  	s23 =	sadd.s32 $0x200, s23;
	v30 =	vnsel vm0, $0x0, v16;
	[tilespmem:v13+s14+$0x0] =	vst.idx.msk $0xff, v31;
	v27 =	vand.u32 $0x3F, v19;
	v25 =	vandn.u32 $0xFFFFFFC0, v19;
	v18, _, _ =	vpop (xrf1)  }
0x4bc: {  	(xrf2) =	vadd.scan.msk.f32 $0xffff, v30  }
0x4bd: {  	(xrf2) =	vadd.scan.msk.f32 $0xffff, v29  }
0x4be: {  	(xrf2) =	vadd.scan.msk.f32 $0xffff, v28;
	_ =	sdelay $0x1  }
0x4bf: {  	v19 =	vnsel vm0, $0x0, v25;
	v45 =	vandn.u32 $0xFFFFFFC0, v18;
	v46, _, _ =	vpop (xrf1)  }
0x4c0: {  	v47 =	vnsel vm0, $0x0, v45;
	v31 =	vandn.u32 $0xFFFFFFC0, v46;
	(xrf2) =	vadd.scan.msk.f32 $0xffff, v19  }
0x4c1: {  	v48 =	vnsel vm0, $0x0, v31;
	(xrf2) =	vadd.scan.msk.f32 $0xffff, v47  }
0x4c2: {  	(xrf2) =	vadd.scan.msk.f32 $0xffff, v48  }
0x4c3: {  	v49, _, _ =	vpop (xrf2)  }
0x4c4: {  	v19 =	vbroadcast v49, $0xF;
	v50, _, _ =	vpop (xrf2)  }
0x4c5: {  	v28 =	vbroadcast v50, $0xF;
	v32, _, _ =	vpop (xrf2)  }
0x4c6: {  	(erf) = vrcp.f32 v19;
	v33, _, _ =	vpop (xrf2);
	v51 =	vbroadcast v32, $0xF  }
0x4c7: {  	(erf) = vrcp.f32 v28;
	v52, _, _ =	vpop (xrf2);
	v53 =	vbroadcast v33, $0xF  }
0x4c8: {  	v32 =	vbroadcast v52, $0xF;
	(erf) = vrcp.f32 v51  }
0x4c9: {  	v58 =	vpop (erf);
	(erf) = vrcp.f32 v53  }
0x4ca: {  	v54, _, _ =	vpop (xrf2);
	(erf) = vrcp.f32 v32  }
0x4cb: {  	v19 =	vbroadcast v54, $0xF;
	v55, _, _ =	vpop (xrf2)  }
0x4cc: {  	v6 =	vmul.f32 v6, v58;
	v28 =	vbroadcast v55, $0xF;
	v56, _, _ =	vpop (xrf2)  }
0x4cd: {  	[tilespmem:v12+s14+$0x0] =	vst.idx.msk $0xff, v17;
	v60 =	vpop (erf);
	(erf) = vrcp.f32 v19;
	v57 =	vbroadcast v56, $0xF  }
0x4ce: {  	[tilespmem:v11+s14+$0x0] =	vst.idx.msk $0xff, v26;
	v7 =	vmul.f32 v7, v60;
	(erf) = vrcp.f32 v28  }
0x4cf: {  	[tilespmem:v5+s15+$0x0] =	vst.idx.msk $0xff, v6;
	v6 =	vand.u32 $0x3F, v46;
	v61 =	vpop (erf);
	(erf) = vrcp.f32 v57  }
0x4d0: {  	[tilespmem:v8+s15+$0x0] =	vst.idx.msk $0xff, v7;
	v7 =	vmul.f32 v10, v61;
	v5 =	vpop (erf)  }
0x4d1: {  	[tilespmem:v21+s14+$0x0] =	vst.idx.msk $0xff, v6;
	v62 =	vpop (erf)  }
0x4d2: {  	[tilespmem:v9+s15+$0x0] =	vst.idx.msk $0xff, v7;
	v6 =	vpop (erf);
	v7 =	vmul.f32 v16, v62  }
0x4d3: {  	[tilespmem:v24+s14+$0x0] =	vst.idx.msk $0xff, v27;
	v5 =	vmul.f32 v23, v5;
	v63 =	vpop (erf)  }
0x4d4: {  	[tilespmem:v13+s15+$0x0] =	vst.idx.msk $0xff, v7;
	v7 =	vmul.f32 v15, v63  }
0x4d5: {  	v59 =	vand.u32 $0x3F, v18;
	[tilespmem:v20+s15+$0x0] =	vst.idx.msk $0xff, v5;
	v5 =	vmul.f32 v14, v6  }
0x4d6: {  	[tilespmem:v22+s14+$0x0] =	vst.idx.msk $0xff, v59;
	v6 =	vpop (erf)  }
0x4d7: {  	[tilespmem:v12+s15+$0x0] =	vst.idx.msk $0xff, v5;
	v5 =	vmul.f32 v25, v6;
	v6 =	vpop (erf)  }
0x4d8: {  	[tilespmem:v11+s15+$0x0] =	vst.idx.msk $0xff, v7;
	v6 =	vmul.f32 v45, v6;
	v7 =	vpop (erf)  }
0x4d9: {  	[tilespmem:v24+s15+$0x0] =	vst.idx.msk $0xff, v5;
	v5 =	vmul.f32 v31, v7  }
0x4da: {  	[tilespmem:v22+s15+$0x0] =	vst.idx.msk $0xff, v6  }
0x4db: {  	[tilespmem:v21+s15+$0x0] =	vst.idx.msk $0xff, v5  }
0x4dc: {  	[hbm4b:s7+s2] =	stream.linear.scatter [tilespmem:s14], [sflag:$0x5], $0x1000, $0x38;
	[tilespmem:$0xA000] =	vst v63  }
0x4dd: {  	s20 =	sadd.s32 $0x1, s20;
	_ =	swait.ge [sflag:s19], $0x1000  }
0x4de: {  	p0 =	sne.s32 s20, s9;
	[sflag:s19] =	ssyncset.done $0x0  }
.Ltmp4:
0x4df: {  	[sflag:s19] =	ssyncadd.s32 $0xFFFFF000;
	(pc) =	sbr.rel @p0 .LBB2_1-.Ltmp4, $4  }
0x4e0: {  	[hbm4b:s8+s2] =	stream.linear.scatter [tilespmem:s15], [sflag:$0x5], $0x1000, $0x38;
	[tilespmem:$0xA000] =	vst v63  }
0x4e1: {  	_ =	swait.ge [sflag:s19], $0x1000  }
0x4e2: {  	[sflag:s19] =	ssyncset.done $0x0  }
0x4e3: {  	[sflag:s19] =	ssyncadd.s32 $0xFFFFF000  }
0x4e4: {  	_ =	sfence.sel $0x180000  }
0x4e5: {  	[bflag:$0x0] =	sbarrier.arrive $0xFFFF  }
0x4e6: {  	_ =	strace $0x90000047  }
0x4e7: {  	s0 =	stileid.u32;
	[bflag:$0x2] =	sbarrier.arrive $0xFFFF  }
0x4e8: {  	p0 =	sne.s32 s0, $0x0;
	s0 =	rddreg [dreg:$0x2]  }
0x4e9: {  	s0 =	sadd.s32 @!p0 $0x100000, s0  }
0x4ea: {  	[sflag:s0] =	ssyncadd.tile.s32 @!p0 $0x1;
	_ =	shalt  }
.Lfunc_end2:
_tile_overlayer_lowered:
.L_overlay_start_2:
0x4eb: {  	(tag) =	ssettag $0x2  }
0x4ec: {  	s0 =	rddreg [dreg:$0x0];
	s2 =	stileid.u32  }
0x4ed: {  	s1 =	rddreg [dreg:$0x1];
	p0 =	sne.s32 s2, $0x0  }
0x4ee: {  	s3 =	rddreg [dreg:$0x2];
	[bflag:$0x3] =	sbarrier.arrive $0xFFFF;
	s2 =	simm.s32 @!p0 $0x1C05  }
0x4ef: {  	[timem:s3], [sflag:s2] =	dma.local @!p0 [hbm:s0], s1  }
0x4f0: {  	s0 =	simm.s32 @!p0 $0x5  }
0x4f1: {  	_ =	swait.ge @!p0 [sflag:s0], s1  }
0x4f2: {  	s1 =	ssub.s32 @!p0 $0x0, s1;
	[sflag:s0] =	ssyncset.done @!p0 $0x0  }
0x4f3: {  	[sflag:s0] =	ssyncadd.s32 @!p0 s1  }
0x4f4: {  	[bflag:$0x3] =	sbarrier.arrive $0xFFFF  }
0x4f5: {  	_ =	shalt  }

</sc_bundles>
